<compile_context>
chip_gen: v7x
topology: tpu7x:2x2x1
jax: 0.10.2.dev20260603
libtpu: 0.0.44.dev20260713+nightly
codegen_flags: <defaults>
</compile_context>

<pallas_src>
import functools

import jax
import jax.numpy as jnp
from jax import lax
from jax.experimental import pallas as pl
from jax.experimental.pallas import tpu as pltpu
from jax.experimental.pallas import tpu_sc as plsc

N = 10000
E = 320000
D = 128
NC = 2
NS = 16
NW = NC * NS
EPW = E // NW
BLK = 80
NBLK = EPW // BLK
EPWP = 10240
NBLKP = EPWP // BLK
NSTG = 4
DEPTH = 4
IBS = NBLKP // NSTG
NP_ = 10240
RPT = NP_ // NS
NP2 = NP_ // 8
RPT2 = NP2 // NS
BR = 2000
GRID = N // BR

@functools.cache
def _sc_kernels():
    mesh = plsc.VectorSubcoreMesh(core_axis_name="c", subcore_axis_name="s")

    @functools.partial(
        pl.kernel,
        mesh=mesh,
        out_type=jax.ShapeDtypeStruct((NC * NP_, D), jnp.float32),
        scratch_types=[
            pltpu.VMEM((IBS, BLK), jnp.int32),
            pltpu.VMEM((BLK, D), jnp.float32),
            pltpu.VMEM_SHARED((NP_, D), jnp.float32),
            pltpu.SemaphoreType.DMA,
        ],
    )
    def deg_kernel(dst_hbm, ones_hbm, zeros_hbm, out, dsti, ones_v, acc_sh, sem_s):
        c = lax.axis_index("c")
        s = lax.axis_index("s")
        wid = c * NS + s
        pltpu.sync_copy(ones_hbm, ones_v)
        pltpu.sync_copy(zeros_hbm.at[pl.ds(s * RPT, RPT)],
                        acc_sh.at[pl.ds(s * RPT, RPT)])
        plsc.subcore_barrier()

        def stage(st, carry):
            pltpu.sync_copy(dst_hbm.at[wid * NSTG + st], dsti)

            def body(i, carry2):
                scs = [
                    pltpu.async_copy(ones_v, acc_sh.at[dsti.at[4 * i + k]],
                                     sem_s, add=True)
                    for k in range(4)
                ]
                for sc in scs:
                    sc.wait()
                return carry2

            lax.fori_loop(0, IBS // 4, body, 0)
            return carry

        lax.fori_loop(0, NSTG, stage, 0)
        plsc.subcore_barrier()
        pltpu.sync_copy(acc_sh.at[pl.ds(s * RPT, RPT)],
                        out.at[pl.ds(c * NP_ + s * RPT, RPT)])

    @functools.partial(
        pl.kernel,
        mesh=mesh,
        out_type=jax.ShapeDtypeStruct((NC * NP_, D), jnp.float32),
        scratch_types=(
            [pltpu.VMEM((2, BLK), jnp.int32) for _ in range(DEPTH)]
            + [pltpu.VMEM((BLK, D), jnp.float32) for _ in range(DEPTH)]
            + [pltpu.SemaphoreType.DMA for _ in range(DEPTH + 1)]
            + [pltpu.VMEM_SHARED((NP_, D), jnp.float32)]
        ),
    )
    def agg_kernel(h_hbm, esd_hbm, zeros_hbm, out, *rest):
        idxb = rest[0:DEPTH]
        rows = rest[DEPTH:2 * DEPTH]
        sems = rest[2 * DEPTH:3 * DEPTH]
        sem_s = rest[3 * DEPTH]
        acc_sh = rest[3 * DEPTH + 1]
        c = lax.axis_index("c")
        s = lax.axis_index("s")
        wid = c * NS + s
        pltpu.sync_copy(zeros_hbm.at[pl.ds(s * RPT, RPT)],
                        acc_sh.at[pl.ds(s * RPT, RPT)])
        plsc.subcore_barrier()
        bblk = wid * NBLK

        def body(i, carry):
            gs = []
            for k in range(DEPTH):
                pltpu.sync_copy(esd_hbm.at[bblk + DEPTH * i + k], idxb[k])
                gs.append(pltpu.async_copy(h_hbm.at[idxb[k].at[0]], rows[k],
                                           sems[k]))
            scs = []
            for k in range(DEPTH):
                gs[k].wait()
                scs.append(pltpu.async_copy(rows[k], acc_sh.at[idxb[k].at[1]],
                                            sem_s, add=True))
            for sc in scs:
                sc.wait()
            return carry

        lax.fori_loop(0, NBLK // DEPTH, body, 0)
        for j in range(NBLK - NBLK % DEPTH, NBLK):
            pltpu.sync_copy(esd_hbm.at[bblk + j], idxb[0])
            pltpu.async_copy(h_hbm.at[idxb[0].at[0]], rows[0], sems[0]).wait()
            pltpu.sync_copy(rows[0], acc_sh.at[idxb[0].at[1]], add=True)
        plsc.subcore_barrier()
        pltpu.sync_copy(acc_sh.at[pl.ds(s * RPT, RPT)],
                        out.at[pl.ds(c * NP_ + s * RPT, RPT)])

    return deg_kernel, agg_kernel


def _mm1_body(x_ref, d0_ref, d1_ref, w_ref, h_ref, dis_ref):
    deg = d0_ref[...] + d1_ref[...] + 1.0
    dis = lax.rsqrt(jnp.maximum(deg, 1e-12))
    dis_ref[...] = dis
    h_ref[...] = jnp.dot(x_ref[...], w_ref[...],
                         preferred_element_type=jnp.float32) * dis


_mm1 = pl.pallas_call(
    _mm1_body,
    grid=(GRID,),
    in_specs=[
        pl.BlockSpec((BR, D), lambda i: (i, 0)),
        pl.BlockSpec((BR, 1), lambda i: (i, 0)),
        pl.BlockSpec((BR, 1), lambda i: (i, 0)),
        pl.BlockSpec((D, D), lambda i: (0, 0)),
    ],
    out_specs=[
        pl.BlockSpec((BR, D), lambda i: (i, 0)),
        pl.BlockSpec((BR, 1), lambda i: (i, 0)),
    ],
    out_shape=[
        jax.ShapeDtypeStruct((N, D), jnp.float32),
        jax.ShapeDtypeStruct((N, 1), jnp.float32),
    ],
)


def _layer_body(p0_ref, p1_ref, hp_ref, dis_ref, b_ref, w_ref, out_ref):
    dis = dis_ref[...]
    x = dis * (p0_ref[...] + p1_ref[...] + hp_ref[...]) + b_ref[...]
    x = jnp.maximum(x, 0.0)
    out_ref[...] = jnp.dot(x, w_ref[...],
                           preferred_element_type=jnp.float32) * dis


_layer = pl.pallas_call(
    _layer_body,
    grid=(GRID,),
    in_specs=[
        pl.BlockSpec((BR, D), lambda i: (i, 0)),
        pl.BlockSpec((BR, D), lambda i: (i, 0)),
        pl.BlockSpec((BR, D), lambda i: (i, 0)),
        pl.BlockSpec((BR, 1), lambda i: (i, 0)),
        pl.BlockSpec((1, D), lambda i: (0, 0)),
        pl.BlockSpec((D, D), lambda i: (0, 0)),
    ],
    out_specs=pl.BlockSpec((BR, D), lambda i: (i, 0)),
    out_shape=jax.ShapeDtypeStruct((N, D), jnp.float32),
)


def _final_body(p0_ref, p1_ref, hp_ref, dis_ref, b_ref,
                g1w_ref, g1b_ref, g2w_ref, g2b_ref, lng_ref, lnb_ref,
                out_ref, acc_ref):
    i = pl.program_id(0)
    x3 = dis_ref[...] * (p0_ref[...] + p1_ref[...] + hp_ref[...]) + b_ref[...]
    psum = jnp.sum(x3, axis=0, keepdims=True)

    @pl.when(i == 0)
    def _():
        acc_ref[...] = jnp.zeros_like(acc_ref)

    acc_ref[...] += psum

    @pl.when(i == GRID - 1)
    def _():
        g = acc_ref[...] * (1.0 / N)
        z1 = jnp.maximum(
            jnp.dot(g, g1w_ref[...], preferred_element_type=jnp.float32)
            + g1b_ref[...], 0.0)
        z2 = (jnp.dot(z1, g2w_ref[...], preferred_element_type=jnp.float32)
              + g2b_ref[...])
        mu = jnp.mean(z2, axis=-1, keepdims=True)
        zc = z2 - mu
        var = jnp.mean(zc * zc, axis=-1, keepdims=True)
        zn = zc * lax.rsqrt(var + 1e-5)
        out_ref[...] = zn * lng_ref[...] + lnb_ref[...]


_final = pl.pallas_call(
    _final_body,
    grid=(GRID,),
    in_specs=[
        pl.BlockSpec((BR, D), lambda i: (i, 0)),
        pl.BlockSpec((BR, D), lambda i: (i, 0)),
        pl.BlockSpec((BR, D), lambda i: (i, 0)),
        pl.BlockSpec((BR, 1), lambda i: (i, 0)),
        pl.BlockSpec((1, D), lambda i: (0, 0)),
        pl.BlockSpec((D, D), lambda i: (0, 0)),
        pl.BlockSpec((1, D), lambda i: (0, 0)),
        pl.BlockSpec((D, D), lambda i: (0, 0)),
        pl.BlockSpec((1, D), lambda i: (0, 0)),
        pl.BlockSpec((1, D), lambda i: (0, 0)),
        pl.BlockSpec((1, D), lambda i: (0, 0)),
    ],
    out_specs=pl.BlockSpec((1, D), lambda i: (0, 0)),
    out_shape=jax.ShapeDtypeStruct((1, D), jnp.float32),
    scratch_shapes=[pltpu.VMEM((1, D), jnp.float32)],
)


def kernel(node_features, edge_index, W1, b1, W2, b2, W3, b3,
           G1_W, G1_b, G2_W, G2_b, ln_gamma, ln_beta):
    ei = edge_index.astype(jnp.int32)

    def _chunked(flat, pad_value):
        a = flat.reshape(NW, EPW)
        a = jnp.pad(a, ((0, 0), (0, EPWP - EPW)), constant_values=pad_value)
        return a.reshape(NW * NSTG, IBS, BLK)

    esd = (ei.reshape(2, NW, NBLK, BLK).transpose(1, 2, 0, 3)
           .reshape(NW * NBLK, 2, BLK))
    dst = _chunked(ei[1], N)
    ones_pat = jnp.zeros((BLK, D), jnp.float32).at[:, 0].set(1.0)
    zeros_nd = jnp.zeros((NP_, D), jnp.float32)
    _deg_kernel, _agg_kernel = _sc_kernels()

    degp = _deg_kernel(dst, ones_pat, zeros_nd)
    d0 = degp[0:N, 0:1]
    d1 = degp[NP_:NP_ + N, 0:1]

    h1p, dis = _mm1(node_features, d0, d1, W1)

    a1 = _agg_kernel(h1p, esd, zeros_nd)
    h2p = _layer(a1[:N], a1[NP_:NP_ + N], h1p, dis, b1.reshape(1, D), W2)
    a2 = _agg_kernel(h2p, esd, zeros_nd)
    h3p = _layer(a2[:N], a2[NP_:NP_ + N], h2p, dis, b2.reshape(1, D), W3)
    a3 = _agg_kernel(h3p, esd, zeros_nd)

    return _final(a3[:N], a3[NP_:NP_ + N], h3p, dis, b3.reshape(1, D),
                  G1_W, G1_b.reshape(1, D), G2_W, G2_b.reshape(1, D),
                  ln_gamma.reshape(1, D), ln_beta.reshape(1, D))

# --- scband reference (transcript-rebuilt; emitter-appended) ---
"""Pipeline reference for scband-graph-neural-reasoner-18219251270371 (READ-ONLY COPY).

The authoritative reference and input builder live on the scoring server;
editing this copy changes nothing except your own understanding.
"""

import jax, jax.numpy as jnp
import numpy as np

N_NODES = 10000
N_EDGES = 320000
D_IN = 128
D_HID = 128
D_OUT = 128


def setup_inputs(seed: int = 0) -> dict:
    key = jax.random.key(seed)
    ks = jax.random.split(key, 16)
    node_features = jax.random.normal(ks[0], (N_NODES, D_IN), dtype=jnp.float32)
    edge_index = jax.random.randint(ks[1], (2, N_EDGES), 0, N_NODES, dtype=jnp.int64)
    s = 0.05
    # GCNConv layer params (weight [in, out], bias [out])
    W1 = jax.random.normal(ks[2], (D_IN, D_HID), dtype=jnp.float32) * s
    b1 = jnp.zeros((D_HID,), dtype=jnp.float32)
    W2 = jax.random.normal(ks[3], (D_HID, D_HID), dtype=jnp.float32) * s
    b2 = jnp.zeros((D_HID,), dtype=jnp.float32)
    W3 = jax.random.normal(ks[4], (D_HID, D_OUT), dtype=jnp.float32) * s
    b3 = jnp.zeros((D_OUT,), dtype=jnp.float32)
    # global_reasoner params
    G1_W = jax.random.normal(ks[5], (D_OUT, D_HID), dtype=jnp.float32) * s
    G1_b = jnp.zeros((D_HID,), dtype=jnp.float32)
    G2_W = jax.random.normal(ks[6], (D_HID, D_OUT), dtype=jnp.float32) * s
    G2_b = jnp.zeros((D_OUT,), dtype=jnp.float32)
    ln_gamma = jnp.ones((D_OUT,), dtype=jnp.float32)
    ln_beta = jnp.zeros((D_OUT,), dtype=jnp.float32)
    return {
        'node_features': node_features, 'edge_index': edge_index,
        'W1': W1, 'b1': b1, 'W2': W2, 'b2': b2, 'W3': W3, 'b3': b3,
        'G1_W': G1_W, 'G1_b': G1_b, 'G2_W': G2_W, 'G2_b': G2_b,
        'ln_gamma': ln_gamma, 'ln_beta': ln_beta,
    }


def _gcn_conv(x, W, b, src, dst, norm, n_nodes):
    h = x @ W
    msg = h[src] * norm[:, None]
    agg = jax.ops.segment_sum(msg, dst, num_segments=n_nodes)
    return agg + b


def reference(node_features, edge_index, W1, b1, W2, b2, W3, b3,
              G1_W, G1_b, G2_W, G2_b, ln_gamma, ln_beta):
    n = node_features.shape[0]
    # add self loops (GCNConv default)
    loop = jnp.arange(n, dtype=edge_index.dtype)
    src = jnp.concatenate([edge_index[0], loop])
    dst = jnp.concatenate([edge_index[1], loop])
    # symmetric normalization D^{-1/2} (A+I) D^{-1/2}
    deg = jnp.zeros((n,), dtype=jnp.float32).at[dst].add(1.0)
    dis = jax.lax.rsqrt(jnp.maximum(deg, 1e-12))
    norm = dis[src] * dis[dst]
    x = _gcn_conv(node_features, W1, b1, src, dst, norm, n)
    x = jax.nn.relu(x)
    x = _gcn_conv(x, W2, b2, src, dst, norm, n)
    x = jax.nn.relu(x)
    x = _gcn_conv(x, W3, b3, src, dst, norm, n)
    # global mean pool (batch=None path)
    g = jnp.mean(x, axis=0, keepdims=True)
    # global_reasoner: Linear -> ReLU -> Linear -> LayerNorm
    h = jax.nn.relu(g @ G1_W + G1_b)
    h = h @ G2_W + G2_b
    mu = jnp.mean(h, axis=-1, keepdims=True)
    var = jnp.var(h, axis=-1, keepdims=True)
    h = (h - mu) * jax.lax.rsqrt(var + 1e-5)
    return h * ln_gamma + ln_beta

if __name__ == "__main__":
    import jax
    _d = setup_inputs()
    print(jax.jit(kernel)(*tuple(_d.values())))

</pallas_src>

<mosaic_0001>
#map = affine_map<(d0, d1) -> (0, 0)>
#map1 = affine_map<(d0, d1) -> (0, 0, 0)>
module attributes {stable_mosaic.version = 14 : i64} {
  func.func @agg_kernel(%arg0: i32, %arg1: i32, %arg2: memref<10000x128xf32, #tpu.memory_space<hbm>>, %arg3: memref<4000x2x80xi32, #tpu.memory_space<hbm>>, %arg4: memref<10240x128xf32, #tpu.memory_space<hbm>>, %arg5: memref<20480x128xf32, #tpu.memory_space<hbm>>, %arg6: memref<2x80xi32, #tpu.memory_space<vmem>>, %arg7: memref<2x80xi32, #tpu.memory_space<vmem>>, %arg8: memref<2x80xi32, #tpu.memory_space<vmem>>, %arg9: memref<2x80xi32, #tpu.memory_space<vmem>>, %arg10: memref<80x128xf32, #tpu.memory_space<vmem>>, %arg11: memref<80x128xf32, #tpu.memory_space<vmem>>, %arg12: memref<80x128xf32, #tpu.memory_space<vmem>>, %arg13: memref<80x128xf32, #tpu.memory_space<vmem>>, %arg14: memref<!tpu.dma_semaphore, #tpu.memory_space<semaphore_mem>>, %arg15: memref<!tpu.dma_semaphore, #tpu.memory_space<semaphore_mem>>, %arg16: memref<!tpu.dma_semaphore, #tpu.memory_space<semaphore_mem>>, %arg17: memref<!tpu.dma_semaphore, #tpu.memory_space<semaphore_mem>>, %arg18: memref<!tpu.dma_semaphore, #tpu.memory_space<semaphore_mem>>, %arg19: memref<10240x128xf32, #tpu.memory_space<vmem_shared>>) attributes {dimension_semantics = [#tpu.dimension_semantics<core_parallel>, #tpu.dimension_semantics<subcore_parallel>], iteration_bounds = array<i64: 2, 16>, scalar_prefetch = 0 : i64, scratch_operands = 14 : i64, tpu.core_type = #tpu.core_type<sc_vector_subcore>, window_params = [{transform_indices = #map}, {transform_indices = #map1}, {transform_indices = #map}, {transform_indices = #map}]} {
    %mul3A = arith.constant 16 : i32
    %mul3A_0 = arith.muli %arg0, %mul3A : i32
    %add3A = arith.addi %mul3A_0, %arg1 : i32
    %mul3A_1 = arith.constant 640 : i32
    %mul3A_2 = arith.muli %arg1, %mul3A_1 : i32
    %mul3A_3 = arith.constant 640 : i32
    %mul3A_4 = arith.muli %arg1, %mul3A_3 : i32
    "tpu.region"() ({
      %run_scoped3A_34 = tpu.sem_alloc : memref<!tpu.dma_semaphore, #tpu.memory_space<semaphore_mem>>
      %dma_start3A_35 = arith.constant 0 : i32
      %dma_start3A_36 = tpu.memref_slice %arg19[%mul3A_4, %dma_start3A_35] : memref<10240x128xf32, #tpu.memory_space<vmem_shared>> -> memref<640x128xf32, #tpu.memory_space<vmem_shared>>
      %dma_start3A_37 = arith.constant 0 : i32
      %dma_start3A_38 = tpu.memref_slice %arg4[%mul3A_2, %dma_start3A_37] : memref<10240x128xf32, #tpu.memory_space<hbm>> -> memref<640x128xf32, #tpu.memory_space<hbm>>
      tpu.enqueue_dma source(%dma_start3A_38 : memref<640x128xf32, #tpu.memory_space<hbm>>) target(%dma_start3A_36 : memref<640x128xf32, #tpu.memory_space<vmem_shared>>) target_semaphore(%run_scoped3A_34 : memref<!tpu.dma_semaphore, #tpu.memory_space<semaphore_mem>>)
      %dma_wait3A_39 = arith.constant 0 : i32
      %dma_wait3A_40 = tpu.memref_slice %arg19[%mul3A_4, %dma_wait3A_39] : memref<10240x128xf32, #tpu.memory_space<vmem_shared>> -> memref<640x128xf32, #tpu.memory_space<vmem_shared>>
      %dma_wait3A_41 = arith.constant 0 : i32
      %dma_wait3A_42 = tpu.memref_slice %arg4[%mul3A_2, %dma_wait3A_41] : memref<10240x128xf32, #tpu.memory_space<hbm>> -> memref<640x128xf32, #tpu.memory_space<hbm>>
      tpu.wait_dma2 semaphore(%run_scoped3A_34 : memref<!tpu.dma_semaphore, #tpu.memory_space<semaphore_mem>>) src(%dma_wait3A_42 : memref<640x128xf32, #tpu.memory_space<hbm>>) dst(%dma_wait3A_40 : memref<640x128xf32, #tpu.memory_space<vmem_shared>>)
      tpu.yield
    }) : () -> ()
    %barrier3A = arith.constant 0 : index
    tpu.barrier barrier_id(%barrier3A)
    %mul3A_5 = arith.constant 125 : i32
    %mul3A_6 = arith.muli %add3A, %mul3A_5 : i32
    %scan3A = arith.constant 0 : i32
    %scan3A_7 = arith.constant 0 : i32
    %scan3A_8 = arith.constant 31 : i32
    %scan3A_9 = arith.addi %scan3A_7, %scan3A_8 : i32
    %scan3A_10 = arith.constant 1 : i32
    scf.for %scan3A_34 = %scan3A_7 to %scan3A_9 step %scan3A_10  : i32 {
      %mul3A_35 = arith.constant 4 : i32
      %mul3A_36 = arith.muli %mul3A_35, %scan3A_34 : i32
      %add3A_37 = arith.addi %mul3A_6, %mul3A_36 : i32
      %add3A_38 = arith.constant 0 : i32
      %add3A_39 = arith.addi %add3A_37, %add3A_38 : i32
      "tpu.region"() ({
        %run_scoped3A_167 = tpu.sem_alloc : memref<!tpu.dma_semaphore, #tpu.memory_space<semaphore_mem>>
        %dma_start3A_168 = arith.constant 0 : i32
        %dma_start3A_169 = arith.constant 0 : i32
        %dma_start3A_170 = tpu.memref_slice %arg3[%add3A_39, %dma_start3A_168, %dma_start3A_169] : memref<4000x2x80xi32, #tpu.memory_space<hbm>> -> memref<1x2x80xi32, #tpu.memory_space<hbm>>
        %dma_start3A_171 = tpu.memref_squeeze %dma_start3A_170 : memref<1x2x80xi32, #tpu.memory_space<hbm>> -> memref<2x80xi32, #tpu.memory_space<hbm>>
        %dma_start3A_172 = arith.constant 0 : i32
        %dma_start3A_173 = arith.constant 0 : i32
        %dma_start3A_174 = tpu.memref_slice %arg3[%add3A_39, %dma_start3A_172, %dma_start3A_173] : memref<4000x2x80xi32, #tpu.memory_space<hbm>> -> memref<1x2x80xi32, #tpu.memory_space<hbm>>
        %dma_start3A_175 = tpu.memref_squeeze %dma_start3A_174 : memref<1x2x80xi32, #tpu.memory_space<hbm>> -> memref<2x80xi32, #tpu.memory_space<hbm>>
        tpu.enqueue_dma source(%dma_start3A_175 : memref<2x80xi32, #tpu.memory_space<hbm>>) target(%arg6 : memref<2x80xi32, #tpu.memory_space<vmem>>) target_semaphore(%run_scoped3A_167 : memref<!tpu.dma_semaphore, #tpu.memory_space<semaphore_mem>>)
        %dma_wait3A_176 = arith.constant 0 : i32
        %dma_wait3A_177 = arith.constant 0 : i32
        %dma_wait3A_178 = tpu.memref_slice %arg3[%add3A_39, %dma_wait3A_176, %dma_wait3A_177] : memref<4000x2x80xi32, #tpu.memory_space<hbm>> -> memref<1x2x80xi32, #tpu.memory_space<hbm>>
        %dma_wait3A_179 = tpu.memref_squeeze %dma_wait3A_178 : memref<1x2x80xi32, #tpu.memory_space<hbm>> -> memref<2x80xi32, #tpu.memory_space<hbm>>
        %dma_wait3A_180 = arith.constant 0 : i32
        %dma_wait3A_181 = arith.constant 0 : i32
        %dma_wait3A_182 = tpu.memref_slice %arg3[%add3A_39, %dma_wait3A_180, %dma_wait3A_181] : memref<4000x2x80xi32, #tpu.memory_space<hbm>> -> memref<1x2x80xi32, #tpu.memory_space<hbm>>
        %dma_wait3A_183 = tpu.memref_squeeze %dma_wait3A_182 : memref<1x2x80xi32, #tpu.memory_space<hbm>> -> memref<2x80xi32, #tpu.memory_space<hbm>>
        tpu.wait_dma2 semaphore(%run_scoped3A_167 : memref<!tpu.dma_semaphore, #tpu.memory_space<semaphore_mem>>) src(%dma_wait3A_183 : memref<2x80xi32, #tpu.memory_space<hbm>>) dst(%arg6 : memref<2x80xi32, #tpu.memory_space<vmem>>)
        tpu.yield
      }) : () -> ()
      %dma_start3A_40 = arith.constant 0 : i32
      %dma_start3A_41 = arith.constant 0 : i32
      %dma_start3A_42 = tpu.memref_slice %arg6[%dma_start3A_40, %dma_start3A_41] : memref<2x80xi32, #tpu.memory_space<vmem>> -> memref<1x80xi32, #tpu.memory_space<vmem>>
      %dma_start3A_43 = tpu.memref_squeeze %dma_start3A_42 : memref<1x80xi32, #tpu.memory_space<vmem>> -> memref<80xi32, #tpu.memory_space<vmem>>
      %dma_start3A_44 = arith.constant 0 : i32
      %dma_start3A_45 = arith.constant 0 : i32
      %dma_start3A_46 = tpu.memref_slice %arg2[%dma_start3A_44, %dma_start3A_45] : memref<10000x128xf32, #tpu.memory_space<hbm>> -> memref<10000x128xf32, #tpu.memory_space<hbm>>
      tpu.enqueue_indirect_dma source(%dma_start3A_46 : memref<10000x128xf32, #tpu.memory_space<hbm>>) target(%arg10 : memref<80x128xf32, #tpu.memory_space<vmem>>) offsets(%dma_start3A_43 : memref<80xi32, #tpu.memory_space<vmem>>) semaphore(%arg14 : memref<!tpu.dma_semaphore, #tpu.memory_space<semaphore_mem>>)
      %mul3A_47 = arith.constant 4 : i32
      %mul3A_48 = arith.muli %mul3A_47, %scan3A_34 : i32
      %add3A_49 = arith.addi %mul3A_6, %mul3A_48 : i32
      %add3A_50 = arith.constant 1 : i32
      %add3A_51 = arith.addi %add3A_49, %add3A_50 : i32
      "tpu.region"() ({
        %run_scoped3A_167 = tpu.sem_alloc : memref<!tpu.dma_semaphore, #tpu.memory_space<semaphore_mem>>
        %dma_start3A_168 = arith.constant 0 : i32
        %dma_start3A_169 = arith.constant 0 : i32
        %dma_start3A_170 = tpu.memref_slice %arg3[%add3A_51, %dma_start3A_168, %dma_start3A_169] : memref<4000x2x80xi32, #tpu.memory_space<hbm>> -> memref<1x2x80xi32, #tpu.memory_space<hbm>>
        %dma_start3A_171 = tpu.memref_squeeze %dma_start3A_170 : memref<1x2x80xi32, #tpu.memory_space<hbm>> -> memref<2x80xi32, #tpu.memory_space<hbm>>
        %dma_start3A_172 = arith.constant 0 : i32
        %dma_start3A_173 = arith.constant 0 : i32
        %dma_start3A_174 = tpu.memref_slice %arg3[%add3A_51, %dma_start3A_172, %dma_start3A_173] : memref<4000x2x80xi32, #tpu.memory_space<hbm>> -> memref<1x2x80xi32, #tpu.memory_space<hbm>>
        %dma_start3A_175 = tpu.memref_squeeze %dma_start3A_174 : memref<1x2x80xi32, #tpu.memory_space<hbm>> -> memref<2x80xi32, #tpu.memory_space<hbm>>
        tpu.enqueue_dma source(%dma_start3A_175 : memref<2x80xi32, #tpu.memory_space<hbm>>) target(%arg7 : memref<2x80xi32, #tpu.memory_space<vmem>>) target_semaphore(%run_scoped3A_167 : memref<!tpu.dma_semaphore, #tpu.memory_space<semaphore_mem>>)
        %dma_wait3A_176 = arith.constant 0 : i32
        %dma_wait3A_177 = arith.constant 0 : i32
        %dma_wait3A_178 = tpu.memref_slice %arg3[%add3A_51, %dma_wait3A_176, %dma_wait3A_177] : memref<4000x2x80xi32, #tpu.memory_space<hbm>> -> memref<1x2x80xi32, #tpu.memory_space<hbm>>
        %dma_wait3A_179 = tpu.memref_squeeze %dma_wait3A_178 : memref<1x2x80xi32, #tpu.memory_space<hbm>> -> memref<2x80xi32, #tpu.memory_space<hbm>>
        %dma_wait3A_180 = arith.constant 0 : i32
        %dma_wait3A_181 = arith.constant 0 : i32
        %dma_wait3A_182 = tpu.memref_slice %arg3[%add3A_51, %dma_wait3A_180, %dma_wait3A_181] : memref<4000x2x80xi32, #tpu.memory_space<hbm>> -> memref<1x2x80xi32, #tpu.memory_space<hbm>>
        %dma_wait3A_183 = tpu.memref_squeeze %dma_wait3A_182 : memref<1x2x80xi32, #tpu.memory_space<hbm>> -> memref<2x80xi32, #tpu.memory_space<hbm>>
        tpu.wait_dma2 semaphore(%run_scoped3A_167 : memref<!tpu.dma_semaphore, #tpu.memory_space<semaphore_mem>>) src(%dma_wait3A_183 : memref<2x80xi32, #tpu.memory_space<hbm>>) dst(%arg7 : memref<2x80xi32, #tpu.memory_space<vmem>>)
        tpu.yield
      }) : () -> ()
      %dma_start3A_52 = arith.constant 0 : i32
      %dma_start3A_53 = arith.constant 0 : i32
      %dma_start3A_54 = tpu.memref_slice %arg7[%dma_start3A_52, %dma_start3A_53] : memref<2x80xi32, #tpu.memory_space<vmem>> -> memref<1x80xi32, #tpu.memory_space<vmem>>
      %dma_start3A_55 = tpu.memref_squeeze %dma_start3A_54 : memref<1x80xi32, #tpu.memory_space<vmem>> -> memref<80xi32, #tpu.memory_space<vmem>>
      %dma_start3A_56 = arith.constant 0 : i32
      %dma_start3A_57 = arith.constant 0 : i32
      %dma_start3A_58 = tpu.memref_slice %arg2[%dma_start3A_56, %dma_start3A_57] : memref<10000x128xf32, #tpu.memory_space<hbm>> -> memref<10000x128xf32, #tpu.memory_space<hbm>>
      tpu.enqueue_indirect_dma source(%dma_start3A_58 : memref<10000x128xf32, #tpu.memory_space<hbm>>) target(%arg11 : memref<80x128xf32, #tpu.memory_space<vmem>>) offsets(%dma_start3A_55 : memref<80xi32, #tpu.memory_space<vmem>>) semaphore(%arg15 : memref<!tpu.dma_semaphore, #tpu.memory_space<semaphore_mem>>)
      %mul3A_59 = arith.constant 4 : i32
      %mul3A_60 = arith.muli %mul3A_59, %scan3A_34 : i32
      %add3A_61 = arith.addi %mul3A_6, %mul3A_60 : i32
      %add3A_62 = arith.constant 2 : i32
      %add3A_63 = arith.addi %add3A_61, %add3A_62 : i32
      "tpu.region"() ({
        %run_scoped3A_167 = tpu.sem_alloc : memref<!tpu.dma_semaphore, #tpu.memory_space<semaphore_mem>>
        %dma_start3A_168 = arith.constant 0 : i32
        %dma_start3A_169 = arith.constant 0 : i32
        %dma_start3A_170 = tpu.memref_slice %arg3[%add3A_63, %dma_start3A_168, %dma_start3A_169] : memref<4000x2x80xi32, #tpu.memory_space<hbm>> -> memref<1x2x80xi32, #tpu.memory_space<hbm>>
        %dma_start3A_171 = tpu.memref_squeeze %dma_start3A_170 : memref<1x2x80xi32, #tpu.memory_space<hbm>> -> memref<2x80xi32, #tpu.memory_space<hbm>>
        %dma_start3A_172 = arith.constant 0 : i32
        %dma_start3A_173 = arith.constant 0 : i32
        %dma_start3A_174 = tpu.memref_slice %arg3[%add3A_63, %dma_start3A_172, %dma_start3A_173] : memref<4000x2x80xi32, #tpu.memory_space<hbm>> -> memref<1x2x80xi32, #tpu.memory_space<hbm>>
        %dma_start3A_175 = tpu.memref_squeeze %dma_start3A_174 : memref<1x2x80xi32, #tpu.memory_space<hbm>> -> memref<2x80xi32, #tpu.memory_space<hbm>>
        tpu.enqueue_dma source(%dma_start3A_175 : memref<2x80xi32, #tpu.memory_space<hbm>>) target(%arg8 : memref<2x80xi32, #tpu.memory_space<vmem>>) target_semaphore(%run_scoped3A_167 : memref<!tpu.dma_semaphore, #tpu.memory_space<semaphore_mem>>)
        %dma_wait3A_176 = arith.constant 0 : i32
        %dma_wait3A_177 = arith.constant 0 : i32
        %dma_wait3A_178 = tpu.memref_slice %arg3[%add3A_63, %dma_wait3A_176, %dma_wait3A_177] : memref<4000x2x80xi32, #tpu.memory_space<hbm>> -> memref<1x2x80xi32, #tpu.memory_space<hbm>>
        %dma_wait3A_179 = tpu.memref_squeeze %dma_wait3A_178 : memref<1x2x80xi32, #tpu.memory_space<hbm>> -> memref<2x80xi32, #tpu.memory_space<hbm>>
        %dma_wait3A_180 = arith.constant 0 : i32
        %dma_wait3A_181 = arith.constant 0 : i32
        %dma_wait3A_182 = tpu.memref_slice %arg3[%add3A_63, %dma_wait3A_180, %dma_wait3A_181] : memref<4000x2x80xi32, #tpu.memory_space<hbm>> -> memref<1x2x80xi32, #tpu.memory_space<hbm>>
        %dma_wait3A_183 = tpu.memref_squeeze %dma_wait3A_182 : memref<1x2x80xi32, #tpu.memory_space<hbm>> -> memref<2x80xi32, #tpu.memory_space<hbm>>
        tpu.wait_dma2 semaphore(%run_scoped3A_167 : memref<!tpu.dma_semaphore, #tpu.memory_space<semaphore_mem>>) src(%dma_wait3A_183 : memref<2x80xi32, #tpu.memory_space<hbm>>) dst(%arg8 : memref<2x80xi32, #tpu.memory_space<vmem>>)
        tpu.yield
      }) : () -> ()
      %dma_start3A_64 = arith.constant 0 : i32
      %dma_start3A_65 = arith.constant 0 : i32
      %dma_start3A_66 = tpu.memref_slice %arg8[%dma_start3A_64, %dma_start3A_65] : memref<2x80xi32, #tpu.memory_space<vmem>> -> memref<1x80xi32, #tpu.memory_space<vmem>>
      %dma_start3A_67 = tpu.memref_squeeze %dma_start3A_66 : memref<1x80xi32, #tpu.memory_space<vmem>> -> memref<80xi32, #tpu.memory_space<vmem>>
      %dma_start3A_68 = arith.constant 0 : i32
      %dma_start3A_69 = arith.constant 0 : i32
      %dma_start3A_70 = tpu.memref_slice %arg2[%dma_start3A_68, %dma_start3A_69] : memref<10000x128xf32, #tpu.memory_space<hbm>> -> memref<10000x128xf32, #tpu.memory_space<hbm>>
      tpu.enqueue_indirect_dma source(%dma_start3A_70 : memref<10000x128xf32, #tpu.memory_space<hbm>>) target(%arg12 : memref<80x128xf32, #tpu.memory_space<vmem>>) offsets(%dma_start3A_67 : memref<80xi32, #tpu.memory_space<vmem>>) semaphore(%arg16 : memref<!tpu.dma_semaphore, #tpu.memory_space<semaphore_mem>>)
      %mul3A_71 = arith.constant 4 : i32
      %mul3A_72 = arith.muli %mul3A_71, %scan3A_34 : i32
      %add3A_73 = arith.addi %mul3A_6, %mul3A_72 : i32
      %add3A_74 = arith.constant 3 : i32
      %add3A_75 = arith.addi %add3A_73, %add3A_74 : i32
      "tpu.region"() ({
        %run_scoped3A_167 = tpu.sem_alloc : memref<!tpu.dma_semaphore, #tpu.memory_space<semaphore_mem>>
        %dma_start3A_168 = arith.constant 0 : i32
        %dma_start3A_169 = arith.constant 0 : i32
        %dma_start3A_170 = tpu.memref_slice %arg3[%add3A_75, %dma_start3A_168, %dma_start3A_169] : memref<4000x2x80xi32, #tpu.memory_space<hbm>> -> memref<1x2x80xi32, #tpu.memory_space<hbm>>
        %dma_start3A_171 = tpu.memref_squeeze %dma_start3A_170 : memref<1x2x80xi32, #tpu.memory_space<hbm>> -> memref<2x80xi32, #tpu.memory_space<hbm>>
        %dma_start3A_172 = arith.constant 0 : i32
        %dma_start3A_173 = arith.constant 0 : i32
        %dma_start3A_174 = tpu.memref_slice %arg3[%add3A_75, %dma_start3A_172, %dma_start3A_173] : memref<4000x2x80xi32, #tpu.memory_space<hbm>> -> memref<1x2x80xi32, #tpu.memory_space<hbm>>
        %dma_start3A_175 = tpu.memref_squeeze %dma_start3A_174 : memref<1x2x80xi32, #tpu.memory_space<hbm>> -> memref<2x80xi32, #tpu.memory_space<hbm>>
        tpu.enqueue_dma source(%dma_start3A_175 : memref<2x80xi32, #tpu.memory_space<hbm>>) target(%arg9 : memref<2x80xi32, #tpu.memory_space<vmem>>) target_semaphore(%run_scoped3A_167 : memref<!tpu.dma_semaphore, #tpu.memory_space<semaphore_mem>>)
        %dma_wait3A_176 = arith.constant 0 : i32
        %dma_wait3A_177 = arith.constant 0 : i32
        %dma_wait3A_178 = tpu.memref_slice %arg3[%add3A_75, %dma_wait3A_176, %dma_wait3A_177] : memref<4000x2x80xi32, #tpu.memory_space<hbm>> -> memref<1x2x80xi32, #tpu.memory_space<hbm>>
        %dma_wait3A_179 = tpu.memref_squeeze %dma_wait3A_178 : memref<1x2x80xi32, #tpu.memory_space<hbm>> -> memref<2x80xi32, #tpu.memory_space<hbm>>
        %dma_wait3A_180 = arith.constant 0 : i32
        %dma_wait3A_181 = arith.constant 0 : i32
        %dma_wait3A_182 = tpu.memref_slice %arg3[%add3A_75, %dma_wait3A_180, %dma_wait3A_181] : memref<4000x2x80xi32, #tpu.memory_space<hbm>> -> memref<1x2x80xi32, #tpu.memory_space<hbm>>
        %dma_wait3A_183 = tpu.memref_squeeze %dma_wait3A_182 : memref<1x2x80xi32, #tpu.memory_space<hbm>> -> memref<2x80xi32, #tpu.memory_space<hbm>>
        tpu.wait_dma2 semaphore(%run_scoped3A_167 : memref<!tpu.dma_semaphore, #tpu.memory_space<semaphore_mem>>) src(%dma_wait3A_183 : memref<2x80xi32, #tpu.memory_space<hbm>>) dst(%arg9 : memref<2x80xi32, #tpu.memory_space<vmem>>)
        tpu.yield
      }) : () -> ()
      %dma_start3A_76 = arith.constant 0 : i32
      %dma_start3A_77 = arith.constant 0 : i32
      %dma_start3A_78 = tpu.memref_slice %arg9[%dma_start3A_76, %dma_start3A_77] : memref<2x80xi32, #tpu.memory_space<vmem>> -> memref<1x80xi32, #tpu.memory_space<vmem>>
      %dma_start3A_79 = tpu.memref_squeeze %dma_start3A_78 : memref<1x80xi32, #tpu.memory_space<vmem>> -> memref<80xi32, #tpu.memory_space<vmem>>
      %dma_start3A_80 = arith.constant 0 : i32
      %dma_start3A_81 = arith.constant 0 : i32
      %dma_start3A_82 = tpu.memref_slice %arg2[%dma_start3A_80, %dma_start3A_81] : memref<10000x128xf32, #tpu.memory_space<hbm>> -> memref<10000x128xf32, #tpu.memory_space<hbm>>
      tpu.enqueue_indirect_dma source(%dma_start3A_82 : memref<10000x128xf32, #tpu.memory_space<hbm>>) target(%arg13 : memref<80x128xf32, #tpu.memory_space<vmem>>) offsets(%dma_start3A_79 : memref<80xi32, #tpu.memory_space<vmem>>) semaphore(%arg17 : memref<!tpu.dma_semaphore, #tpu.memory_space<semaphore_mem>>)
      %dma_wait3A_83 = arith.constant 0 : i32
      %dma_wait3A_84 = arith.constant 0 : i32
      %dma_wait3A_85 = tpu.memref_slice %arg6[%dma_wait3A_83, %dma_wait3A_84] : memref<2x80xi32, #tpu.memory_space<vmem>> -> memref<1x80xi32, #tpu.memory_space<vmem>>
      %dma_wait3A_86 = tpu.memref_squeeze %dma_wait3A_85 : memref<1x80xi32, #tpu.memory_space<vmem>> -> memref<80xi32, #tpu.memory_space<vmem>>
      %dma_wait3A_87 = arith.constant 0 : i32
      %dma_wait3A_88 = arith.constant 0 : i32
      %dma_wait3A_89 = tpu.memref_slice %arg2[%dma_wait3A_87, %dma_wait3A_88] : memref<10000x128xf32, #tpu.memory_space<hbm>> -> memref<10000x128xf32, #tpu.memory_space<hbm>>
      tpu.wait_indirect_dma semaphore(%arg14 : memref<!tpu.dma_semaphore, #tpu.memory_space<semaphore_mem>>) src(%dma_wait3A_89 : memref<10000x128xf32, #tpu.memory_space<hbm>>) dst(%arg10 : memref<80x128xf32, #tpu.memory_space<vmem>>)
      %dma_start3A_90 = arith.constant 1 : i32
      %dma_start3A_91 = arith.constant 0 : i32
      %dma_start3A_92 = tpu.memref_slice %arg6[%dma_start3A_90, %dma_start3A_91] : memref<2x80xi32, #tpu.memory_space<vmem>> -> memref<1x80xi32, #tpu.memory_space<vmem>>
      %dma_start3A_93 = tpu.memref_squeeze %dma_start3A_92 : memref<1x80xi32, #tpu.memory_space<vmem>> -> memref<80xi32, #tpu.memory_space<vmem>>
      %dma_start3A_94 = arith.constant 0 : i32
      %dma_start3A_95 = arith.constant 0 : i32
      %dma_start3A_96 = tpu.memref_slice %arg19[%dma_start3A_94, %dma_start3A_95] : memref<10240x128xf32, #tpu.memory_space<vmem_shared>> -> memref<10240x128xf32, #tpu.memory_space<vmem_shared>>
      tpu.enqueue_indirect_dma source(%arg10 : memref<80x128xf32, #tpu.memory_space<vmem>>) target(%dma_start3A_96 : memref<10240x128xf32, #tpu.memory_space<vmem_shared>>) offsets(%dma_start3A_93 : memref<80xi32, #tpu.memory_space<vmem>>) semaphore(%arg18 : memref<!tpu.dma_semaphore, #tpu.memory_space<semaphore_mem>>) {add = true}
      %dma_wait3A_97 = arith.constant 0 : i32
      %dma_wait3A_98 = arith.constant 0 : i32
      %dma_wait3A_99 = tpu.memref_slice %arg7[%dma_wait3A_97, %dma_wait3A_98] : memref<2x80xi32, #tpu.memory_space<vmem>> -> memref<1x80xi32, #tpu.memory_space<vmem>>
      %dma_wait3A_100 = tpu.memref_squeeze %dma_wait3A_99 : memref<1x80xi32, #tpu.memory_space<vmem>> -> memref<80xi32, #tpu.memory_space<vmem>>
      %dma_wait3A_101 = arith.constant 0 : i32
      %dma_wait3A_102 = arith.constant 0 : i32
      %dma_wait3A_103 = tpu.memref_slice %arg2[%dma_wait3A_101, %dma_wait3A_102] : memref<10000x128xf32, #tpu.memory_space<hbm>> -> memref<10000x128xf32, #tpu.memory_space<hbm>>
      tpu.wait_indirect_dma semaphore(%arg15 : memref<!tpu.dma_semaphore, #tpu.memory_space<semaphore_mem>>) src(%dma_wait3A_103 : memref<10000x128xf32, #tpu.memory_space<hbm>>) dst(%arg11 : memref<80x128xf32, #tpu.memory_space<vmem>>)
      %dma_start3A_104 = arith.constant 1 : i32
      %dma_start3A_105 = arith.constant 0 : i32
      %dma_start3A_106 = tpu.memref_slice %arg7[%dma_start3A_104, %dma_start3A_105] : memref<2x80xi32, #tpu.memory_space<vmem>> -> memref<1x80xi32, #tpu.memory_space<vmem>>
      %dma_start3A_107 = tpu.memref_squeeze %dma_start3A_106 : memref<1x80xi32, #tpu.memory_space<vmem>> -> memref<80xi32, #tpu.memory_space<vmem>>
      %dma_start3A_108 = arith.constant 0 : i32
      %dma_start3A_109 = arith.constant 0 : i32
      %dma_start3A_110 = tpu.memref_slice %arg19[%dma_start3A_108, %dma_start3A_109] : memref<10240x128xf32, #tpu.memory_space<vmem_shared>> -> memref<10240x128xf32, #tpu.memory_space<vmem_shared>>
      tpu.enqueue_indirect_dma source(%arg11 : memref<80x128xf32, #tpu.memory_space<vmem>>) target(%dma_start3A_110 : memref<10240x128xf32, #tpu.memory_space<vmem_shared>>) offsets(%dma_start3A_107 : memref<80xi32, #tpu.memory_space<vmem>>) semaphore(%arg18 : memref<!tpu.dma_semaphore, #tpu.memory_space<semaphore_mem>>) {add = true}
      %dma_wait3A_111 = arith.constant 0 : i32
      %dma_wait3A_112 = arith.constant 0 : i32
      %dma_wait3A_113 = tpu.memref_slice %arg8[%dma_wait3A_111, %dma_wait3A_112] : memref<2x80xi32, #tpu.memory_space<vmem>> -> memref<1x80xi32, #tpu.memory_space<vmem>>
      %dma_wait3A_114 = tpu.memref_squeeze %dma_wait3A_113 : memref<1x80xi32, #tpu.memory_space<vmem>> -> memref<80xi32, #tpu.memory_space<vmem>>
      %dma_wait3A_115 = arith.constant 0 : i32
      %dma_wait3A_116 = arith.constant 0 : i32
      %dma_wait3A_117 = tpu.memref_slice %arg2[%dma_wait3A_115, %dma_wait3A_116] : memref<10000x128xf32, #tpu.memory_space<hbm>> -> memref<10000x128xf32, #tpu.memory_space<hbm>>
      tpu.wait_indirect_dma semaphore(%arg16 : memref<!tpu.dma_semaphore, #tpu.memory_space<semaphore_mem>>) src(%dma_wait3A_117 : memref<10000x128xf32, #tpu.memory_space<hbm>>) dst(%arg12 : memref<80x128xf32, #tpu.memory_space<vmem>>)
      %dma_start3A_118 = arith.constant 1 : i32
      %dma_start3A_119 = arith.constant 0 : i32
      %dma_start3A_120 = tpu.memref_slice %arg8[%dma_start3A_118, %dma_start3A_119] : memref<2x80xi32, #tpu.memory_space<vmem>> -> memref<1x80xi32, #tpu.memory_space<vmem>>
      %dma_start3A_121 = tpu.memref_squeeze %dma_start3A_120 : memref<1x80xi32, #tpu.memory_space<vmem>> -> memref<80xi32, #tpu.memory_space<vmem>>
      %dma_start3A_122 = arith.constant 0 : i32
      %dma_start3A_123 = arith.constant 0 : i32
      %dma_start3A_124 = tpu.memref_slice %arg19[%dma_start3A_122, %dma_start3A_123] : memref<10240x128xf32, #tpu.memory_space<vmem_shared>> -> memref<10240x128xf32, #tpu.memory_space<vmem_shared>>
      tpu.enqueue_indirect_dma source(%arg12 : memref<80x128xf32, #tpu.memory_space<vmem>>) target(%dma_start3A_124 : memref<10240x128xf32, #tpu.memory_space<vmem_shared>>) offsets(%dma_start3A_121 : memref<80xi32, #tpu.memory_space<vmem>>) semaphore(%arg18 : memref<!tpu.dma_semaphore, #tpu.memory_space<semaphore_mem>>) {add = true}
      %dma_wait3A_125 = arith.constant 0 : i32
      %dma_wait3A_126 = arith.constant 0 : i32
      %dma_wait3A_127 = tpu.memref_slice %arg9[%dma_wait3A_125, %dma_wait3A_126] : memref<2x80xi32, #tpu.memory_space<vmem>> -> memref<1x80xi32, #tpu.memory_space<vmem>>
      %dma_wait3A_128 = tpu.memref_squeeze %dma_wait3A_127 : memref<1x80xi32, #tpu.memory_space<vmem>> -> memref<80xi32, #tpu.memory_space<vmem>>
      %dma_wait3A_129 = arith.constant 0 : i32
      %dma_wait3A_130 = arith.constant 0 : i32
      %dma_wait3A_131 = tpu.memref_slice %arg2[%dma_wait3A_129, %dma_wait3A_130] : memref<10000x128xf32, #tpu.memory_space<hbm>> -> memref<10000x128xf32, #tpu.memory_space<hbm>>
      tpu.wait_indirect_dma semaphore(%arg17 : memref<!tpu.dma_semaphore, #tpu.memory_space<semaphore_mem>>) src(%dma_wait3A_131 : memref<10000x128xf32, #tpu.memory_space<hbm>>) dst(%arg13 : memref<80x128xf32, #tpu.memory_space<vmem>>)
      %dma_start3A_132 = arith.constant 1 : i32
      %dma_start3A_133 = arith.constant 0 : i32
      %dma_start3A_134 = tpu.memref_slice %arg9[%dma_start3A_132, %dma_start3A_133] : memref<2x80xi32, #tpu.memory_space<vmem>> -> memref<1x80xi32, #tpu.memory_space<vmem>>
      %dma_start3A_135 = tpu.memref_squeeze %dma_start3A_134 : memref<1x80xi32, #tpu.memory_space<vmem>> -> memref<80xi32, #tpu.memory_space<vmem>>
      %dma_start3A_136 = arith.constant 0 : i32
      %dma_start3A_137 = arith.constant 0 : i32
      %dma_start3A_138 = tpu.memref_slice %arg19[%dma_start3A_136, %dma_start3A_137] : memref<10240x128xf32, #tpu.memory_space<vmem_shared>> -> memref<10240x128xf32, #tpu.memory_space<vmem_shared>>
      tpu.enqueue_indirect_dma source(%arg13 : memref<80x128xf32, #tpu.memory_space<vmem>>) target(%dma_start3A_138 : memref<10240x128xf32, #tpu.memory_space<vmem_shared>>) offsets(%dma_start3A_135 : memref<80xi32, #tpu.memory_space<vmem>>) semaphore(%arg18 : memref<!tpu.dma_semaphore, #tpu.memory_space<semaphore_mem>>) {add = true}
      %dma_wait3A_139 = arith.constant 1 : i32
      %dma_wait3A_140 = arith.constant 0 : i32
      %dma_wait3A_141 = tpu.memref_slice %arg6[%dma_wait3A_139, %dma_wait3A_140] : memref<2x80xi32, #tpu.memory_space<vmem>> -> memref<1x80xi32, #tpu.memory_space<vmem>>
      %dma_wait3A_142 = tpu.memref_squeeze %dma_wait3A_141 : memref<1x80xi32, #tpu.memory_space<vmem>> -> memref<80xi32, #tpu.memory_space<vmem>>
      %dma_wait3A_143 = arith.constant 0 : i32
      %dma_wait3A_144 = arith.constant 0 : i32
      %dma_wait3A_145 = tpu.memref_slice %arg19[%dma_wait3A_143, %dma_wait3A_144] : memref<10240x128xf32, #tpu.memory_space<vmem_shared>> -> memref<10240x128xf32, #tpu.memory_space<vmem_shared>>
      tpu.wait_indirect_dma semaphore(%arg18 : memref<!tpu.dma_semaphore, #tpu.memory_space<semaphore_mem>>) src(%arg10 : memref<80x128xf32, #tpu.memory_space<vmem>>) dst(%dma_wait3A_145 : memref<10240x128xf32, #tpu.memory_space<vmem_shared>>)
      %dma_wait3A_146 = arith.constant 1 : i32
      %dma_wait3A_147 = arith.constant 0 : i32
      %dma_wait3A_148 = tpu.memref_slice %arg7[%dma_wait3A_146, %dma_wait3A_147] : memref<2x80xi32, #tpu.memory_space<vmem>> -> memref<1x80xi32, #tpu.memory_space<vmem>>
      %dma_wait3A_149 = tpu.memref_squeeze %dma_wait3A_148 : memref<1x80xi32, #tpu.memory_space<vmem>> -> memref<80xi32, #tpu.memory_space<vmem>>
      %dma_wait3A_150 = arith.constant 0 : i32
      %dma_wait3A_151 = arith.constant 0 : i32
      %dma_wait3A_152 = tpu.memref_slice %arg19[%dma_wait3A_150, %dma_wait3A_151] : memref<10240x128xf32, #tpu.memory_space<vmem_shared>> -> memref<10240x128xf32, #tpu.memory_space<vmem_shared>>
      tpu.wait_indirect_dma semaphore(%arg18 : memref<!tpu.dma_semaphore, #tpu.memory_space<semaphore_mem>>) src(%arg11 : memref<80x128xf32, #tpu.memory_space<vmem>>) dst(%dma_wait3A_152 : memref<10240x128xf32, #tpu.memory_space<vmem_shared>>)
      %dma_wait3A_153 = arith.constant 1 : i32
      %dma_wait3A_154 = arith.constant 0 : i32
      %dma_wait3A_155 = tpu.memref_slice %arg8[%dma_wait3A_153, %dma_wait3A_154] : memref<2x80xi32, #tpu.memory_space<vmem>> -> memref<1x80xi32, #tpu.memory_space<vmem>>
      %dma_wait3A_156 = tpu.memref_squeeze %dma_wait3A_155 : memref<1x80xi32, #tpu.memory_space<vmem>> -> memref<80xi32, #tpu.memory_space<vmem>>
      %dma_wait3A_157 = arith.constant 0 : i32
      %dma_wait3A_158 = arith.constant 0 : i32
      %dma_wait3A_159 = tpu.memref_slice %arg19[%dma_wait3A_157, %dma_wait3A_158] : memref<10240x128xf32, #tpu.memory_space<vmem_shared>> -> memref<10240x128xf32, #tpu.memory_space<vmem_shared>>
      tpu.wait_indirect_dma semaphore(%arg18 : memref<!tpu.dma_semaphore, #tpu.memory_space<semaphore_mem>>) src(%arg12 : memref<80x128xf32, #tpu.memory_space<vmem>>) dst(%dma_wait3A_159 : memref<10240x128xf32, #tpu.memory_space<vmem_shared>>)
      %dma_wait3A_160 = arith.constant 1 : i32
      %dma_wait3A_161 = arith.constant 0 : i32
      %dma_wait3A_162 = tpu.memref_slice %arg9[%dma_wait3A_160, %dma_wait3A_161] : memref<2x80xi32, #tpu.memory_space<vmem>> -> memref<1x80xi32, #tpu.memory_space<vmem>>
      %dma_wait3A_163 = tpu.memref_squeeze %dma_wait3A_162 : memref<1x80xi32, #tpu.memory_space<vmem>> -> memref<80xi32, #tpu.memory_space<vmem>>
      %dma_wait3A_164 = arith.constant 0 : i32
      %dma_wait3A_165 = arith.constant 0 : i32
      %dma_wait3A_166 = tpu.memref_slice %arg19[%dma_wait3A_164, %dma_wait3A_165] : memref<10240x128xf32, #tpu.memory_space<vmem_shared>> -> memref<10240x128xf32, #tpu.memory_space<vmem_shared>>
      tpu.wait_indirect_dma semaphore(%arg18 : memref<!tpu.dma_semaphore, #tpu.memory_space<semaphore_mem>>) src(%arg13 : memref<80x128xf32, #tpu.memory_space<vmem>>) dst(%dma_wait3A_166 : memref<10240x128xf32, #tpu.memory_space<vmem_shared>>)
    }
    %scan3A_11 = arith.constant 31 : i32
    %add3A_12 = arith.constant 124 : i32
    %add3A_13 = arith.addi %mul3A_6, %add3A_12 : i32
    "tpu.region"() ({
      %run_scoped3A_34 = tpu.sem_alloc : memref<!tpu.dma_semaphore, #tpu.memory_space<semaphore_mem>>
      %dma_start3A_35 = arith.constant 0 : i32
      %dma_start3A_36 = arith.constant 0 : i32
      %dma_start3A_37 = tpu.memref_slice %arg3[%add3A_13, %dma_start3A_35, %dma_start3A_36] : memref<4000x2x80xi32, #tpu.memory_space<hbm>> -> memref<1x2x80xi32, #tpu.memory_space<hbm>>
      %dma_start3A_38 = tpu.memref_squeeze %dma_start3A_37 : memref<1x2x80xi32, #tpu.memory_space<hbm>> -> memref<2x80xi32, #tpu.memory_space<hbm>>
      %dma_start3A_39 = arith.constant 0 : i32
      %dma_start3A_40 = arith.constant 0 : i32
      %dma_start3A_41 = tpu.memref_slice %arg3[%add3A_13, %dma_start3A_39, %dma_start3A_40] : memref<4000x2x80xi32, #tpu.memory_space<hbm>> -> memref<1x2x80xi32, #tpu.memory_space<hbm>>
      %dma_start3A_42 = tpu.memref_squeeze %dma_start3A_41 : memref<1x2x80xi32, #tpu.memory_space<hbm>> -> memref<2x80xi32, #tpu.memory_space<hbm>>
      tpu.enqueue_dma source(%dma_start3A_42 : memref<2x80xi32, #tpu.memory_space<hbm>>) target(%arg6 : memref<2x80xi32, #tpu.memory_space<vmem>>) target_semaphore(%run_scoped3A_34 : memref<!tpu.dma_semaphore, #tpu.memory_space<semaphore_mem>>)
      %dma_wait3A_43 = arith.constant 0 : i32
      %dma_wait3A_44 = arith.constant 0 : i32
      %dma_wait3A_45 = tpu.memref_slice %arg3[%add3A_13, %dma_wait3A_43, %dma_wait3A_44] : memref<4000x2x80xi32, #tpu.memory_space<hbm>> -> memref<1x2x80xi32, #tpu.memory_space<hbm>>
      %dma_wait3A_46 = tpu.memref_squeeze %dma_wait3A_45 : memref<1x2x80xi32, #tpu.memory_space<hbm>> -> memref<2x80xi32, #tpu.memory_space<hbm>>
      %dma_wait3A_47 = arith.constant 0 : i32
      %dma_wait3A_48 = arith.constant 0 : i32
      %dma_wait3A_49 = tpu.memref_slice %arg3[%add3A_13, %dma_wait3A_47, %dma_wait3A_48] : memref<4000x2x80xi32, #tpu.memory_space<hbm>> -> memref<1x2x80xi32, #tpu.memory_space<hbm>>
      %dma_wait3A_50 = tpu.memref_squeeze %dma_wait3A_49 : memref<1x2x80xi32, #tpu.memory_space<hbm>> -> memref<2x80xi32, #tpu.memory_space<hbm>>
      tpu.wait_dma2 semaphore(%run_scoped3A_34 : memref<!tpu.dma_semaphore, #tpu.memory_space<semaphore_mem>>) src(%dma_wait3A_50 : memref<2x80xi32, #tpu.memory_space<hbm>>) dst(%arg6 : memref<2x80xi32, #tpu.memory_space<vmem>>)
      tpu.yield
    }) : () -> ()
    %dma_start3A = arith.constant 0 : i32
    %dma_start3A_14 = arith.constant 0 : i32
    %dma_start3A_15 = tpu.memref_slice %arg6[%dma_start3A, %dma_start3A_14] : memref<2x80xi32, #tpu.memory_space<vmem>> -> memref<1x80xi32, #tpu.memory_space<vmem>>
    %dma_start3A_16 = tpu.memref_squeeze %dma_start3A_15 : memref<1x80xi32, #tpu.memory_space<vmem>> -> memref<80xi32, #tpu.memory_space<vmem>>
    %dma_start3A_17 = arith.constant 0 : i32
    %dma_start3A_18 = arith.constant 0 : i32
    %dma_start3A_19 = tpu.memref_slice %arg2[%dma_start3A_17, %dma_start3A_18] : memref<10000x128xf32, #tpu.memory_space<hbm>> -> memref<10000x128xf32, #tpu.memory_space<hbm>>
    tpu.enqueue_indirect_dma source(%dma_start3A_19 : memref<10000x128xf32, #tpu.memory_space<hbm>>) target(%arg10 : memref<80x128xf32, #tpu.memory_space<vmem>>) offsets(%dma_start3A_16 : memref<80xi32, #tpu.memory_space<vmem>>) semaphore(%arg14 : memref<!tpu.dma_semaphore, #tpu.memory_space<semaphore_mem>>)
    %dma_wait3A = arith.constant 0 : i32
    %dma_wait3A_20 = arith.constant 0 : i32
    %dma_wait3A_21 = tpu.memref_slice %arg6[%dma_wait3A, %dma_wait3A_20] : memref<2x80xi32, #tpu.memory_space<vmem>> -> memref<1x80xi32, #tpu.memory_space<vmem>>
    %dma_wait3A_22 = tpu.memref_squeeze %dma_wait3A_21 : memref<1x80xi32, #tpu.memory_space<vmem>> -> memref<80xi32, #tpu.memory_space<vmem>>
    %dma_wait3A_23 = arith.constant 0 : i32
    %dma_wait3A_24 = arith.constant 0 : i32
    %dma_wait3A_25 = tpu.memref_slice %arg2[%dma_wait3A_23, %dma_wait3A_24] : memref<10000x128xf32, #tpu.memory_space<hbm>> -> memref<10000x128xf32, #tpu.memory_space<hbm>>
    tpu.wait_indirect_dma semaphore(%arg14 : memref<!tpu.dma_semaphore, #tpu.memory_space<semaphore_mem>>) src(%dma_wait3A_25 : memref<10000x128xf32, #tpu.memory_space<hbm>>) dst(%arg10 : memref<80x128xf32, #tpu.memory_space<vmem>>)
    %run_scoped3A = arith.constant 1 : i32
    "tpu.region"() ({
      %run_scoped3A_34 = tpu.sem_alloc : memref<!tpu.dma_semaphore, #tpu.memory_space<semaphore_mem>>
      %dma_start3A_35 = arith.constant 0 : i32
      %dma_start3A_36 = tpu.memref_slice %arg6[%run_scoped3A, %dma_start3A_35] : memref<2x80xi32, #tpu.memory_space<vmem>> -> memref<1x80xi32, #tpu.memory_space<vmem>>
      %dma_start3A_37 = tpu.memref_squeeze %dma_start3A_36 : memref<1x80xi32, #tpu.memory_space<vmem>> -> memref<80xi32, #tpu.memory_space<vmem>>
      %dma_start3A_38 = arith.constant 0 : i32
      %dma_start3A_39 = arith.constant 0 : i32
      %dma_start3A_40 = tpu.memref_slice %arg19[%dma_start3A_38, %dma_start3A_39] : memref<10240x128xf32, #tpu.memory_space<vmem_shared>> -> memref<10240x128xf32, #tpu.memory_space<vmem_shared>>
      tpu.enqueue_indirect_dma source(%arg10 : memref<80x128xf32, #tpu.memory_space<vmem>>) target(%dma_start3A_40 : memref<10240x128xf32, #tpu.memory_space<vmem_shared>>) offsets(%dma_start3A_37 : memref<80xi32, #tpu.memory_space<vmem>>) semaphore(%run_scoped3A_34 : memref<!tpu.dma_semaphore, #tpu.memory_space<semaphore_mem>>) {add = true}
      %dma_wait3A_41 = arith.constant 0 : i32
      %dma_wait3A_42 = tpu.memref_slice %arg6[%run_scoped3A, %dma_wait3A_41] : memref<2x80xi32, #tpu.memory_space<vmem>> -> memref<1x80xi32, #tpu.memory_space<vmem>>
      %dma_wait3A_43 = tpu.memref_squeeze %dma_wait3A_42 : memref<1x80xi32, #tpu.memory_space<vmem>> -> memref<80xi32, #tpu.memory_space<vmem>>
      %dma_wait3A_44 = arith.constant 0 : i32
      %dma_wait3A_45 = arith.constant 0 : i32
      %dma_wait3A_46 = tpu.memref_slice %arg19[%dma_wait3A_44, %dma_wait3A_45] : memref<10240x128xf32, #tpu.memory_space<vmem_shared>> -> memref<10240x128xf32, #tpu.memory_space<vmem_shared>>
      tpu.wait_indirect_dma semaphore(%run_scoped3A_34 : memref<!tpu.dma_semaphore, #tpu.memory_space<semaphore_mem>>) src(%arg10 : memref<80x128xf32, #tpu.memory_space<vmem>>) dst(%dma_wait3A_46 : memref<10240x128xf32, #tpu.memory_space<vmem_shared>>)
      tpu.yield
    }) : () -> ()
    %barrier3A_26 = arith.constant 0 : index
    tpu.barrier barrier_id(%barrier3A_26)
    %mul3A_27 = arith.constant 640 : i32
    %mul3A_28 = arith.muli %arg1, %mul3A_27 : i32
    %mul3A_29 = arith.constant 10240 : i32
    %mul3A_30 = arith.muli %arg0, %mul3A_29 : i32
    %mul3A_31 = arith.constant 640 : i32
    %mul3A_32 = arith.muli %arg1, %mul3A_31 : i32
    %add3A_33 = arith.addi %mul3A_30, %mul3A_32 : i32
    "tpu.region"() ({
      %run_scoped3A_34 = tpu.sem_alloc : memref<!tpu.dma_semaphore, #tpu.memory_space<semaphore_mem>>
      %dma_start3A_35 = arith.constant 0 : i32
      %dma_start3A_36 = tpu.memref_slice %arg5[%add3A_33, %dma_start3A_35] : memref<20480x128xf32, #tpu.memory_space<hbm>> -> memref<640x128xf32, #tpu.memory_space<hbm>>
      %dma_start3A_37 = arith.constant 0 : i32
      %dma_start3A_38 = tpu.memref_slice %arg19[%mul3A_28, %dma_start3A_37] : memref<10240x128xf32, #tpu.memory_space<vmem_shared>> -> memref<640x128xf32, #tpu.memory_space<vmem_shared>>
      tpu.enqueue_dma source(%dma_start3A_38 : memref<640x128xf32, #tpu.memory_space<vmem_shared>>) target(%dma_start3A_36 : memref<640x128xf32, #tpu.memory_space<hbm>>) target_semaphore(%run_scoped3A_34 : memref<!tpu.dma_semaphore, #tpu.memory_space<semaphore_mem>>)
      %dma_wait3A_39 = arith.constant 0 : i32
      %dma_wait3A_40 = tpu.memref_slice %arg5[%add3A_33, %dma_wait3A_39] : memref<20480x128xf32, #tpu.memory_space<hbm>> -> memref<640x128xf32, #tpu.memory_space<hbm>>
      %dma_wait3A_41 = arith.constant 0 : i32
      %dma_wait3A_42 = tpu.memref_slice %arg19[%mul3A_28, %dma_wait3A_41] : memref<10240x128xf32, #tpu.memory_space<vmem_shared>> -> memref<640x128xf32, #tpu.memory_space<vmem_shared>>
      tpu.wait_dma2 semaphore(%run_scoped3A_34 : memref<!tpu.dma_semaphore, #tpu.memory_space<semaphore_mem>>) src(%dma_wait3A_42 : memref<640x128xf32, #tpu.memory_space<vmem_shared>>) dst(%dma_wait3A_40 : memref<640x128xf32, #tpu.memory_space<hbm>>)
      tpu.yield
    }) : () -> ()
    return
  }
}

#map = affine_map<(d0, d1) -> (0, 0)>
#map1 = affine_map<(d0, d1) -> (0, 0, 0)>
module attributes {stable_mosaic.version = 14 : i64} {
  func.func @agg_kernel(%arg0: i32, %arg1: i32, %arg2: memref<10000x128xf32, #tpu.memory_space<hbm>>, %arg3: memref<4000x2x80xi32, #tpu.memory_space<hbm>>, %arg4: memref<10240x128xf32, #tpu.memory_space<hbm>>, %arg5: memref<20480x128xf32, #tpu.memory_space<hbm>>, %arg6: memref<2x80xi32, #tpu.memory_space<vmem>>, %arg7: memref<2x80xi32, #tpu.memory_space<vmem>>, %arg8: memref<2x80xi32, #tpu.memory_space<vmem>>, %arg9: memref<2x80xi32, #tpu.memory_space<vmem>>, %arg10: memref<80x128xf32, #tpu.memory_space<vmem>>, %arg11: memref<80x128xf32, #tpu.memory_space<vmem>>, %arg12: memref<80x128xf32, #tpu.memory_space<vmem>>, %arg13: memref<80x128xf32, #tpu.memory_space<vmem>>, %arg14: memref<!tpu.dma_semaphore, #tpu.memory_space<semaphore_mem>>, %arg15: memref<!tpu.dma_semaphore, #tpu.memory_space<semaphore_mem>>, %arg16: memref<!tpu.dma_semaphore, #tpu.memory_space<semaphore_mem>>, %arg17: memref<!tpu.dma_semaphore, #tpu.memory_space<semaphore_mem>>, %arg18: memref<!tpu.dma_semaphore, #tpu.memory_space<semaphore_mem>>, %arg19: memref<10240x128xf32, #tpu.memory_space<vmem_shared>>) attributes {dimension_semantics = [#tpu.dimension_semantics<core_parallel>, #tpu.dimension_semantics<subcore_parallel>], iteration_bounds = array<i64: 2, 16>, scalar_prefetch = 0 : i64, scratch_operands = 14 : i64, tpu.core_type = #tpu.core_type<sc_vector_subcore>, window_params = [{transform_indices = #map}, {transform_indices = #map1}, {transform_indices = #map}, {transform_indices = #map}]} {
    %mul3A = arith.constant 16 : i32
    %mul3A_0 = arith.muli %arg0, %mul3A : i32
    %add3A = arith.addi %mul3A_0, %arg1 : i32
    %mul3A_1 = arith.constant 640 : i32
    %mul3A_2 = arith.muli %arg1, %mul3A_1 : i32
    %mul3A_3 = arith.constant 640 : i32
    %mul3A_4 = arith.muli %arg1, %mul3A_3 : i32
    "tpu.region"() ({
      %run_scoped3A_34 = tpu.sem_alloc : memref<!tpu.dma_semaphore, #tpu.memory_space<semaphore_mem>>
      %dma_start3A_35 = arith.constant 0 : i32
      %dma_start3A_36 = tpu.memref_slice %arg19[%mul3A_4, %dma_start3A_35] : memref<10240x128xf32, #tpu.memory_space<vmem_shared>> -> memref<640x128xf32, #tpu.memory_space<vmem_shared>>
      %dma_start3A_37 = arith.constant 0 : i32
      %dma_start3A_38 = tpu.memref_slice %arg4[%mul3A_2, %dma_start3A_37] : memref<10240x128xf32, #tpu.memory_space<hbm>> -> memref<640x128xf32, #tpu.memory_space<hbm>>
      tpu.enqueue_dma source(%dma_start3A_38 : memref<640x128xf32, #tpu.memory_space<hbm>>) target(%dma_start3A_36 : memref<640x128xf32, #tpu.memory_space<vmem_shared>>) target_semaphore(%run_scoped3A_34 : memref<!tpu.dma_semaphore, #tpu.memory_space<semaphore_mem>>)
      %dma_wait3A_39 = arith.constant 0 : i32
      %dma_wait3A_40 = tpu.memref_slice %arg19[%mul3A_4, %dma_wait3A_39] : memref<10240x128xf32, #tpu.memory_space<vmem_shared>> -> memref<640x128xf32, #tpu.memory_space<vmem_shared>>
      %dma_wait3A_41 = arith.constant 0 : i32
      %dma_wait3A_42 = tpu.memref_slice %arg4[%mul3A_2, %dma_wait3A_41] : memref<10240x128xf32, #tpu.memory_space<hbm>> -> memref<640x128xf32, #tpu.memory_space<hbm>>
      tpu.wait_dma2 semaphore(%run_scoped3A_34 : memref<!tpu.dma_semaphore, #tpu.memory_space<semaphore_mem>>) src(%dma_wait3A_42 : memref<640x128xf32, #tpu.memory_space<hbm>>) dst(%dma_wait3A_40 : memref<640x128xf32, #tpu.memory_space<vmem_shared>>)
      tpu.yield
    }) : () -> ()
    %barrier3A = arith.constant 0 : index
    tpu.barrier barrier_id(%barrier3A)
    %mul3A_5 = arith.constant 125 : i32
    %mul3A_6 = arith.muli %add3A, %mul3A_5 : i32
    %scan3A = arith.constant 0 : i32
    %scan3A_7 = arith.constant 0 : i32
    %scan3A_8 = arith.constant 31 : i32
    %scan3A_9 = arith.addi %scan3A_7, %scan3A_8 : i32
    %scan3A_10 = arith.constant 1 : i32
    scf.for %scan3A_34 = %scan3A_7 to %scan3A_9 step %scan3A_10  : i32 {
      %mul3A_35 = arith.constant 4 : i32
      %mul3A_36 = arith.muli %mul3A_35, %scan3A_34 : i32
      %add3A_37 = arith.addi %mul3A_6, %mul3A_36 : i32
      %add3A_38 = arith.constant 0 : i32
      %add3A_39 = arith.addi %add3A_37, %add3A_38 : i32
      "tpu.region"() ({
        %run_scoped3A_167 = tpu.sem_alloc : memref<!tpu.dma_semaphore, #tpu.memory_space<semaphore_mem>>
        %dma_start3A_168 = arith.constant 0 : i32
        %dma_start3A_169 = arith.constant 0 : i32
        %dma_start3A_170 = tpu.memref_slice %arg3[%add3A_39, %dma_start3A_168, %dma_start3A_169] : memref<4000x2x80xi32, #tpu.memory_space<hbm>> -> memref<1x2x80xi32, #tpu.memory_space<hbm>>
        %dma_start3A_171 = tpu.memref_squeeze %dma_start3A_170 : memref<1x2x80xi32, #tpu.memory_space<hbm>> -> memref<2x80xi32, #tpu.memory_space<hbm>>
        %dma_start3A_172 = arith.constant 0 : i32
        %dma_start3A_173 = arith.constant 0 : i32
        %dma_start3A_174 = tpu.memref_slice %arg3[%add3A_39, %dma_start3A_172, %dma_start3A_173] : memref<4000x2x80xi32, #tpu.memory_space<hbm>> -> memref<1x2x80xi32, #tpu.memory_space<hbm>>
        %dma_start3A_175 = tpu.memref_squeeze %dma_start3A_174 : memref<1x2x80xi32, #tpu.memory_space<hbm>> -> memref<2x80xi32, #tpu.memory_space<hbm>>
        tpu.enqueue_dma source(%dma_start3A_175 : memref<2x80xi32, #tpu.memory_space<hbm>>) target(%arg6 : memref<2x80xi32, #tpu.memory_space<vmem>>) target_semaphore(%run_scoped3A_167 : memref<!tpu.dma_semaphore, #tpu.memory_space<semaphore_mem>>)
        %dma_wait3A_176 = arith.constant 0 : i32
        %dma_wait3A_177 = arith.constant 0 : i32
        %dma_wait3A_178 = tpu.memref_slice %arg3[%add3A_39, %dma_wait3A_176, %dma_wait3A_177] : memref<4000x2x80xi32, #tpu.memory_space<hbm>> -> memref<1x2x80xi32, #tpu.memory_space<hbm>>
        %dma_wait3A_179 = tpu.memref_squeeze %dma_wait3A_178 : memref<1x2x80xi32, #tpu.memory_space<hbm>> -> memref<2x80xi32, #tpu.memory_space<hbm>>
        %dma_wait3A_180 = arith.constant 0 : i32
        %dma_wait3A_181 = arith.constant 0 : i32
        %dma_wait3A_182 = tpu.memref_slice %arg3[%add3A_39, %dma_wait3A_180, %dma_wait3A_181] : memref<4000x2x80xi32, #tpu.memory_space<hbm>> -> memref<1x2x80xi32, #tpu.memory_space<hbm>>
        %dma_wait3A_183 = tpu.memref_squeeze %dma_wait3A_182 : memref<1x2x80xi32, #tpu.memory_space<hbm>> -> memref<2x80xi32, #tpu.memory_space<hbm>>
        tpu.wait_dma2 semaphore(%run_scoped3A_167 : memref<!tpu.dma_semaphore, #tpu.memory_space<semaphore_mem>>) src(%dma_wait3A_183 : memref<2x80xi32, #tpu.memory_space<hbm>>) dst(%arg6 : memref<2x80xi32, #tpu.memory_space<vmem>>)
        tpu.yield
      }) : () -> ()
      %dma_start3A_40 = arith.constant 0 : i32
      %dma_start3A_41 = arith.constant 0 : i32
      %dma_start3A_42 = tpu.memref_slice %arg6[%dma_start3A_40, %dma_start3A_41] : memref<2x80xi32, #tpu.memory_space<vmem>> -> memref<1x80xi32, #tpu.memory_space<vmem>>
      %dma_start3A_43 = tpu.memref_squeeze %dma_start3A_42 : memref<1x80xi32, #tpu.memory_space<vmem>> -> memref<80xi32, #tpu.memory_space<vmem>>
      %dma_start3A_44 = arith.constant 0 : i32
      %dma_start3A_45 = arith.constant 0 : i32
      %dma_start3A_46 = tpu.memref_slice %arg2[%dma_start3A_44, %dma_start3A_45] : memref<10000x128xf32, #tpu.memory_space<hbm>> -> memref<10000x128xf32, #tpu.memory_space<hbm>>
      tpu.enqueue_indirect_dma source(%dma_start3A_46 : memref<10000x128xf32, #tpu.memory_space<hbm>>) target(%arg10 : memref<80x128xf32, #tpu.memory_space<vmem>>) offsets(%dma_start3A_43 : memref<80xi32, #tpu.memory_space<vmem>>) semaphore(%arg14 : memref<!tpu.dma_semaphore, #tpu.memory_space<semaphore_mem>>)
      %mul3A_47 = arith.constant 4 : i32
      %mul3A_48 = arith.muli %mul3A_47, %scan3A_34 : i32
      %add3A_49 = arith.addi %mul3A_6, %mul3A_48 : i32
      %add3A_50 = arith.constant 1 : i32
      %add3A_51 = arith.addi %add3A_49, %add3A_50 : i32
      "tpu.region"() ({
        %run_scoped3A_167 = tpu.sem_alloc : memref<!tpu.dma_semaphore, #tpu.memory_space<semaphore_mem>>
        %dma_start3A_168 = arith.constant 0 : i32
        %dma_start3A_169 = arith.constant 0 : i32
        %dma_start3A_170 = tpu.memref_slice %arg3[%add3A_51, %dma_start3A_168, %dma_start3A_169] : memref<4000x2x80xi32, #tpu.memory_space<hbm>> -> memref<1x2x80xi32, #tpu.memory_space<hbm>>
        %dma_start3A_171 = tpu.memref_squeeze %dma_start3A_170 : memref<1x2x80xi32, #tpu.memory_space<hbm>> -> memref<2x80xi32, #tpu.memory_space<hbm>>
        %dma_start3A_172 = arith.constant 0 : i32
        %dma_start3A_173 = arith.constant 0 : i32
        %dma_start3A_174 = tpu.memref_slice %arg3[%add3A_51, %dma_start3A_172, %dma_start3A_173] : memref<4000x2x80xi32, #tpu.memory_space<hbm>> -> memref<1x2x80xi32, #tpu.memory_space<hbm>>
        %dma_start3A_175 = tpu.memref_squeeze %dma_start3A_174 : memref<1x2x80xi32, #tpu.memory_space<hbm>> -> memref<2x80xi32, #tpu.memory_space<hbm>>
        tpu.enqueue_dma source(%dma_start3A_175 : memref<2x80xi32, #tpu.memory_space<hbm>>) target(%arg7 : memref<2x80xi32, #tpu.memory_space<vmem>>) target_semaphore(%run_scoped3A_167 : memref<!tpu.dma_semaphore, #tpu.memory_space<semaphore_mem>>)
        %dma_wait3A_176 = arith.constant 0 : i32
        %dma_wait3A_177 = arith.constant 0 : i32
        %dma_wait3A_178 = tpu.memref_slice %arg3[%add3A_51, %dma_wait3A_176, %dma_wait3A_177] : memref<4000x2x80xi32, #tpu.memory_space<hbm>> -> memref<1x2x80xi32, #tpu.memory_space<hbm>>
        %dma_wait3A_179 = tpu.memref_squeeze %dma_wait3A_178 : memref<1x2x80xi32, #tpu.memory_space<hbm>> -> memref<2x80xi32, #tpu.memory_space<hbm>>
        %dma_wait3A_180 = arith.constant 0 : i32
        %dma_wait3A_181 = arith.constant 0 : i32
        %dma_wait3A_182 = tpu.memref_slice %arg3[%add3A_51, %dma_wait3A_180, %dma_wait3A_181] : memref<4000x2x80xi32, #tpu.memory_space<hbm>> -> memref<1x2x80xi32, #tpu.memory_space<hbm>>
        %dma_wait3A_183 = tpu.memref_squeeze %dma_wait3A_182 : memref<1x2x80xi32, #tpu.memory_space<hbm>> -> memref<2x80xi32, #tpu.memory_space<hbm>>
        tpu.wait_dma2 semaphore(%run_scoped3A_167 : memref<!tpu.dma_semaphore, #tpu.memory_space<semaphore_mem>>) src(%dma_wait3A_183 : memref<2x80xi32, #tpu.memory_space<hbm>>) dst(%arg7 : memref<2x80xi32, #tpu.memory_space<vmem>>)
        tpu.yield
      }) : () -> ()
      %dma_start3A_52 = arith.constant 0 : i32
      %dma_start3A_53 = arith.constant 0 : i32
      %dma_start3A_54 = tpu.memref_slice %arg7[%dma_start3A_52, %dma_start3A_53] : memref<2x80xi32, #tpu.memory_space<vmem>> -> memref<1x80xi32, #tpu.memory_space<vmem>>
      %dma_start3A_55 = tpu.memref_squeeze %dma_start3A_54 : memref<1x80xi32, #tpu.memory_space<vmem>> -> memref<80xi32, #tpu.memory_space<vmem>>
      %dma_start3A_56 = arith.constant 0 : i32
      %dma_start3A_57 = arith.constant 0 : i32
      %dma_start3A_58 = tpu.memref_slice %arg2[%dma_start3A_56, %dma_start3A_57] : memref<10000x128xf32, #tpu.memory_space<hbm>> -> memref<10000x128xf32, #tpu.memory_space<hbm>>
      tpu.enqueue_indirect_dma source(%dma_start3A_58 : memref<10000x128xf32, #tpu.memory_space<hbm>>) target(%arg11 : memref<80x128xf32, #tpu.memory_space<vmem>>) offsets(%dma_start3A_55 : memref<80xi32, #tpu.memory_space<vmem>>) semaphore(%arg15 : memref<!tpu.dma_semaphore, #tpu.memory_space<semaphore_mem>>)
      %mul3A_59 = arith.constant 4 : i32
      %mul3A_60 = arith.muli %mul3A_59, %scan3A_34 : i32
      %add3A_61 = arith.addi %mul3A_6, %mul3A_60 : i32
      %add3A_62 = arith.constant 2 : i32
      %add3A_63 = arith.addi %add3A_61, %add3A_62 : i32
      "tpu.region"() ({
        %run_scoped3A_167 = tpu.sem_alloc : memref<!tpu.dma_semaphore, #tpu.memory_space<semaphore_mem>>
        %dma_start3A_168 = arith.constant 0 : i32
        %dma_start3A_169 = arith.constant 0 : i32
        %dma_start3A_170 = tpu.memref_slice %arg3[%add3A_63, %dma_start3A_168, %dma_start3A_169] : memref<4000x2x80xi32, #tpu.memory_space<hbm>> -> memref<1x2x80xi32, #tpu.memory_space<hbm>>
        %dma_start3A_171 = tpu.memref_squeeze %dma_start3A_170 : memref<1x2x80xi32, #tpu.memory_space<hbm>> -> memref<2x80xi32, #tpu.memory_space<hbm>>
        %dma_start3A_172 = arith.constant 0 : i32
        %dma_start3A_173 = arith.constant 0 : i32
        %dma_start3A_174 = tpu.memref_slice %arg3[%add3A_63, %dma_start3A_172, %dma_start3A_173] : memref<4000x2x80xi32, #tpu.memory_space<hbm>> -> memref<1x2x80xi32, #tpu.memory_space<hbm>>
        %dma_start3A_175 = tpu.memref_squeeze %dma_start3A_174 : memref<1x2x80xi32, #tpu.memory_space<hbm>> -> memref<2x80xi32, #tpu.memory_space<hbm>>
        tpu.enqueue_dma source(%dma_start3A_175 : memref<2x80xi32, #tpu.memory_space<hbm>>) target(%arg8 : memref<2x80xi32, #tpu.memory_space<vmem>>) target_semaphore(%run_scoped3A_167 : memref<!tpu.dma_semaphore, #tpu.memory_space<semaphore_mem>>)
        %dma_wait3A_176 = arith.constant 0 : i32
        %dma_wait3A_177 = arith.constant 0 : i32
        %dma_wait3A_178 = tpu.memref_slice %arg3[%add3A_63, %dma_wait3A_176, %dma_wait3A_177] : memref<4000x2x80xi32, #tpu.memory_space<hbm>> -> memref<1x2x80xi32, #tpu.memory_space<hbm>>
        %dma_wait3A_179 = tpu.memref_squeeze %dma_wait3A_178 : memref<1x2x80xi32, #tpu.memory_space<hbm>> -> memref<2x80xi32, #tpu.memory_space<hbm>>
        %dma_wait3A_180 = arith.constant 0 : i32
        %dma_wait3A_181 = arith.constant 0 : i32
        %dma_wait3A_182 = tpu.memref_slice %arg3[%add3A_63, %dma_wait3A_180, %dma_wait3A_181] : memref<4000x2x80xi32, #tpu.memory_space<hbm>> -> memref<1x2x80xi32, #tpu.memory_space<hbm>>
        %dma_wait3A_183 = tpu.memref_squeeze %dma_wait3A_182 : memref<1x2x80xi32, #tpu.memory_space<hbm>> -> memref<2x80xi32, #tpu.memory_space<hbm>>
        tpu.wait_dma2 semaphore(%run_scoped3A_167 : memref<!tpu.dma_semaphore, #tpu.memory_space<semaphore_mem>>) src(%dma_wait3A_183 : memref<2x80xi32, #tpu.memory_space<hbm>>) dst(%arg8 : memref<2x80xi32, #tpu.memory_space<vmem>>)
        tpu.yield
      }) : () -> ()
      %dma_start3A_64 = arith.constant 0 : i32
      %dma_start3A_65 = arith.constant 0 : i32
      %dma_start3A_66 = tpu.memref_slice %arg8[%dma_start3A_64, %dma_start3A_65] : memref<2x80xi32, #tpu.memory_space<vmem>> -> memref<1x80xi32, #tpu.memory_space<vmem>>
      %dma_start3A_67 = tpu.memref_squeeze %dma_start3A_66 : memref<1x80xi32, #tpu.memory_space<vmem>> -> memref<80xi32, #tpu.memory_space<vmem>>
      %dma_start3A_68 = arith.constant 0 : i32
      %dma_start3A_69 = arith.constant 0 : i32
      %dma_start3A_70 = tpu.memref_slice %arg2[%dma_start3A_68, %dma_start3A_69] : memref<10000x128xf32, #tpu.memory_space<hbm>> -> memref<10000x128xf32, #tpu.memory_space<hbm>>
      tpu.enqueue_indirect_dma source(%dma_start3A_70 : memref<10000x128xf32, #tpu.memory_space<hbm>>) target(%arg12 : memref<80x128xf32, #tpu.memory_space<vmem>>) offsets(%dma_start3A_67 : memref<80xi32, #tpu.memory_space<vmem>>) semaphore(%arg16 : memref<!tpu.dma_semaphore, #tpu.memory_space<semaphore_mem>>)
      %mul3A_71 = arith.constant 4 : i32
      %mul3A_72 = arith.muli %mul3A_71, %scan3A_34 : i32
      %add3A_73 = arith.addi %mul3A_6, %mul3A_72 : i32
      %add3A_74 = arith.constant 3 : i32
      %add3A_75 = arith.addi %add3A_73, %add3A_74 : i32
      "tpu.region"() ({
        %run_scoped3A_167 = tpu.sem_alloc : memref<!tpu.dma_semaphore, #tpu.memory_space<semaphore_mem>>
        %dma_start3A_168 = arith.constant 0 : i32
        %dma_start3A_169 = arith.constant 0 : i32
        %dma_start3A_170 = tpu.memref_slice %arg3[%add3A_75, %dma_start3A_168, %dma_start3A_169] : memref<4000x2x80xi32, #tpu.memory_space<hbm>> -> memref<1x2x80xi32, #tpu.memory_space<hbm>>
        %dma_start3A_171 = tpu.memref_squeeze %dma_start3A_170 : memref<1x2x80xi32, #tpu.memory_space<hbm>> -> memref<2x80xi32, #tpu.memory_space<hbm>>
        %dma_start3A_172 = arith.constant 0 : i32
        %dma_start3A_173 = arith.constant 0 : i32
        %dma_start3A_174 = tpu.memref_slice %arg3[%add3A_75, %dma_start3A_172, %dma_start3A_173] : memref<4000x2x80xi32, #tpu.memory_space<hbm>> -> memref<1x2x80xi32, #tpu.memory_space<hbm>>
        %dma_start3A_175 = tpu.memref_squeeze %dma_start3A_174 : memref<1x2x80xi32, #tpu.memory_space<hbm>> -> memref<2x80xi32, #tpu.memory_space<hbm>>
        tpu.enqueue_dma source(%dma_start3A_175 : memref<2x80xi32, #tpu.memory_space<hbm>>) target(%arg9 : memref<2x80xi32, #tpu.memory_space<vmem>>) target_semaphore(%run_scoped3A_167 : memref<!tpu.dma_semaphore, #tpu.memory_space<semaphore_mem>>)
        %dma_wait3A_176 = arith.constant 0 : i32
        %dma_wait3A_177 = arith.constant 0 : i32
        %dma_wait3A_178 = tpu.memref_slice %arg3[%add3A_75, %dma_wait3A_176, %dma_wait3A_177] : memref<4000x2x80xi32, #tpu.memory_space<hbm>> -> memref<1x2x80xi32, #tpu.memory_space<hbm>>
        %dma_wait3A_179 = tpu.memref_squeeze %dma_wait3A_178 : memref<1x2x80xi32, #tpu.memory_space<hbm>> -> memref<2x80xi32, #tpu.memory_space<hbm>>
        %dma_wait3A_180 = arith.constant 0 : i32
        %dma_wait3A_181 = arith.constant 0 : i32
        %dma_wait3A_182 = tpu.memref_slice %arg3[%add3A_75, %dma_wait3A_180, %dma_wait3A_181] : memref<4000x2x80xi32, #tpu.memory_space<hbm>> -> memref<1x2x80xi32, #tpu.memory_space<hbm>>
        %dma_wait3A_183 = tpu.memref_squeeze %dma_wait3A_182 : memref<1x2x80xi32, #tpu.memory_space<hbm>> -> memref<2x80xi32, #tpu.memory_space<hbm>>
        tpu.wait_dma2 semaphore(%run_scoped3A_167 : memref<!tpu.dma_semaphore, #tpu.memory_space<semaphore_mem>>) src(%dma_wait3A_183 : memref<2x80xi32, #tpu.memory_space<hbm>>) dst(%arg9 : memref<2x80xi32, #tpu.memory_space<vmem>>)
        tpu.yield
      }) : () -> ()
      %dma_start3A_76 = arith.constant 0 : i32
      %dma_start3A_77 = arith.constant 0 : i32
      %dma_start3A_78 = tpu.memref_slice %arg9[%dma_start3A_76, %dma_start3A_77] : memref<2x80xi32, #tpu.memory_space<vmem>> -> memref<1x80xi32, #tpu.memory_space<vmem>>
      %dma_start3A_79 = tpu.memref_squeeze %dma_start3A_78 : memref<1x80xi32, #tpu.memory_space<vmem>> -> memref<80xi32, #tpu.memory_space<vmem>>
      %dma_start3A_80 = arith.constant 0 : i32
      %dma_start3A_81 = arith.constant 0 : i32
      %dma_start3A_82 = tpu.memref_slice %arg2[%dma_start3A_80, %dma_start3A_81] : memref<10000x128xf32, #tpu.memory_space<hbm>> -> memref<10000x128xf32, #tpu.memory_space<hbm>>
      tpu.enqueue_indirect_dma source(%dma_start3A_82 : memref<10000x128xf32, #tpu.memory_space<hbm>>) target(%arg13 : memref<80x128xf32, #tpu.memory_space<vmem>>) offsets(%dma_start3A_79 : memref<80xi32, #tpu.memory_space<vmem>>) semaphore(%arg17 : memref<!tpu.dma_semaphore, #tpu.memory_space<semaphore_mem>>)
      %dma_wait3A_83 = arith.constant 0 : i32
      %dma_wait3A_84 = arith.constant 0 : i32
      %dma_wait3A_85 = tpu.memref_slice %arg6[%dma_wait3A_83, %dma_wait3A_84] : memref<2x80xi32, #tpu.memory_space<vmem>> -> memref<1x80xi32, #tpu.memory_space<vmem>>
      %dma_wait3A_86 = tpu.memref_squeeze %dma_wait3A_85 : memref<1x80xi32, #tpu.memory_space<vmem>> -> memref<80xi32, #tpu.memory_space<vmem>>
      %dma_wait3A_87 = arith.constant 0 : i32
      %dma_wait3A_88 = arith.constant 0 : i32
      %dma_wait3A_89 = tpu.memref_slice %arg2[%dma_wait3A_87, %dma_wait3A_88] : memref<10000x128xf32, #tpu.memory_space<hbm>> -> memref<10000x128xf32, #tpu.memory_space<hbm>>
      tpu.wait_indirect_dma semaphore(%arg14 : memref<!tpu.dma_semaphore, #tpu.memory_space<semaphore_mem>>) src(%dma_wait3A_89 : memref<10000x128xf32, #tpu.memory_space<hbm>>) dst(%arg10 : memref<80x128xf32, #tpu.memory_space<vmem>>)
      %dma_start3A_90 = arith.constant 1 : i32
      %dma_start3A_91 = arith.constant 0 : i32
      %dma_start3A_92 = tpu.memref_slice %arg6[%dma_start3A_90, %dma_start3A_91] : memref<2x80xi32, #tpu.memory_space<vmem>> -> memref<1x80xi32, #tpu.memory_space<vmem>>
      %dma_start3A_93 = tpu.memref_squeeze %dma_start3A_92 : memref<1x80xi32, #tpu.memory_space<vmem>> -> memref<80xi32, #tpu.memory_space<vmem>>
      %dma_start3A_94 = arith.constant 0 : i32
      %dma_start3A_95 = arith.constant 0 : i32
      %dma_start3A_96 = tpu.memref_slice %arg19[%dma_start3A_94, %dma_start3A_95] : memref<10240x128xf32, #tpu.memory_space<vmem_shared>> -> memref<10240x128xf32, #tpu.memory_space<vmem_shared>>
      tpu.enqueue_indirect_dma source(%arg10 : memref<80x128xf32, #tpu.memory_space<vmem>>) target(%dma_start3A_96 : memref<10240x128xf32, #tpu.memory_space<vmem_shared>>) offsets(%dma_start3A_93 : memref<80xi32, #tpu.memory_space<vmem>>) semaphore(%arg18 : memref<!tpu.dma_semaphore, #tpu.memory_space<semaphore_mem>>) {add = true}
      %dma_wait3A_97 = arith.constant 0 : i32
      %dma_wait3A_98 = arith.constant 0 : i32
      %dma_wait3A_99 = tpu.memref_slice %arg7[%dma_wait3A_97, %dma_wait3A_98] : memref<2x80xi32, #tpu.memory_space<vmem>> -> memref<1x80xi32, #tpu.memory_space<vmem>>
      %dma_wait3A_100 = tpu.memref_squeeze %dma_wait3A_99 : memref<1x80xi32, #tpu.memory_space<vmem>> -> memref<80xi32, #tpu.memory_space<vmem>>
      %dma_wait3A_101 = arith.constant 0 : i32
      %dma_wait3A_102 = arith.constant 0 : i32
      %dma_wait3A_103 = tpu.memref_slice %arg2[%dma_wait3A_101, %dma_wait3A_102] : memref<10000x128xf32, #tpu.memory_space<hbm>> -> memref<10000x128xf32, #tpu.memory_space<hbm>>
      tpu.wait_indirect_dma semaphore(%arg15 : memref<!tpu.dma_semaphore, #tpu.memory_space<semaphore_mem>>) src(%dma_wait3A_103 : memref<10000x128xf32, #tpu.memory_space<hbm>>) dst(%arg11 : memref<80x128xf32, #tpu.memory_space<vmem>>)
      %dma_start3A_104 = arith.constant 1 : i32
      %dma_start3A_105 = arith.constant 0 : i32
      %dma_start3A_106 = tpu.memref_slice %arg7[%dma_start3A_104, %dma_start3A_105] : memref<2x80xi32, #tpu.memory_space<vmem>> -> memref<1x80xi32, #tpu.memory_space<vmem>>
      %dma_start3A_107 = tpu.memref_squeeze %dma_start3A_106 : memref<1x80xi32, #tpu.memory_space<vmem>> -> memref<80xi32, #tpu.memory_space<vmem>>
      %dma_start3A_108 = arith.constant 0 : i32
      %dma_start3A_109 = arith.constant 0 : i32
      %dma_start3A_110 = tpu.memref_slice %arg19[%dma_start3A_108, %dma_start3A_109] : memref<10240x128xf32, #tpu.memory_space<vmem_shared>> -> memref<10240x128xf32, #tpu.memory_space<vmem_shared>>
      tpu.enqueue_indirect_dma source(%arg11 : memref<80x128xf32, #tpu.memory_space<vmem>>) target(%dma_start3A_110 : memref<10240x128xf32, #tpu.memory_space<vmem_shared>>) offsets(%dma_start3A_107 : memref<80xi32, #tpu.memory_space<vmem>>) semaphore(%arg18 : memref<!tpu.dma_semaphore, #tpu.memory_space<semaphore_mem>>) {add = true}
      %dma_wait3A_111 = arith.constant 0 : i32
      %dma_wait3A_112 = arith.constant 0 : i32
      %dma_wait3A_113 = tpu.memref_slice %arg8[%dma_wait3A_111, %dma_wait3A_112] : memref<2x80xi32, #tpu.memory_space<vmem>> -> memref<1x80xi32, #tpu.memory_space<vmem>>
      %dma_wait3A_114 = tpu.memref_squeeze %dma_wait3A_113 : memref<1x80xi32, #tpu.memory_space<vmem>> -> memref<80xi32, #tpu.memory_space<vmem>>
      %dma_wait3A_115 = arith.constant 0 : i32
      %dma_wait3A_116 = arith.constant 0 : i32
      %dma_wait3A_117 = tpu.memref_slice %arg2[%dma_wait3A_115, %dma_wait3A_116] : memref<10000x128xf32, #tpu.memory_space<hbm>> -> memref<10000x128xf32, #tpu.memory_space<hbm>>
      tpu.wait_indirect_dma semaphore(%arg16 : memref<!tpu.dma_semaphore, #tpu.memory_space<semaphore_mem>>) src(%dma_wait3A_117 : memref<10000x128xf32, #tpu.memory_space<hbm>>) dst(%arg12 : memref<80x128xf32, #tpu.memory_space<vmem>>)
      %dma_start3A_118 = arith.constant 1 : i32
      %dma_start3A_119 = arith.constant 0 : i32
      %dma_start3A_120 = tpu.memref_slice %arg8[%dma_start3A_118, %dma_start3A_119] : memref<2x80xi32, #tpu.memory_space<vmem>> -> memref<1x80xi32, #tpu.memory_space<vmem>>
      %dma_start3A_121 = tpu.memref_squeeze %dma_start3A_120 : memref<1x80xi32, #tpu.memory_space<vmem>> -> memref<80xi32, #tpu.memory_space<vmem>>
      %dma_start3A_122 = arith.constant 0 : i32
      %dma_start3A_123 = arith.constant 0 : i32
      %dma_start3A_124 = tpu.memref_slice %arg19[%dma_start3A_122, %dma_start3A_123] : memref<10240x128xf32, #tpu.memory_space<vmem_shared>> -> memref<10240x128xf32, #tpu.memory_space<vmem_shared>>
      tpu.enqueue_indirect_dma source(%arg12 : memref<80x128xf32, #tpu.memory_space<vmem>>) target(%dma_start3A_124 : memref<10240x128xf32, #tpu.memory_space<vmem_shared>>) offsets(%dma_start3A_121 : memref<80xi32, #tpu.memory_space<vmem>>) semaphore(%arg18 : memref<!tpu.dma_semaphore, #tpu.memory_space<semaphore_mem>>) {add = true}
      %dma_wait3A_125 = arith.constant 0 : i32
      %dma_wait3A_126 = arith.constant 0 : i32
      %dma_wait3A_127 = tpu.memref_slice %arg9[%dma_wait3A_125, %dma_wait3A_126] : memref<2x80xi32, #tpu.memory_space<vmem>> -> memref<1x80xi32, #tpu.memory_space<vmem>>
      %dma_wait3A_128 = tpu.memref_squeeze %dma_wait3A_127 : memref<1x80xi32, #tpu.memory_space<vmem>> -> memref<80xi32, #tpu.memory_space<vmem>>
      %dma_wait3A_129 = arith.constant 0 : i32
      %dma_wait3A_130 = arith.constant 0 : i32
      %dma_wait3A_131 = tpu.memref_slice %arg2[%dma_wait3A_129, %dma_wait3A_130] : memref<10000x128xf32, #tpu.memory_space<hbm>> -> memref<10000x128xf32, #tpu.memory_space<hbm>>
      tpu.wait_indirect_dma semaphore(%arg17 : memref<!tpu.dma_semaphore, #tpu.memory_space<semaphore_mem>>) src(%dma_wait3A_131 : memref<10000x128xf32, #tpu.memory_space<hbm>>) dst(%arg13 : memref<80x128xf32, #tpu.memory_space<vmem>>)
      %dma_start3A_132 = arith.constant 1 : i32
      %dma_start3A_133 = arith.constant 0 : i32
      %dma_start3A_134 = tpu.memref_slice %arg9[%dma_start3A_132, %dma_start3A_133] : memref<2x80xi32, #tpu.memory_space<vmem>> -> memref<1x80xi32, #tpu.memory_space<vmem>>
      %dma_start3A_135 = tpu.memref_squeeze %dma_start3A_134 : memref<1x80xi32, #tpu.memory_space<vmem>> -> memref<80xi32, #tpu.memory_space<vmem>>
      %dma_start3A_136 = arith.constant 0 : i32
      %dma_start3A_137 = arith.constant 0 : i32
      %dma_start3A_138 = tpu.memref_slice %arg19[%dma_start3A_136, %dma_start3A_137] : memref<10240x128xf32, #tpu.memory_space<vmem_shared>> -> memref<10240x128xf32, #tpu.memory_space<vmem_shared>>
      tpu.enqueue_indirect_dma source(%arg13 : memref<80x128xf32, #tpu.memory_space<vmem>>) target(%dma_start3A_138 : memref<10240x128xf32, #tpu.memory_space<vmem_shared>>) offsets(%dma_start3A_135 : memref<80xi32, #tpu.memory_space<vmem>>) semaphore(%arg18 : memref<!tpu.dma_semaphore, #tpu.memory_space<semaphore_mem>>) {add = true}
      %dma_wait3A_139 = arith.constant 1 : i32
      %dma_wait3A_140 = arith.constant 0 : i32
      %dma_wait3A_141 = tpu.memref_slice %arg6[%dma_wait3A_139, %dma_wait3A_140] : memref<2x80xi32, #tpu.memory_space<vmem>> -> memref<1x80xi32, #tpu.memory_space<vmem>>
      %dma_wait3A_142 = tpu.memref_squeeze %dma_wait3A_141 : memref<1x80xi32, #tpu.memory_space<vmem>> -> memref<80xi32, #tpu.memory_space<vmem>>
      %dma_wait3A_143 = arith.constant 0 : i32
      %dma_wait3A_144 = arith.constant 0 : i32
      %dma_wait3A_145 = tpu.memref_slice %arg19[%dma_wait3A_143, %dma_wait3A_144] : memref<10240x128xf32, #tpu.memory_space<vmem_shared>> -> memref<10240x128xf32, #tpu.memory_space<vmem_shared>>
      tpu.wait_indirect_dma semaphore(%arg18 : memref<!tpu.dma_semaphore, #tpu.memory_space<semaphore_mem>>) src(%arg10 : memref<80x128xf32, #tpu.memory_space<vmem>>) dst(%dma_wait3A_145 : memref<10240x128xf32, #tpu.memory_space<vmem_shared>>)
      %dma_wait3A_146 = arith.constant 1 : i32
      %dma_wait3A_147 = arith.constant 0 : i32
      %dma_wait3A_148 = tpu.memref_slice %arg7[%dma_wait3A_146, %dma_wait3A_147] : memref<2x80xi32, #tpu.memory_space<vmem>> -> memref<1x80xi32, #tpu.memory_space<vmem>>
      %dma_wait3A_149 = tpu.memref_squeeze %dma_wait3A_148 : memref<1x80xi32, #tpu.memory_space<vmem>> -> memref<80xi32, #tpu.memory_space<vmem>>
      %dma_wait3A_150 = arith.constant 0 : i32
      %dma_wait3A_151 = arith.constant 0 : i32
      %dma_wait3A_152 = tpu.memref_slice %arg19[%dma_wait3A_150, %dma_wait3A_151] : memref<10240x128xf32, #tpu.memory_space<vmem_shared>> -> memref<10240x128xf32, #tpu.memory_space<vmem_shared>>
      tpu.wait_indirect_dma semaphore(%arg18 : memref<!tpu.dma_semaphore, #tpu.memory_space<semaphore_mem>>) src(%arg11 : memref<80x128xf32, #tpu.memory_space<vmem>>) dst(%dma_wait3A_152 : memref<10240x128xf32, #tpu.memory_space<vmem_shared>>)
      %dma_wait3A_153 = arith.constant 1 : i32
      %dma_wait3A_154 = arith.constant 0 : i32
      %dma_wait3A_155 = tpu.memref_slice %arg8[%dma_wait3A_153, %dma_wait3A_154] : memref<2x80xi32, #tpu.memory_space<vmem>> -> memref<1x80xi32, #tpu.memory_space<vmem>>
      %dma_wait3A_156 = tpu.memref_squeeze %dma_wait3A_155 : memref<1x80xi32, #tpu.memory_space<vmem>> -> memref<80xi32, #tpu.memory_space<vmem>>
      %dma_wait3A_157 = arith.constant 0 : i32
      %dma_wait3A_158 = arith.constant 0 : i32
      %dma_wait3A_159 = tpu.memref_slice %arg19[%dma_wait3A_157, %dma_wait3A_158] : memref<10240x128xf32, #tpu.memory_space<vmem_shared>> -> memref<10240x128xf32, #tpu.memory_space<vmem_shared>>
      tpu.wait_indirect_dma semaphore(%arg18 : memref<!tpu.dma_semaphore, #tpu.memory_space<semaphore_mem>>) src(%arg12 : memref<80x128xf32, #tpu.memory_space<vmem>>) dst(%dma_wait3A_159 : memref<10240x128xf32, #tpu.memory_space<vmem_shared>>)
      %dma_wait3A_160 = arith.constant 1 : i32
      %dma_wait3A_161 = arith.constant 0 : i32
      %dma_wait3A_162 = tpu.memref_slice %arg9[%dma_wait3A_160, %dma_wait3A_161] : memref<2x80xi32, #tpu.memory_space<vmem>> -> memref<1x80xi32, #tpu.memory_space<vmem>>
      %dma_wait3A_163 = tpu.memref_squeeze %dma_wait3A_162 : memref<1x80xi32, #tpu.memory_space<vmem>> -> memref<80xi32, #tpu.memory_space<vmem>>
      %dma_wait3A_164 = arith.constant 0 : i32
      %dma_wait3A_165 = arith.constant 0 : i32
      %dma_wait3A_166 = tpu.memref_slice %arg19[%dma_wait3A_164, %dma_wait3A_165] : memref<10240x128xf32, #tpu.memory_space<vmem_shared>> -> memref<10240x128xf32, #tpu.memory_space<vmem_shared>>
      tpu.wait_indirect_dma semaphore(%arg18 : memref<!tpu.dma_semaphore, #tpu.memory_space<semaphore_mem>>) src(%arg13 : memref<80x128xf32, #tpu.memory_space<vmem>>) dst(%dma_wait3A_166 : memref<10240x128xf32, #tpu.memory_space<vmem_shared>>)
    }
    %scan3A_11 = arith.constant 31 : i32
    %add3A_12 = arith.constant 124 : i32
    %add3A_13 = arith.addi %mul3A_6, %add3A_12 : i32
    "tpu.region"() ({
      %run_scoped3A_34 = tpu.sem_alloc : memref<!tpu.dma_semaphore, #tpu.memory_space<semaphore_mem>>
      %dma_start3A_35 = arith.constant 0 : i32
      %dma_start3A_36 = arith.constant 0 : i32
      %dma_start3A_37 = tpu.memref_slice %arg3[%add3A_13, %dma_start3A_35, %dma_start3A_36] : memref<4000x2x80xi32, #tpu.memory_space<hbm>> -> memref<1x2x80xi32, #tpu.memory_space<hbm>>
      %dma_start3A_38 = tpu.memref_squeeze %dma_start3A_37 : memref<1x2x80xi32, #tpu.memory_space<hbm>> -> memref<2x80xi32, #tpu.memory_space<hbm>>
      %dma_start3A_39 = arith.constant 0 : i32
      %dma_start3A_40 = arith.constant 0 : i32
      %dma_start3A_41 = tpu.memref_slice %arg3[%add3A_13, %dma_start3A_39, %dma_start3A_40] : memref<4000x2x80xi32, #tpu.memory_space<hbm>> -> memref<1x2x80xi32, #tpu.memory_space<hbm>>
      %dma_start3A_42 = tpu.memref_squeeze %dma_start3A_41 : memref<1x2x80xi32, #tpu.memory_space<hbm>> -> memref<2x80xi32, #tpu.memory_space<hbm>>
      tpu.enqueue_dma source(%dma_start3A_42 : memref<2x80xi32, #tpu.memory_space<hbm>>) target(%arg6 : memref<2x80xi32, #tpu.memory_space<vmem>>) target_semaphore(%run_scoped3A_34 : memref<!tpu.dma_semaphore, #tpu.memory_space<semaphore_mem>>)
      %dma_wait3A_43 = arith.constant 0 : i32
      %dma_wait3A_44 = arith.constant 0 : i32
      %dma_wait3A_45 = tpu.memref_slice %arg3[%add3A_13, %dma_wait3A_43, %dma_wait3A_44] : memref<4000x2x80xi32, #tpu.memory_space<hbm>> -> memref<1x2x80xi32, #tpu.memory_space<hbm>>
      %dma_wait3A_46 = tpu.memref_squeeze %dma_wait3A_45 : memref<1x2x80xi32, #tpu.memory_space<hbm>> -> memref<2x80xi32, #tpu.memory_space<hbm>>
      %dma_wait3A_47 = arith.constant 0 : i32
      %dma_wait3A_48 = arith.constant 0 : i32
      %dma_wait3A_49 = tpu.memref_slice %arg3[%add3A_13, %dma_wait3A_47, %dma_wait3A_48] : memref<4000x2x80xi32, #tpu.memory_space<hbm>> -> memref<1x2x80xi32, #tpu.memory_space<hbm>>
      %dma_wait3A_50 = tpu.memref_squeeze %dma_wait3A_49 : memref<1x2x80xi32, #tpu.memory_space<hbm>> -> memref<2x80xi32, #tpu.memory_space<hbm>>
      tpu.wait_dma2 semaphore(%run_scoped3A_34 : memref<!tpu.dma_semaphore, #tpu.memory_space<semaphore_mem>>) src(%dma_wait3A_50 : memref<2x80xi32, #tpu.memory_space<hbm>>) dst(%arg6 : memref<2x80xi32, #tpu.memory_space<vmem>>)
      tpu.yield
    }) : () -> ()
    %dma_start3A = arith.constant 0 : i32
    %dma_start3A_14 = arith.constant 0 : i32
    %dma_start3A_15 = tpu.memref_slice %arg6[%dma_start3A, %dma_start3A_14] : memref<2x80xi32, #tpu.memory_space<vmem>> -> memref<1x80xi32, #tpu.memory_space<vmem>>
    %dma_start3A_16 = tpu.memref_squeeze %dma_start3A_15 : memref<1x80xi32, #tpu.memory_space<vmem>> -> memref<80xi32, #tpu.memory_space<vmem>>
    %dma_start3A_17 = arith.constant 0 : i32
    %dma_start3A_18 = arith.constant 0 : i32
    %dma_start3A_19 = tpu.memref_slice %arg2[%dma_start3A_17, %dma_start3A_18] : memref<10000x128xf32, #tpu.memory_space<hbm>> -> memref<10000x128xf32, #tpu.memory_space<hbm>>
    tpu.enqueue_indirect_dma source(%dma_start3A_19 : memref<10000x128xf32, #tpu.memory_space<hbm>>) target(%arg10 : memref<80x128xf32, #tpu.memory_space<vmem>>) offsets(%dma_start3A_16 : memref<80xi32, #tpu.memory_space<vmem>>) semaphore(%arg14 : memref<!tpu.dma_semaphore, #tpu.memory_space<semaphore_mem>>)
    %dma_wait3A = arith.constant 0 : i32
    %dma_wait3A_20 = arith.constant 0 : i32
    %dma_wait3A_21 = tpu.memref_slice %arg6[%dma_wait3A, %dma_wait3A_20] : memref<2x80xi32, #tpu.memory_space<vmem>> -> memref<1x80xi32, #tpu.memory_space<vmem>>
    %dma_wait3A_22 = tpu.memref_squeeze %dma_wait3A_21 : memref<1x80xi32, #tpu.memory_space<vmem>> -> memref<80xi32, #tpu.memory_space<vmem>>
    %dma_wait3A_23 = arith.constant 0 : i32
    %dma_wait3A_24 = arith.constant 0 : i32
    %dma_wait3A_25 = tpu.memref_slice %arg2[%dma_wait3A_23, %dma_wait3A_24] : memref<10000x128xf32, #tpu.memory_space<hbm>> -> memref<10000x128xf32, #tpu.memory_space<hbm>>
    tpu.wait_indirect_dma semaphore(%arg14 : memref<!tpu.dma_semaphore, #tpu.memory_space<semaphore_mem>>) src(%dma_wait3A_25 : memref<10000x128xf32, #tpu.memory_space<hbm>>) dst(%arg10 : memref<80x128xf32, #tpu.memory_space<vmem>>)
    %run_scoped3A = arith.constant 1 : i32
    "tpu.region"() ({
      %run_scoped3A_34 = tpu.sem_alloc : memref<!tpu.dma_semaphore, #tpu.memory_space<semaphore_mem>>
      %dma_start3A_35 = arith.constant 0 : i32
      %dma_start3A_36 = tpu.memref_slice %arg6[%run_scoped3A, %dma_start3A_35] : memref<2x80xi32, #tpu.memory_space<vmem>> -> memref<1x80xi32, #tpu.memory_space<vmem>>
      %dma_start3A_37 = tpu.memref_squeeze %dma_start3A_36 : memref<1x80xi32, #tpu.memory_space<vmem>> -> memref<80xi32, #tpu.memory_space<vmem>>
      %dma_start3A_38 = arith.constant 0 : i32
      %dma_start3A_39 = arith.constant 0 : i32
      %dma_start3A_40 = tpu.memref_slice %arg19[%dma_start3A_38, %dma_start3A_39] : memref<10240x128xf32, #tpu.memory_space<vmem_shared>> -> memref<10240x128xf32, #tpu.memory_space<vmem_shared>>
      tpu.enqueue_indirect_dma source(%arg10 : memref<80x128xf32, #tpu.memory_space<vmem>>) target(%dma_start3A_40 : memref<10240x128xf32, #tpu.memory_space<vmem_shared>>) offsets(%dma_start3A_37 : memref<80xi32, #tpu.memory_space<vmem>>) semaphore(%run_scoped3A_34 : memref<!tpu.dma_semaphore, #tpu.memory_space<semaphore_mem>>) {add = true}
      %dma_wait3A_41 = arith.constant 0 : i32
      %dma_wait3A_42 = tpu.memref_slice %arg6[%run_scoped3A, %dma_wait3A_41] : memref<2x80xi32, #tpu.memory_space<vmem>> -> memref<1x80xi32, #tpu.memory_space<vmem>>
      %dma_wait3A_43 = tpu.memref_squeeze %dma_wait3A_42 : memref<1x80xi32, #tpu.memory_space<vmem>> -> memref<80xi32, #tpu.memory_space<vmem>>
      %dma_wait3A_44 = arith.constant 0 : i32
      %dma_wait3A_45 = arith.constant 0 : i32
      %dma_wait3A_46 = tpu.memref_slice %arg19[%dma_wait3A_44, %dma_wait3A_45] : memref<10240x128xf32, #tpu.memory_space<vmem_shared>> -> memref<10240x128xf32, #tpu.memory_space<vmem_shared>>
      tpu.wait_indirect_dma semaphore(%run_scoped3A_34 : memref<!tpu.dma_semaphore, #tpu.memory_space<semaphore_mem>>) src(%arg10 : memref<80x128xf32, #tpu.memory_space<vmem>>) dst(%dma_wait3A_46 : memref<10240x128xf32, #tpu.memory_space<vmem_shared>>)
      tpu.yield
    }) : () -> ()
    %barrier3A_26 = arith.constant 0 : index
    tpu.barrier barrier_id(%barrier3A_26)
    %mul3A_27 = arith.constant 640 : i32
    %mul3A_28 = arith.muli %arg1, %mul3A_27 : i32
    %mul3A_29 = arith.constant 10240 : i32
    %mul3A_30 = arith.muli %arg0, %mul3A_29 : i32
    %mul3A_31 = arith.constant 640 : i32
    %mul3A_32 = arith.muli %arg1, %mul3A_31 : i32
    %add3A_33 = arith.addi %mul3A_30, %mul3A_32 : i32
    "tpu.region"() ({
      %run_scoped3A_34 = tpu.sem_alloc : memref<!tpu.dma_semaphore, #tpu.memory_space<semaphore_mem>>
      %dma_start3A_35 = arith.constant 0 : i32
      %dma_start3A_36 = tpu.memref_slice %arg5[%add3A_33, %dma_start3A_35] : memref<20480x128xf32, #tpu.memory_space<hbm>> -> memref<640x128xf32, #tpu.memory_space<hbm>>
      %dma_start3A_37 = arith.constant 0 : i32
      %dma_start3A_38 = tpu.memref_slice %arg19[%mul3A_28, %dma_start3A_37] : memref<10240x128xf32, #tpu.memory_space<vmem_shared>> -> memref<640x128xf32, #tpu.memory_space<vmem_shared>>
      tpu.enqueue_dma source(%dma_start3A_38 : memref<640x128xf32, #tpu.memory_space<vmem_shared>>) target(%dma_start3A_36 : memref<640x128xf32, #tpu.memory_space<hbm>>) target_semaphore(%run_scoped3A_34 : memref<!tpu.dma_semaphore, #tpu.memory_space<semaphore_mem>>)
      %dma_wait3A_39 = arith.constant 0 : i32
      %dma_wait3A_40 = tpu.memref_slice %arg5[%add3A_33, %dma_wait3A_39] : memref<20480x128xf32, #tpu.memory_space<hbm>> -> memref<640x128xf32, #tpu.memory_space<hbm>>
      %dma_wait3A_41 = arith.constant 0 : i32
      %dma_wait3A_42 = tpu.memref_slice %arg19[%mul3A_28, %dma_wait3A_41] : memref<10240x128xf32, #tpu.memory_space<vmem_shared>> -> memref<640x128xf32, #tpu.memory_space<vmem_shared>>
      tpu.wait_dma2 semaphore(%run_scoped3A_34 : memref<!tpu.dma_semaphore, #tpu.memory_space<semaphore_mem>>) src(%dma_wait3A_42 : memref<640x128xf32, #tpu.memory_space<vmem_shared>>) dst(%dma_wait3A_40 : memref<640x128xf32, #tpu.memory_space<hbm>>)
      tpu.yield
    }) : () -> ()
    return
  }
}

#map = affine_map<(d0, d1) -> (0, 0, 0)>
#map1 = affine_map<(d0, d1) -> (0, 0)>
module attributes {stable_mosaic.version = 14 : i64} {
  func.func @deg_kernel(%arg0: i32, %arg1: i32, %arg2: memref<128x32x80xi32, #tpu.memory_space<hbm>>, %arg3: memref<80x128xf32, #tpu.memory_space<hbm>>, %arg4: memref<10240x128xf32, #tpu.memory_space<hbm>>, %arg5: memref<20480x128xf32, #tpu.memory_space<hbm>>, %arg6: memref<32x80xi32, #tpu.memory_space<vmem>>, %arg7: memref<80x128xf32, #tpu.memory_space<vmem>>, %arg8: memref<10240x128xf32, #tpu.memory_space<vmem_shared>>, %arg9: memref<!tpu.dma_semaphore, #tpu.memory_space<semaphore_mem>>) attributes {dimension_semantics = [#tpu.dimension_semantics<core_parallel>, #tpu.dimension_semantics<subcore_parallel>], iteration_bounds = array<i64: 2, 16>, scalar_prefetch = 0 : i64, scratch_operands = 4 : i64, tpu.core_type = #tpu.core_type<sc_vector_subcore>, window_params = [{transform_indices = #map}, {transform_indices = #map1}, {transform_indices = #map1}, {transform_indices = #map1}]} {
    %mul3A = arith.constant 16 : i32
    %mul3A_0 = arith.muli %arg0, %mul3A : i32
    %add3A = arith.addi %mul3A_0, %arg1 : i32
    "tpu.region"() ({
      %run_scoped3A = tpu.sem_alloc : memref<!tpu.dma_semaphore, #tpu.memory_space<semaphore_mem>>
      tpu.enqueue_dma source(%arg3 : memref<80x128xf32, #tpu.memory_space<hbm>>) target(%arg7 : memref<80x128xf32, #tpu.memory_space<vmem>>) target_semaphore(%run_scoped3A : memref<!tpu.dma_semaphore, #tpu.memory_space<semaphore_mem>>)
      tpu.wait_dma2 semaphore(%run_scoped3A : memref<!tpu.dma_semaphore, #tpu.memory_space<semaphore_mem>>) src(%arg3 : memref<80x128xf32, #tpu.memory_space<hbm>>) dst(%arg7 : memref<80x128xf32, #tpu.memory_space<vmem>>)
      tpu.yield
    }) : () -> ()
    %mul3A_1 = arith.constant 640 : i32
    %mul3A_2 = arith.muli %arg1, %mul3A_1 : i32
    %mul3A_3 = arith.constant 640 : i32
    %mul3A_4 = arith.muli %arg1, %mul3A_3 : i32
    "tpu.region"() ({
      %run_scoped3A = tpu.sem_alloc : memref<!tpu.dma_semaphore, #tpu.memory_space<semaphore_mem>>
      %dma_start3A = arith.constant 0 : i32
      %dma_start3A_18 = tpu.memref_slice %arg8[%mul3A_4, %dma_start3A] : memref<10240x128xf32, #tpu.memory_space<vmem_shared>> -> memref<640x128xf32, #tpu.memory_space<vmem_shared>>
      %dma_start3A_19 = arith.constant 0 : i32
      %dma_start3A_20 = tpu.memref_slice %arg4[%mul3A_2, %dma_start3A_19] : memref<10240x128xf32, #tpu.memory_space<hbm>> -> memref<640x128xf32, #tpu.memory_space<hbm>>
      tpu.enqueue_dma source(%dma_start3A_20 : memref<640x128xf32, #tpu.memory_space<hbm>>) target(%dma_start3A_18 : memref<640x128xf32, #tpu.memory_space<vmem_shared>>) target_semaphore(%run_scoped3A : memref<!tpu.dma_semaphore, #tpu.memory_space<semaphore_mem>>)
      %dma_wait3A = arith.constant 0 : i32
      %dma_wait3A_21 = tpu.memref_slice %arg8[%mul3A_4, %dma_wait3A] : memref<10240x128xf32, #tpu.memory_space<vmem_shared>> -> memref<640x128xf32, #tpu.memory_space<vmem_shared>>
      %dma_wait3A_22 = arith.constant 0 : i32
      %dma_wait3A_23 = tpu.memref_slice %arg4[%mul3A_2, %dma_wait3A_22] : memref<10240x128xf32, #tpu.memory_space<hbm>> -> memref<640x128xf32, #tpu.memory_space<hbm>>
      tpu.wait_dma2 semaphore(%run_scoped3A : memref<!tpu.dma_semaphore, #tpu.memory_space<semaphore_mem>>) src(%dma_wait3A_23 : memref<640x128xf32, #tpu.memory_space<hbm>>) dst(%dma_wait3A_21 : memref<640x128xf32, #tpu.memory_space<vmem_shared>>)
      tpu.yield
    }) : () -> ()
    %barrier3A = arith.constant 0 : index
    tpu.barrier barrier_id(%barrier3A)
    %scan3A = arith.constant 0 : i32
    %scan3A_5 = arith.constant 0 : i32
    %scan3A_6 = arith.constant 4 : i32
    %scan3A_7 = arith.addi %scan3A_5, %scan3A_6 : i32
    %scan3A_8 = arith.constant 1 : i32
    scf.for %scan3A_18 = %scan3A_5 to %scan3A_7 step %scan3A_8  : i32 {
      %mul3A_19 = arith.constant 4 : i32
      %mul3A_20 = arith.muli %add3A, %mul3A_19 : i32
      %add3A_21 = arith.addi %mul3A_20, %scan3A_18 : i32
      "tpu.region"() ({
        %run_scoped3A = tpu.sem_alloc : memref<!tpu.dma_semaphore, #tpu.memory_space<semaphore_mem>>
        %dma_start3A = arith.constant 0 : i32
        %dma_start3A_28 = arith.constant 0 : i32
        %dma_start3A_29 = tpu.memref_slice %arg2[%add3A_21, %dma_start3A, %dma_start3A_28] : memref<128x32x80xi32, #tpu.memory_space<hbm>> -> memref<1x32x80xi32, #tpu.memory_space<hbm>>
        %dma_start3A_30 = tpu.memref_squeeze %dma_start3A_29 : memref<1x32x80xi32, #tpu.memory_space<hbm>> -> memref<32x80xi32, #tpu.memory_space<hbm>>
        %dma_start3A_31 = arith.constant 0 : i32
        %dma_start3A_32 = arith.constant 0 : i32
        %dma_start3A_33 = tpu.memref_slice %arg2[%add3A_21, %dma_start3A_31, %dma_start3A_32] : memref<128x32x80xi32, #tpu.memory_space<hbm>> -> memref<1x32x80xi32, #tpu.memory_space<hbm>>
        %dma_start3A_34 = tpu.memref_squeeze %dma_start3A_33 : memref<1x32x80xi32, #tpu.memory_space<hbm>> -> memref<32x80xi32, #tpu.memory_space<hbm>>
        tpu.enqueue_dma source(%dma_start3A_34 : memref<32x80xi32, #tpu.memory_space<hbm>>) target(%arg6 : memref<32x80xi32, #tpu.memory_space<vmem>>) target_semaphore(%run_scoped3A : memref<!tpu.dma_semaphore, #tpu.memory_space<semaphore_mem>>)
        %dma_wait3A = arith.constant 0 : i32
        %dma_wait3A_35 = arith.constant 0 : i32
        %dma_wait3A_36 = tpu.memref_slice %arg2[%add3A_21, %dma_wait3A, %dma_wait3A_35] : memref<128x32x80xi32, #tpu.memory_space<hbm>> -> memref<1x32x80xi32, #tpu.memory_space<hbm>>
        %dma_wait3A_37 = tpu.memref_squeeze %dma_wait3A_36 : memref<1x32x80xi32, #tpu.memory_space<hbm>> -> memref<32x80xi32, #tpu.memory_space<hbm>>
        %dma_wait3A_38 = arith.constant 0 : i32
        %dma_wait3A_39 = arith.constant 0 : i32
        %dma_wait3A_40 = tpu.memref_slice %arg2[%add3A_21, %dma_wait3A_38, %dma_wait3A_39] : memref<128x32x80xi32, #tpu.memory_space<hbm>> -> memref<1x32x80xi32, #tpu.memory_space<hbm>>
        %dma_wait3A_41 = tpu.memref_squeeze %dma_wait3A_40 : memref<1x32x80xi32, #tpu.memory_space<hbm>> -> memref<32x80xi32, #tpu.memory_space<hbm>>
        tpu.wait_dma2 semaphore(%run_scoped3A : memref<!tpu.dma_semaphore, #tpu.memory_space<semaphore_mem>>) src(%dma_wait3A_41 : memref<32x80xi32, #tpu.memory_space<hbm>>) dst(%arg6 : memref<32x80xi32, #tpu.memory_space<vmem>>)
        tpu.yield
      }) : () -> ()
      %scan3A_22 = arith.constant 0 : i32
      %scan3A_23 = arith.constant 0 : i32
      %scan3A_24 = arith.constant 8 : i32
      %scan3A_25 = arith.addi %scan3A_23, %scan3A_24 : i32
      %scan3A_26 = arith.constant 1 : i32
      scf.for %scan3A_28 = %scan3A_23 to %scan3A_25 step %scan3A_26  : i32 {
        %mul3A_29 = arith.constant 4 : i32
        %mul3A_30 = arith.muli %mul3A_29, %scan3A_28 : i32
        %add3A_31 = arith.constant 0 : i32
        %add3A_32 = arith.addi %mul3A_30, %add3A_31 : i32
        %dma_start3A = arith.constant 0 : i32
        %dma_start3A_33 = tpu.memref_slice %arg6[%add3A_32, %dma_start3A] : memref<32x80xi32, #tpu.memory_space<vmem>> -> memref<1x80xi32, #tpu.memory_space<vmem>>
        %dma_start3A_34 = tpu.memref_squeeze %dma_start3A_33 : memref<1x80xi32, #tpu.memory_space<vmem>> -> memref<80xi32, #tpu.memory_space<vmem>>
        %dma_start3A_35 = arith.constant 0 : i32
        %dma_start3A_36 = arith.constant 0 : i32
        %dma_start3A_37 = tpu.memref_slice %arg8[%dma_start3A_35, %dma_start3A_36] : memref<10240x128xf32, #tpu.memory_space<vmem_shared>> -> memref<10240x128xf32, #tpu.memory_space<vmem_shared>>
        tpu.enqueue_indirect_dma source(%arg7 : memref<80x128xf32, #tpu.memory_space<vmem>>) target(%dma_start3A_37 : memref<10240x128xf32, #tpu.memory_space<vmem_shared>>) offsets(%dma_start3A_34 : memref<80xi32, #tpu.memory_space<vmem>>) semaphore(%arg9 : memref<!tpu.dma_semaphore, #tpu.memory_space<semaphore_mem>>) {add = true}
        %mul3A_38 = arith.constant 4 : i32
        %mul3A_39 = arith.muli %mul3A_38, %scan3A_28 : i32
        %add3A_40 = arith.constant 1 : i32
        %add3A_41 = arith.addi %mul3A_39, %add3A_40 : i32
        %dma_start3A_42 = arith.constant 0 : i32
        %dma_start3A_43 = tpu.memref_slice %arg6[%add3A_41, %dma_start3A_42] : memref<32x80xi32, #tpu.memory_space<vmem>> -> memref<1x80xi32, #tpu.memory_space<vmem>>
        %dma_start3A_44 = tpu.memref_squeeze %dma_start3A_43 : memref<1x80xi32, #tpu.memory_space<vmem>> -> memref<80xi32, #tpu.memory_space<vmem>>
        %dma_start3A_45 = arith.constant 0 : i32
        %dma_start3A_46 = arith.constant 0 : i32
        %dma_start3A_47 = tpu.memref_slice %arg8[%dma_start3A_45, %dma_start3A_46] : memref<10240x128xf32, #tpu.memory_space<vmem_shared>> -> memref<10240x128xf32, #tpu.memory_space<vmem_shared>>
        tpu.enqueue_indirect_dma source(%arg7 : memref<80x128xf32, #tpu.memory_space<vmem>>) target(%dma_start3A_47 : memref<10240x128xf32, #tpu.memory_space<vmem_shared>>) offsets(%dma_start3A_44 : memref<80xi32, #tpu.memory_space<vmem>>) semaphore(%arg9 : memref<!tpu.dma_semaphore, #tpu.memory_space<semaphore_mem>>) {add = true}
        %mul3A_48 = arith.constant 4 : i32
        %mul3A_49 = arith.muli %mul3A_48, %scan3A_28 : i32
        %add3A_50 = arith.constant 2 : i32
        %add3A_51 = arith.addi %mul3A_49, %add3A_50 : i32
        %dma_start3A_52 = arith.constant 0 : i32
        %dma_start3A_53 = tpu.memref_slice %arg6[%add3A_51, %dma_start3A_52] : memref<32x80xi32, #tpu.memory_space<vmem>> -> memref<1x80xi32, #tpu.memory_space<vmem>>
        %dma_start3A_54 = tpu.memref_squeeze %dma_start3A_53 : memref<1x80xi32, #tpu.memory_space<vmem>> -> memref<80xi32, #tpu.memory_space<vmem>>
        %dma_start3A_55 = arith.constant 0 : i32
        %dma_start3A_56 = arith.constant 0 : i32
        %dma_start3A_57 = tpu.memref_slice %arg8[%dma_start3A_55, %dma_start3A_56] : memref<10240x128xf32, #tpu.memory_space<vmem_shared>> -> memref<10240x128xf32, #tpu.memory_space<vmem_shared>>
        tpu.enqueue_indirect_dma source(%arg7 : memref<80x128xf32, #tpu.memory_space<vmem>>) target(%dma_start3A_57 : memref<10240x128xf32, #tpu.memory_space<vmem_shared>>) offsets(%dma_start3A_54 : memref<80xi32, #tpu.memory_space<vmem>>) semaphore(%arg9 : memref<!tpu.dma_semaphore, #tpu.memory_space<semaphore_mem>>) {add = true}
        %mul3A_58 = arith.constant 4 : i32
        %mul3A_59 = arith.muli %mul3A_58, %scan3A_28 : i32
        %add3A_60 = arith.constant 3 : i32
        %add3A_61 = arith.addi %mul3A_59, %add3A_60 : i32
        %dma_start3A_62 = arith.constant 0 : i32
        %dma_start3A_63 = tpu.memref_slice %arg6[%add3A_61, %dma_start3A_62] : memref<32x80xi32, #tpu.memory_space<vmem>> -> memref<1x80xi32, #tpu.memory_space<vmem>>
        %dma_start3A_64 = tpu.memref_squeeze %dma_start3A_63 : memref<1x80xi32, #tpu.memory_space<vmem>> -> memref<80xi32, #tpu.memory_space<vmem>>
        %dma_start3A_65 = arith.constant 0 : i32
        %dma_start3A_66 = arith.constant 0 : i32
        %dma_start3A_67 = tpu.memref_slice %arg8[%dma_start3A_65, %dma_start3A_66] : memref<10240x128xf32, #tpu.memory_space<vmem_shared>> -> memref<10240x128xf32, #tpu.memory_space<vmem_shared>>
        tpu.enqueue_indirect_dma source(%arg7 : memref<80x128xf32, #tpu.memory_space<vmem>>) target(%dma_start3A_67 : memref<10240x128xf32, #tpu.memory_space<vmem_shared>>) offsets(%dma_start3A_64 : memref<80xi32, #tpu.memory_space<vmem>>) semaphore(%arg9 : memref<!tpu.dma_semaphore, #tpu.memory_space<semaphore_mem>>) {add = true}
        %dma_wait3A = arith.constant 0 : i32
        %dma_wait3A_68 = tpu.memref_slice %arg6[%add3A_32, %dma_wait3A] : memref<32x80xi32, #tpu.memory_space<vmem>> -> memref<1x80xi32, #tpu.memory_space<vmem>>
        %dma_wait3A_69 = tpu.memref_squeeze %dma_wait3A_68 : memref<1x80xi32, #tpu.memory_space<vmem>> -> memref<80xi32, #tpu.memory_space<vmem>>
        %dma_wait3A_70 = arith.constant 0 : i32
        %dma_wait3A_71 = arith.constant 0 : i32
        %dma_wait3A_72 = tpu.memref_slice %arg8[%dma_wait3A_70, %dma_wait3A_71] : memref<10240x128xf32, #tpu.memory_space<vmem_shared>> -> memref<10240x128xf32, #tpu.memory_space<vmem_shared>>
        tpu.wait_indirect_dma semaphore(%arg9 : memref<!tpu.dma_semaphore, #tpu.memory_space<semaphore_mem>>) src(%arg7 : memref<80x128xf32, #tpu.memory_space<vmem>>) dst(%dma_wait3A_72 : memref<10240x128xf32, #tpu.memory_space<vmem_shared>>)
        %dma_wait3A_73 = arith.constant 0 : i32
        %dma_wait3A_74 = tpu.memref_slice %arg6[%add3A_41, %dma_wait3A_73] : memref<32x80xi32, #tpu.memory_space<vmem>> -> memref<1x80xi32, #tpu.memory_space<vmem>>
        %dma_wait3A_75 = tpu.memref_squeeze %dma_wait3A_74 : memref<1x80xi32, #tpu.memory_space<vmem>> -> memref<80xi32, #tpu.memory_space<vmem>>
        %dma_wait3A_76 = arith.constant 0 : i32
        %dma_wait3A_77 = arith.constant 0 : i32
        %dma_wait3A_78 = tpu.memref_slice %arg8[%dma_wait3A_76, %dma_wait3A_77] : memref<10240x128xf32, #tpu.memory_space<vmem_shared>> -> memref<10240x128xf32, #tpu.memory_space<vmem_shared>>
        tpu.wait_indirect_dma semaphore(%arg9 : memref<!tpu.dma_semaphore, #tpu.memory_space<semaphore_mem>>) src(%arg7 : memref<80x128xf32, #tpu.memory_space<vmem>>) dst(%dma_wait3A_78 : memref<10240x128xf32, #tpu.memory_space<vmem_shared>>)
        %dma_wait3A_79 = arith.constant 0 : i32
        %dma_wait3A_80 = tpu.memref_slice %arg6[%add3A_51, %dma_wait3A_79] : memref<32x80xi32, #tpu.memory_space<vmem>> -> memref<1x80xi32, #tpu.memory_space<vmem>>
        %dma_wait3A_81 = tpu.memref_squeeze %dma_wait3A_80 : memref<1x80xi32, #tpu.memory_space<vmem>> -> memref<80xi32, #tpu.memory_space<vmem>>
        %dma_wait3A_82 = arith.constant 0 : i32
        %dma_wait3A_83 = arith.constant 0 : i32
        %dma_wait3A_84 = tpu.memref_slice %arg8[%dma_wait3A_82, %dma_wait3A_83] : memref<10240x128xf32, #tpu.memory_space<vmem_shared>> -> memref<10240x128xf32, #tpu.memory_space<vmem_shared>>
        tpu.wait_indirect_dma semaphore(%arg9 : memref<!tpu.dma_semaphore, #tpu.memory_space<semaphore_mem>>) src(%arg7 : memref<80x128xf32, #tpu.memory_space<vmem>>) dst(%dma_wait3A_84 : memref<10240x128xf32, #tpu.memory_space<vmem_shared>>)
        %dma_wait3A_85 = arith.constant 0 : i32
        %dma_wait3A_86 = tpu.memref_slice %arg6[%add3A_61, %dma_wait3A_85] : memref<32x80xi32, #tpu.memory_space<vmem>> -> memref<1x80xi32, #tpu.memory_space<vmem>>
        %dma_wait3A_87 = tpu.memref_squeeze %dma_wait3A_86 : memref<1x80xi32, #tpu.memory_space<vmem>> -> memref<80xi32, #tpu.memory_space<vmem>>
        %dma_wait3A_88 = arith.constant 0 : i32
        %dma_wait3A_89 = arith.constant 0 : i32
        %dma_wait3A_90 = tpu.memref_slice %arg8[%dma_wait3A_88, %dma_wait3A_89] : memref<10240x128xf32, #tpu.memory_space<vmem_shared>> -> memref<10240x128xf32, #tpu.memory_space<vmem_shared>>
        tpu.wait_indirect_dma semaphore(%arg9 : memref<!tpu.dma_semaphore, #tpu.memory_space<semaphore_mem>>) src(%arg7 : memref<80x128xf32, #tpu.memory_space<vmem>>) dst(%dma_wait3A_90 : memref<10240x128xf32, #tpu.memory_space<vmem_shared>>)
      }
      %scan3A_27 = arith.constant 8 : i32
    }
    %scan3A_9 = arith.constant 4 : i32
    %barrier3A_10 = arith.constant 0 : index
    tpu.barrier barrier_id(%barrier3A_10)
    %mul3A_11 = arith.constant 640 : i32
    %mul3A_12 = arith.muli %arg1, %mul3A_11 : i32
    %mul3A_13 = arith.constant 10240 : i32
    %mul3A_14 = arith.muli %arg0, %mul3A_13 : i32
    %mul3A_15 = arith.constant 640 : i32
    %mul3A_16 = arith.muli %arg1, %mul3A_15 : i32
    %add3A_17 = arith.addi %mul3A_14, %mul3A_16 : i32
    "tpu.region"() ({
      %run_scoped3A = tpu.sem_alloc : memref<!tpu.dma_semaphore, #tpu.memory_space<semaphore_mem>>
      %dma_start3A = arith.constant 0 : i32
      %dma_start3A_18 = tpu.memref_slice %arg5[%add3A_17, %dma_start3A] : memref<20480x128xf32, #tpu.memory_space<hbm>> -> memref<640x128xf32, #tpu.memory_space<hbm>>
      %dma_start3A_19 = arith.constant 0 : i32
      %dma_start3A_20 = tpu.memref_slice %arg8[%mul3A_12, %dma_start3A_19] : memref<10240x128xf32, #tpu.memory_space<vmem_shared>> -> memref<640x128xf32, #tpu.memory_space<vmem_shared>>
      tpu.enqueue_dma source(%dma_start3A_20 : memref<640x128xf32, #tpu.memory_space<vmem_shared>>) target(%dma_start3A_18 : memref<640x128xf32, #tpu.memory_space<hbm>>) target_semaphore(%run_scoped3A : memref<!tpu.dma_semaphore, #tpu.memory_space<semaphore_mem>>)
      %dma_wait3A = arith.constant 0 : i32
      %dma_wait3A_21 = tpu.memref_slice %arg5[%add3A_17, %dma_wait3A] : memref<20480x128xf32, #tpu.memory_space<hbm>> -> memref<640x128xf32, #tpu.memory_space<hbm>>
      %dma_wait3A_22 = arith.constant 0 : i32
      %dma_wait3A_23 = tpu.memref_slice %arg8[%mul3A_12, %dma_wait3A_22] : memref<10240x128xf32, #tpu.memory_space<vmem_shared>> -> memref<640x128xf32, #tpu.memory_space<vmem_shared>>
      tpu.wait_dma2 semaphore(%run_scoped3A : memref<!tpu.dma_semaphore, #tpu.memory_space<semaphore_mem>>) src(%dma_wait3A_23 : memref<640x128xf32, #tpu.memory_space<vmem_shared>>) dst(%dma_wait3A_21 : memref<640x128xf32, #tpu.memory_space<hbm>>)
      tpu.yield
    }) : () -> ()
    return
  }
}

#map = affine_map<(d0, d1) -> (0, 0)>
#map1 = affine_map<(d0, d1) -> (0, 0, 0)>
module attributes {stable_mosaic.version = 14 : i64} {
  func.func @agg_kernel(%arg0: i32, %arg1: i32, %arg2: memref<10000x128xf32, #tpu.memory_space<hbm>>, %arg3: memref<4000x2x80xi32, #tpu.memory_space<hbm>>, %arg4: memref<10240x128xf32, #tpu.memory_space<hbm>>, %arg5: memref<20480x128xf32, #tpu.memory_space<hbm>>, %arg6: memref<2x80xi32, #tpu.memory_space<vmem>>, %arg7: memref<2x80xi32, #tpu.memory_space<vmem>>, %arg8: memref<2x80xi32, #tpu.memory_space<vmem>>, %arg9: memref<2x80xi32, #tpu.memory_space<vmem>>, %arg10: memref<80x128xf32, #tpu.memory_space<vmem>>, %arg11: memref<80x128xf32, #tpu.memory_space<vmem>>, %arg12: memref<80x128xf32, #tpu.memory_space<vmem>>, %arg13: memref<80x128xf32, #tpu.memory_space<vmem>>, %arg14: memref<!tpu.dma_semaphore, #tpu.memory_space<semaphore_mem>>, %arg15: memref<!tpu.dma_semaphore, #tpu.memory_space<semaphore_mem>>, %arg16: memref<!tpu.dma_semaphore, #tpu.memory_space<semaphore_mem>>, %arg17: memref<!tpu.dma_semaphore, #tpu.memory_space<semaphore_mem>>, %arg18: memref<!tpu.dma_semaphore, #tpu.memory_space<semaphore_mem>>, %arg19: memref<10240x128xf32, #tpu.memory_space<vmem_shared>>) attributes {dimension_semantics = [#tpu.dimension_semantics<core_parallel>, #tpu.dimension_semantics<subcore_parallel>], iteration_bounds = array<i64: 2, 16>, scalar_prefetch = 0 : i64, scratch_operands = 14 : i64, tpu.core_type = #tpu.core_type<sc_vector_subcore>, window_params = [{transform_indices = #map}, {transform_indices = #map1}, {transform_indices = #map}, {transform_indices = #map}]} {
    %mul3A = arith.constant 16 : i32
    %mul3A_0 = arith.muli %arg0, %mul3A : i32
    %add3A = arith.addi %mul3A_0, %arg1 : i32
    %mul3A_1 = arith.constant 640 : i32
    %mul3A_2 = arith.muli %arg1, %mul3A_1 : i32
    %mul3A_3 = arith.constant 640 : i32
    %mul3A_4 = arith.muli %arg1, %mul3A_3 : i32
    "tpu.region"() ({
      %run_scoped3A_34 = tpu.sem_alloc : memref<!tpu.dma_semaphore, #tpu.memory_space<semaphore_mem>>
      %dma_start3A_35 = arith.constant 0 : i32
      %dma_start3A_36 = tpu.memref_slice %arg19[%mul3A_4, %dma_start3A_35] : memref<10240x128xf32, #tpu.memory_space<vmem_shared>> -> memref<640x128xf32, #tpu.memory_space<vmem_shared>>
      %dma_start3A_37 = arith.constant 0 : i32
      %dma_start3A_38 = tpu.memref_slice %arg4[%mul3A_2, %dma_start3A_37] : memref<10240x128xf32, #tpu.memory_space<hbm>> -> memref<640x128xf32, #tpu.memory_space<hbm>>
      tpu.enqueue_dma source(%dma_start3A_38 : memref<640x128xf32, #tpu.memory_space<hbm>>) target(%dma_start3A_36 : memref<640x128xf32, #tpu.memory_space<vmem_shared>>) target_semaphore(%run_scoped3A_34 : memref<!tpu.dma_semaphore, #tpu.memory_space<semaphore_mem>>)
      %dma_wait3A_39 = arith.constant 0 : i32
      %dma_wait3A_40 = tpu.memref_slice %arg19[%mul3A_4, %dma_wait3A_39] : memref<10240x128xf32, #tpu.memory_space<vmem_shared>> -> memref<640x128xf32, #tpu.memory_space<vmem_shared>>
      %dma_wait3A_41 = arith.constant 0 : i32
      %dma_wait3A_42 = tpu.memref_slice %arg4[%mul3A_2, %dma_wait3A_41] : memref<10240x128xf32, #tpu.memory_space<hbm>> -> memref<640x128xf32, #tpu.memory_space<hbm>>
      tpu.wait_dma2 semaphore(%run_scoped3A_34 : memref<!tpu.dma_semaphore, #tpu.memory_space<semaphore_mem>>) src(%dma_wait3A_42 : memref<640x128xf32, #tpu.memory_space<hbm>>) dst(%dma_wait3A_40 : memref<640x128xf32, #tpu.memory_space<vmem_shared>>)
      tpu.yield
    }) : () -> ()
    %barrier3A = arith.constant 0 : index
    tpu.barrier barrier_id(%barrier3A)
    %mul3A_5 = arith.constant 125 : i32
    %mul3A_6 = arith.muli %add3A, %mul3A_5 : i32
    %scan3A = arith.constant 0 : i32
    %scan3A_7 = arith.constant 0 : i32
    %scan3A_8 = arith.constant 31 : i32
    %scan3A_9 = arith.addi %scan3A_7, %scan3A_8 : i32
    %scan3A_10 = arith.constant 1 : i32
    scf.for %scan3A_34 = %scan3A_7 to %scan3A_9 step %scan3A_10  : i32 {
      %mul3A_35 = arith.constant 4 : i32
      %mul3A_36 = arith.muli %mul3A_35, %scan3A_34 : i32
      %add3A_37 = arith.addi %mul3A_6, %mul3A_36 : i32
      %add3A_38 = arith.constant 0 : i32
      %add3A_39 = arith.addi %add3A_37, %add3A_38 : i32
      "tpu.region"() ({
        %run_scoped3A_167 = tpu.sem_alloc : memref<!tpu.dma_semaphore, #tpu.memory_space<semaphore_mem>>
        %dma_start3A_168 = arith.constant 0 : i32
        %dma_start3A_169 = arith.constant 0 : i32
        %dma_start3A_170 = tpu.memref_slice %arg3[%add3A_39, %dma_start3A_168, %dma_start3A_169] : memref<4000x2x80xi32, #tpu.memory_space<hbm>> -> memref<1x2x80xi32, #tpu.memory_space<hbm>>
        %dma_start3A_171 = tpu.memref_squeeze %dma_start3A_170 : memref<1x2x80xi32, #tpu.memory_space<hbm>> -> memref<2x80xi32, #tpu.memory_space<hbm>>
        %dma_start3A_172 = arith.constant 0 : i32
        %dma_start3A_173 = arith.constant 0 : i32
        %dma_start3A_174 = tpu.memref_slice %arg3[%add3A_39, %dma_start3A_172, %dma_start3A_173] : memref<4000x2x80xi32, #tpu.memory_space<hbm>> -> memref<1x2x80xi32, #tpu.memory_space<hbm>>
        %dma_start3A_175 = tpu.memref_squeeze %dma_start3A_174 : memref<1x2x80xi32, #tpu.memory_space<hbm>> -> memref<2x80xi32, #tpu.memory_space<hbm>>
        tpu.enqueue_dma source(%dma_start3A_175 : memref<2x80xi32, #tpu.memory_space<hbm>>) target(%arg6 : memref<2x80xi32, #tpu.memory_space<vmem>>) target_semaphore(%run_scoped3A_167 : memref<!tpu.dma_semaphore, #tpu.memory_space<semaphore_mem>>)
        %dma_wait3A_176 = arith.constant 0 : i32
        %dma_wait3A_177 = arith.constant 0 : i32
        %dma_wait3A_178 = tpu.memref_slice %arg3[%add3A_39, %dma_wait3A_176, %dma_wait3A_177] : memref<4000x2x80xi32, #tpu.memory_space<hbm>> -> memref<1x2x80xi32, #tpu.memory_space<hbm>>
        %dma_wait3A_179 = tpu.memref_squeeze %dma_wait3A_178 : memref<1x2x80xi32, #tpu.memory_space<hbm>> -> memref<2x80xi32, #tpu.memory_space<hbm>>
        %dma_wait3A_180 = arith.constant 0 : i32
        %dma_wait3A_181 = arith.constant 0 : i32
        %dma_wait3A_182 = tpu.memref_slice %arg3[%add3A_39, %dma_wait3A_180, %dma_wait3A_181] : memref<4000x2x80xi32, #tpu.memory_space<hbm>> -> memref<1x2x80xi32, #tpu.memory_space<hbm>>
        %dma_wait3A_183 = tpu.memref_squeeze %dma_wait3A_182 : memref<1x2x80xi32, #tpu.memory_space<hbm>> -> memref<2x80xi32, #tpu.memory_space<hbm>>
        tpu.wait_dma2 semaphore(%run_scoped3A_167 : memref<!tpu.dma_semaphore, #tpu.memory_space<semaphore_mem>>) src(%dma_wait3A_183 : memref<2x80xi32, #tpu.memory_space<hbm>>) dst(%arg6 : memref<2x80xi32, #tpu.memory_space<vmem>>)
        tpu.yield
      }) : () -> ()
      %dma_start3A_40 = arith.constant 0 : i32
      %dma_start3A_41 = arith.constant 0 : i32
      %dma_start3A_42 = tpu.memref_slice %arg6[%dma_start3A_40, %dma_start3A_41] : memref<2x80xi32, #tpu.memory_space<vmem>> -> memref<1x80xi32, #tpu.memory_space<vmem>>
      %dma_start3A_43 = tpu.memref_squeeze %dma_start3A_42 : memref<1x80xi32, #tpu.memory_space<vmem>> -> memref<80xi32, #tpu.memory_space<vmem>>
      %dma_start3A_44 = arith.constant 0 : i32
      %dma_start3A_45 = arith.constant 0 : i32
      %dma_start3A_46 = tpu.memref_slice %arg2[%dma_start3A_44, %dma_start3A_45] : memref<10000x128xf32, #tpu.memory_space<hbm>> -> memref<10000x128xf32, #tpu.memory_space<hbm>>
      tpu.enqueue_indirect_dma source(%dma_start3A_46 : memref<10000x128xf32, #tpu.memory_space<hbm>>) target(%arg10 : memref<80x128xf32, #tpu.memory_space<vmem>>) offsets(%dma_start3A_43 : memref<80xi32, #tpu.memory_space<vmem>>) semaphore(%arg14 : memref<!tpu.dma_semaphore, #tpu.memory_space<semaphore_mem>>)
      %mul3A_47 = arith.constant 4 : i32
      %mul3A_48 = arith.muli %mul3A_47, %scan3A_34 : i32
      %add3A_49 = arith.addi %mul3A_6, %mul3A_48 : i32
      %add3A_50 = arith.constant 1 : i32
      %add3A_51 = arith.addi %add3A_49, %add3A_50 : i32
      "tpu.region"() ({
        %run_scoped3A_167 = tpu.sem_alloc : memref<!tpu.dma_semaphore, #tpu.memory_space<semaphore_mem>>
        %dma_start3A_168 = arith.constant 0 : i32
        %dma_start3A_169 = arith.constant 0 : i32
        %dma_start3A_170 = tpu.memref_slice %arg3[%add3A_51, %dma_start3A_168, %dma_start3A_169] : memref<4000x2x80xi32, #tpu.memory_space<hbm>> -> memref<1x2x80xi32, #tpu.memory_space<hbm>>
        %dma_start3A_171 = tpu.memref_squeeze %dma_start3A_170 : memref<1x2x80xi32, #tpu.memory_space<hbm>> -> memref<2x80xi32, #tpu.memory_space<hbm>>
        %dma_start3A_172 = arith.constant 0 : i32
        %dma_start3A_173 = arith.constant 0 : i32
        %dma_start3A_174 = tpu.memref_slice %arg3[%add3A_51, %dma_start3A_172, %dma_start3A_173] : memref<4000x2x80xi32, #tpu.memory_space<hbm>> -> memref<1x2x80xi32, #tpu.memory_space<hbm>>
        %dma_start3A_175 = tpu.memref_squeeze %dma_start3A_174 : memref<1x2x80xi32, #tpu.memory_space<hbm>> -> memref<2x80xi32, #tpu.memory_space<hbm>>
        tpu.enqueue_dma source(%dma_start3A_175 : memref<2x80xi32, #tpu.memory_space<hbm>>) target(%arg7 : memref<2x80xi32, #tpu.memory_space<vmem>>) target_semaphore(%run_scoped3A_167 : memref<!tpu.dma_semaphore, #tpu.memory_space<semaphore_mem>>)
        %dma_wait3A_176 = arith.constant 0 : i32
        %dma_wait3A_177 = arith.constant 0 : i32
        %dma_wait3A_178 = tpu.memref_slice %arg3[%add3A_51, %dma_wait3A_176, %dma_wait3A_177] : memref<4000x2x80xi32, #tpu.memory_space<hbm>> -> memref<1x2x80xi32, #tpu.memory_space<hbm>>
        %dma_wait3A_179 = tpu.memref_squeeze %dma_wait3A_178 : memref<1x2x80xi32, #tpu.memory_space<hbm>> -> memref<2x80xi32, #tpu.memory_space<hbm>>
        %dma_wait3A_180 = arith.constant 0 : i32
        %dma_wait3A_181 = arith.constant 0 : i32
        %dma_wait3A_182 = tpu.memref_slice %arg3[%add3A_51, %dma_wait3A_180, %dma_wait3A_181] : memref<4000x2x80xi32, #tpu.memory_space<hbm>> -> memref<1x2x80xi32, #tpu.memory_space<hbm>>
        %dma_wait3A_183 = tpu.memref_squeeze %dma_wait3A_182 : memref<1x2x80xi32, #tpu.memory_space<hbm>> -> memref<2x80xi32, #tpu.memory_space<hbm>>
        tpu.wait_dma2 semaphore(%run_scoped3A_167 : memref<!tpu.dma_semaphore, #tpu.memory_space<semaphore_mem>>) src(%dma_wait3A_183 : memref<2x80xi32, #tpu.memory_space<hbm>>) dst(%arg7 : memref<2x80xi32, #tpu.memory_space<vmem>>)
        tpu.yield
      }) : () -> ()
      %dma_start3A_52 = arith.constant 0 : i32
      %dma_start3A_53 = arith.constant 0 : i32
      %dma_start3A_54 = tpu.memref_slice %arg7[%dma_start3A_52, %dma_start3A_53] : memref<2x80xi32, #tpu.memory_space<vmem>> -> memref<1x80xi32, #tpu.memory_space<vmem>>
      %dma_start3A_55 = tpu.memref_squeeze %dma_start3A_54 : memref<1x80xi32, #tpu.memory_space<vmem>> -> memref<80xi32, #tpu.memory_space<vmem>>
      %dma_start3A_56 = arith.constant 0 : i32
      %dma_start3A_57 = arith.constant 0 : i32
      %dma_start3A_58 = tpu.memref_slice %arg2[%dma_start3A_56, %dma_start3A_57] : memref<10000x128xf32, #tpu.memory_space<hbm>> -> memref<10000x128xf32, #tpu.memory_space<hbm>>
      tpu.enqueue_indirect_dma source(%dma_start3A_58 : memref<10000x128xf32, #tpu.memory_space<hbm>>) target(%arg11 : memref<80x128xf32, #tpu.memory_space<vmem>>) offsets(%dma_start3A_55 : memref<80xi32, #tpu.memory_space<vmem>>) semaphore(%arg15 : memref<!tpu.dma_semaphore, #tpu.memory_space<semaphore_mem>>)
      %mul3A_59 = arith.constant 4 : i32
      %mul3A_60 = arith.muli %mul3A_59, %scan3A_34 : i32
      %add3A_61 = arith.addi %mul3A_6, %mul3A_60 : i32
      %add3A_62 = arith.constant 2 : i32
      %add3A_63 = arith.addi %add3A_61, %add3A_62 : i32
      "tpu.region"() ({
        %run_scoped3A_167 = tpu.sem_alloc : memref<!tpu.dma_semaphore, #tpu.memory_space<semaphore_mem>>
        %dma_start3A_168 = arith.constant 0 : i32
        %dma_start3A_169 = arith.constant 0 : i32
        %dma_start3A_170 = tpu.memref_slice %arg3[%add3A_63, %dma_start3A_168, %dma_start3A_169] : memref<4000x2x80xi32, #tpu.memory_space<hbm>> -> memref<1x2x80xi32, #tpu.memory_space<hbm>>
        %dma_start3A_171 = tpu.memref_squeeze %dma_start3A_170 : memref<1x2x80xi32, #tpu.memory_space<hbm>> -> memref<2x80xi32, #tpu.memory_space<hbm>>
        %dma_start3A_172 = arith.constant 0 : i32
        %dma_start3A_173 = arith.constant 0 : i32
        %dma_start3A_174 = tpu.memref_slice %arg3[%add3A_63, %dma_start3A_172, %dma_start3A_173] : memref<4000x2x80xi32, #tpu.memory_space<hbm>> -> memref<1x2x80xi32, #tpu.memory_space<hbm>>
        %dma_start3A_175 = tpu.memref_squeeze %dma_start3A_174 : memref<1x2x80xi32, #tpu.memory_space<hbm>> -> memref<2x80xi32, #tpu.memory_space<hbm>>
        tpu.enqueue_dma source(%dma_start3A_175 : memref<2x80xi32, #tpu.memory_space<hbm>>) target(%arg8 : memref<2x80xi32, #tpu.memory_space<vmem>>) target_semaphore(%run_scoped3A_167 : memref<!tpu.dma_semaphore, #tpu.memory_space<semaphore_mem>>)
        %dma_wait3A_176 = arith.constant 0 : i32
        %dma_wait3A_177 = arith.constant 0 : i32
        %dma_wait3A_178 = tpu.memref_slice %arg3[%add3A_63, %dma_wait3A_176, %dma_wait3A_177] : memref<4000x2x80xi32, #tpu.memory_space<hbm>> -> memref<1x2x80xi32, #tpu.memory_space<hbm>>
        %dma_wait3A_179 = tpu.memref_squeeze %dma_wait3A_178 : memref<1x2x80xi32, #tpu.memory_space<hbm>> -> memref<2x80xi32, #tpu.memory_space<hbm>>
        %dma_wait3A_180 = arith.constant 0 : i32
        %dma_wait3A_181 = arith.constant 0 : i32
        %dma_wait3A_182 = tpu.memref_slice %arg3[%add3A_63, %dma_wait3A_180, %dma_wait3A_181] : memref<4000x2x80xi32, #tpu.memory_space<hbm>> -> memref<1x2x80xi32, #tpu.memory_space<hbm>>
        %dma_wait3A_183 = tpu.memref_squeeze %dma_wait3A_182 : memref<1x2x80xi32, #tpu.memory_space<hbm>> -> memref<2x80xi32, #tpu.memory_space<hbm>>
        tpu.wait_dma2 semaphore(%run_scoped3A_167 : memref<!tpu.dma_semaphore, #tpu.memory_space<semaphore_mem>>) src(%dma_wait3A_183 : memref<2x80xi32, #tpu.memory_space<hbm>>) dst(%arg8 : memref<2x80xi32, #tpu.memory_space<vmem>>)
        tpu.yield
      }) : () -> ()
      %dma_start3A_64 = arith.constant 0 : i32
      %dma_start3A_65 = arith.constant 0 : i32
      %dma_start3A_66 = tpu.memref_slice %arg8[%dma_start3A_64, %dma_start3A_65] : memref<2x80xi32, #tpu.memory_space<vmem>> -> memref<1x80xi32, #tpu.memory_space<vmem>>
      %dma_start3A_67 = tpu.memref_squeeze %dma_start3A_66 : memref<1x80xi32, #tpu.memory_space<vmem>> -> memref<80xi32, #tpu.memory_space<vmem>>
      %dma_start3A_68 = arith.constant 0 : i32
      %dma_start3A_69 = arith.constant 0 : i32
      %dma_start3A_70 = tpu.memref_slice %arg2[%dma_start3A_68, %dma_start3A_69] : memref<10000x128xf32, #tpu.memory_space<hbm>> -> memref<10000x128xf32, #tpu.memory_space<hbm>>
      tpu.enqueue_indirect_dma source(%dma_start3A_70 : memref<10000x128xf32, #tpu.memory_space<hbm>>) target(%arg12 : memref<80x128xf32, #tpu.memory_space<vmem>>) offsets(%dma_start3A_67 : memref<80xi32, #tpu.memory_space<vmem>>) semaphore(%arg16 : memref<!tpu.dma_semaphore, #tpu.memory_space<semaphore_mem>>)
      %mul3A_71 = arith.constant 4 : i32
      %mul3A_72 = arith.muli %mul3A_71, %scan3A_34 : i32
      %add3A_73 = arith.addi %mul3A_6, %mul3A_72 : i32
      %add3A_74 = arith.constant 3 : i32
      %add3A_75 = arith.addi %add3A_73, %add3A_74 : i32
      "tpu.region"() ({
        %run_scoped3A_167 = tpu.sem_alloc : memref<!tpu.dma_semaphore, #tpu.memory_space<semaphore_mem>>
        %dma_start3A_168 = arith.constant 0 : i32
        %dma_start3A_169 = arith.constant 0 : i32
        %dma_start3A_170 = tpu.memref_slice %arg3[%add3A_75, %dma_start3A_168, %dma_start3A_169] : memref<4000x2x80xi32, #tpu.memory_space<hbm>> -> memref<1x2x80xi32, #tpu.memory_space<hbm>>
        %dma_start3A_171 = tpu.memref_squeeze %dma_start3A_170 : memref<1x2x80xi32, #tpu.memory_space<hbm>> -> memref<2x80xi32, #tpu.memory_space<hbm>>
        %dma_start3A_172 = arith.constant 0 : i32
        %dma_start3A_173 = arith.constant 0 : i32
        %dma_start3A_174 = tpu.memref_slice %arg3[%add3A_75, %dma_start3A_172, %dma_start3A_173] : memref<4000x2x80xi32, #tpu.memory_space<hbm>> -> memref<1x2x80xi32, #tpu.memory_space<hbm>>
        %dma_start3A_175 = tpu.memref_squeeze %dma_start3A_174 : memref<1x2x80xi32, #tpu.memory_space<hbm>> -> memref<2x80xi32, #tpu.memory_space<hbm>>
        tpu.enqueue_dma source(%dma_start3A_175 : memref<2x80xi32, #tpu.memory_space<hbm>>) target(%arg9 : memref<2x80xi32, #tpu.memory_space<vmem>>) target_semaphore(%run_scoped3A_167 : memref<!tpu.dma_semaphore, #tpu.memory_space<semaphore_mem>>)
        %dma_wait3A_176 = arith.constant 0 : i32
        %dma_wait3A_177 = arith.constant 0 : i32
        %dma_wait3A_178 = tpu.memref_slice %arg3[%add3A_75, %dma_wait3A_176, %dma_wait3A_177] : memref<4000x2x80xi32, #tpu.memory_space<hbm>> -> memref<1x2x80xi32, #tpu.memory_space<hbm>>
        %dma_wait3A_179 = tpu.memref_squeeze %dma_wait3A_178 : memref<1x2x80xi32, #tpu.memory_space<hbm>> -> memref<2x80xi32, #tpu.memory_space<hbm>>
        %dma_wait3A_180 = arith.constant 0 : i32
        %dma_wait3A_181 = arith.constant 0 : i32
        %dma_wait3A_182 = tpu.memref_slice %arg3[%add3A_75, %dma_wait3A_180, %dma_wait3A_181] : memref<4000x2x80xi32, #tpu.memory_space<hbm>> -> memref<1x2x80xi32, #tpu.memory_space<hbm>>
        %dma_wait3A_183 = tpu.memref_squeeze %dma_wait3A_182 : memref<1x2x80xi32, #tpu.memory_space<hbm>> -> memref<2x80xi32, #tpu.memory_space<hbm>>
        tpu.wait_dma2 semaphore(%run_scoped3A_167 : memref<!tpu.dma_semaphore, #tpu.memory_space<semaphore_mem>>) src(%dma_wait3A_183 : memref<2x80xi32, #tpu.memory_space<hbm>>) dst(%arg9 : memref<2x80xi32, #tpu.memory_space<vmem>>)
        tpu.yield
      }) : () -> ()
      %dma_start3A_76 = arith.constant 0 : i32
      %dma_start3A_77 = arith.constant 0 : i32
      %dma_start3A_78 = tpu.memref_slice %arg9[%dma_start3A_76, %dma_start3A_77] : memref<2x80xi32, #tpu.memory_space<vmem>> -> memref<1x80xi32, #tpu.memory_space<vmem>>
      %dma_start3A_79 = tpu.memref_squeeze %dma_start3A_78 : memref<1x80xi32, #tpu.memory_space<vmem>> -> memref<80xi32, #tpu.memory_space<vmem>>
      %dma_start3A_80 = arith.constant 0 : i32
      %dma_start3A_81 = arith.constant 0 : i32
      %dma_start3A_82 = tpu.memref_slice %arg2[%dma_start3A_80, %dma_start3A_81] : memref<10000x128xf32, #tpu.memory_space<hbm>> -> memref<10000x128xf32, #tpu.memory_space<hbm>>
      tpu.enqueue_indirect_dma source(%dma_start3A_82 : memref<10000x128xf32, #tpu.memory_space<hbm>>) target(%arg13 : memref<80x128xf32, #tpu.memory_space<vmem>>) offsets(%dma_start3A_79 : memref<80xi32, #tpu.memory_space<vmem>>) semaphore(%arg17 : memref<!tpu.dma_semaphore, #tpu.memory_space<semaphore_mem>>)
      %dma_wait3A_83 = arith.constant 0 : i32
      %dma_wait3A_84 = arith.constant 0 : i32
      %dma_wait3A_85 = tpu.memref_slice %arg6[%dma_wait3A_83, %dma_wait3A_84] : memref<2x80xi32, #tpu.memory_space<vmem>> -> memref<1x80xi32, #tpu.memory_space<vmem>>
      %dma_wait3A_86 = tpu.memref_squeeze %dma_wait3A_85 : memref<1x80xi32, #tpu.memory_space<vmem>> -> memref<80xi32, #tpu.memory_space<vmem>>
      %dma_wait3A_87 = arith.constant 0 : i32
      %dma_wait3A_88 = arith.constant 0 : i32
      %dma_wait3A_89 = tpu.memref_slice %arg2[%dma_wait3A_87, %dma_wait3A_88] : memref<10000x128xf32, #tpu.memory_space<hbm>> -> memref<10000x128xf32, #tpu.memory_space<hbm>>
      tpu.wait_indirect_dma semaphore(%arg14 : memref<!tpu.dma_semaphore, #tpu.memory_space<semaphore_mem>>) src(%dma_wait3A_89 : memref<10000x128xf32, #tpu.memory_space<hbm>>) dst(%arg10 : memref<80x128xf32, #tpu.memory_space<vmem>>)
      %dma_start3A_90 = arith.constant 1 : i32
      %dma_start3A_91 = arith.constant 0 : i32
      %dma_start3A_92 = tpu.memref_slice %arg6[%dma_start3A_90, %dma_start3A_91] : memref<2x80xi32, #tpu.memory_space<vmem>> -> memref<1x80xi32, #tpu.memory_space<vmem>>
      %dma_start3A_93 = tpu.memref_squeeze %dma_start3A_92 : memref<1x80xi32, #tpu.memory_space<vmem>> -> memref<80xi32, #tpu.memory_space<vmem>>
      %dma_start3A_94 = arith.constant 0 : i32
      %dma_start3A_95 = arith.constant 0 : i32
      %dma_start3A_96 = tpu.memref_slice %arg19[%dma_start3A_94, %dma_start3A_95] : memref<10240x128xf32, #tpu.memory_space<vmem_shared>> -> memref<10240x128xf32, #tpu.memory_space<vmem_shared>>
      tpu.enqueue_indirect_dma source(%arg10 : memref<80x128xf32, #tpu.memory_space<vmem>>) target(%dma_start3A_96 : memref<10240x128xf32, #tpu.memory_space<vmem_shared>>) offsets(%dma_start3A_93 : memref<80xi32, #tpu.memory_space<vmem>>) semaphore(%arg18 : memref<!tpu.dma_semaphore, #tpu.memory_space<semaphore_mem>>) {add = true}
      %dma_wait3A_97 = arith.constant 0 : i32
      %dma_wait3A_98 = arith.constant 0 : i32
      %dma_wait3A_99 = tpu.memref_slice %arg7[%dma_wait3A_97, %dma_wait3A_98] : memref<2x80xi32, #tpu.memory_space<vmem>> -> memref<1x80xi32, #tpu.memory_space<vmem>>
      %dma_wait3A_100 = tpu.memref_squeeze %dma_wait3A_99 : memref<1x80xi32, #tpu.memory_space<vmem>> -> memref<80xi32, #tpu.memory_space<vmem>>
      %dma_wait3A_101 = arith.constant 0 : i32
      %dma_wait3A_102 = arith.constant 0 : i32
      %dma_wait3A_103 = tpu.memref_slice %arg2[%dma_wait3A_101, %dma_wait3A_102] : memref<10000x128xf32, #tpu.memory_space<hbm>> -> memref<10000x128xf32, #tpu.memory_space<hbm>>
      tpu.wait_indirect_dma semaphore(%arg15 : memref<!tpu.dma_semaphore, #tpu.memory_space<semaphore_mem>>) src(%dma_wait3A_103 : memref<10000x128xf32, #tpu.memory_space<hbm>>) dst(%arg11 : memref<80x128xf32, #tpu.memory_space<vmem>>)
      %dma_start3A_104 = arith.constant 1 : i32
      %dma_start3A_105 = arith.constant 0 : i32
      %dma_start3A_106 = tpu.memref_slice %arg7[%dma_start3A_104, %dma_start3A_105] : memref<2x80xi32, #tpu.memory_space<vmem>> -> memref<1x80xi32, #tpu.memory_space<vmem>>
      %dma_start3A_107 = tpu.memref_squeeze %dma_start3A_106 : memref<1x80xi32, #tpu.memory_space<vmem>> -> memref<80xi32, #tpu.memory_space<vmem>>
      %dma_start3A_108 = arith.constant 0 : i32
      %dma_start3A_109 = arith.constant 0 : i32
      %dma_start3A_110 = tpu.memref_slice %arg19[%dma_start3A_108, %dma_start3A_109] : memref<10240x128xf32, #tpu.memory_space<vmem_shared>> -> memref<10240x128xf32, #tpu.memory_space<vmem_shared>>
      tpu.enqueue_indirect_dma source(%arg11 : memref<80x128xf32, #tpu.memory_space<vmem>>) target(%dma_start3A_110 : memref<10240x128xf32, #tpu.memory_space<vmem_shared>>) offsets(%dma_start3A_107 : memref<80xi32, #tpu.memory_space<vmem>>) semaphore(%arg18 : memref<!tpu.dma_semaphore, #tpu.memory_space<semaphore_mem>>) {add = true}
      %dma_wait3A_111 = arith.constant 0 : i32
      %dma_wait3A_112 = arith.constant 0 : i32
      %dma_wait3A_113 = tpu.memref_slice %arg8[%dma_wait3A_111, %dma_wait3A_112] : memref<2x80xi32, #tpu.memory_space<vmem>> -> memref<1x80xi32, #tpu.memory_space<vmem>>
      %dma_wait3A_114 = tpu.memref_squeeze %dma_wait3A_113 : memref<1x80xi32, #tpu.memory_space<vmem>> -> memref<80xi32, #tpu.memory_space<vmem>>
      %dma_wait3A_115 = arith.constant 0 : i32
      %dma_wait3A_116 = arith.constant 0 : i32
      %dma_wait3A_117 = tpu.memref_slice %arg2[%dma_wait3A_115, %dma_wait3A_116] : memref<10000x128xf32, #tpu.memory_space<hbm>> -> memref<10000x128xf32, #tpu.memory_space<hbm>>
      tpu.wait_indirect_dma semaphore(%arg16 : memref<!tpu.dma_semaphore, #tpu.memory_space<semaphore_mem>>) src(%dma_wait3A_117 : memref<10000x128xf32, #tpu.memory_space<hbm>>) dst(%arg12 : memref<80x128xf32, #tpu.memory_space<vmem>>)
      %dma_start3A_118 = arith.constant 1 : i32
      %dma_start3A_119 = arith.constant 0 : i32
      %dma_start3A_120 = tpu.memref_slice %arg8[%dma_start3A_118, %dma_start3A_119] : memref<2x80xi32, #tpu.memory_space<vmem>> -> memref<1x80xi32, #tpu.memory_space<vmem>>
      %dma_start3A_121 = tpu.memref_squeeze %dma_start3A_120 : memref<1x80xi32, #tpu.memory_space<vmem>> -> memref<80xi32, #tpu.memory_space<vmem>>
      %dma_start3A_122 = arith.constant 0 : i32
      %dma_start3A_123 = arith.constant 0 : i32
      %dma_start3A_124 = tpu.memref_slice %arg19[%dma_start3A_122, %dma_start3A_123] : memref<10240x128xf32, #tpu.memory_space<vmem_shared>> -> memref<10240x128xf32, #tpu.memory_space<vmem_shared>>
      tpu.enqueue_indirect_dma source(%arg12 : memref<80x128xf32, #tpu.memory_space<vmem>>) target(%dma_start3A_124 : memref<10240x128xf32, #tpu.memory_space<vmem_shared>>) offsets(%dma_start3A_121 : memref<80xi32, #tpu.memory_space<vmem>>) semaphore(%arg18 : memref<!tpu.dma_semaphore, #tpu.memory_space<semaphore_mem>>) {add = true}
      %dma_wait3A_125 = arith.constant 0 : i32
      %dma_wait3A_126 = arith.constant 0 : i32
      %dma_wait3A_127 = tpu.memref_slice %arg9[%dma_wait3A_125, %dma_wait3A_126] : memref<2x80xi32, #tpu.memory_space<vmem>> -> memref<1x80xi32, #tpu.memory_space<vmem>>
      %dma_wait3A_128 = tpu.memref_squeeze %dma_wait3A_127 : memref<1x80xi32, #tpu.memory_space<vmem>> -> memref<80xi32, #tpu.memory_space<vmem>>
      %dma_wait3A_129 = arith.constant 0 : i32
      %dma_wait3A_130 = arith.constant 0 : i32
      %dma_wait3A_131 = tpu.memref_slice %arg2[%dma_wait3A_129, %dma_wait3A_130] : memref<10000x128xf32, #tpu.memory_space<hbm>> -> memref<10000x128xf32, #tpu.memory_space<hbm>>
      tpu.wait_indirect_dma semaphore(%arg17 : memref<!tpu.dma_semaphore, #tpu.memory_space<semaphore_mem>>) src(%dma_wait3A_131 : memref<10000x128xf32, #tpu.memory_space<hbm>>) dst(%arg13 : memref<80x128xf32, #tpu.memory_space<vmem>>)
      %dma_start3A_132 = arith.constant 1 : i32
      %dma_start3A_133 = arith.constant 0 : i32
      %dma_start3A_134 = tpu.memref_slice %arg9[%dma_start3A_132, %dma_start3A_133] : memref<2x80xi32, #tpu.memory_space<vmem>> -> memref<1x80xi32, #tpu.memory_space<vmem>>
      %dma_start3A_135 = tpu.memref_squeeze %dma_start3A_134 : memref<1x80xi32, #tpu.memory_space<vmem>> -> memref<80xi32, #tpu.memory_space<vmem>>
      %dma_start3A_136 = arith.constant 0 : i32
      %dma_start3A_137 = arith.constant 0 : i32
      %dma_start3A_138 = tpu.memref_slice %arg19[%dma_start3A_136, %dma_start3A_137] : memref<10240x128xf32, #tpu.memory_space<vmem_shared>> -> memref<10240x128xf32, #tpu.memory_space<vmem_shared>>
      tpu.enqueue_indirect_dma source(%arg13 : memref<80x128xf32, #tpu.memory_space<vmem>>) target(%dma_start3A_138 : memref<10240x128xf32, #tpu.memory_space<vmem_shared>>) offsets(%dma_start3A_135 : memref<80xi32, #tpu.memory_space<vmem>>) semaphore(%arg18 : memref<!tpu.dma_semaphore, #tpu.memory_space<semaphore_mem>>) {add = true}
      %dma_wait3A_139 = arith.constant 1 : i32
      %dma_wait3A_140 = arith.constant 0 : i32
      %dma_wait3A_141 = tpu.memref_slice %arg6[%dma_wait3A_139, %dma_wait3A_140] : memref<2x80xi32, #tpu.memory_space<vmem>> -> memref<1x80xi32, #tpu.memory_space<vmem>>
      %dma_wait3A_142 = tpu.memref_squeeze %dma_wait3A_141 : memref<1x80xi32, #tpu.memory_space<vmem>> -> memref<80xi32, #tpu.memory_space<vmem>>
      %dma_wait3A_143 = arith.constant 0 : i32
      %dma_wait3A_144 = arith.constant 0 : i32
      %dma_wait3A_145 = tpu.memref_slice %arg19[%dma_wait3A_143, %dma_wait3A_144] : memref<10240x128xf32, #tpu.memory_space<vmem_shared>> -> memref<10240x128xf32, #tpu.memory_space<vmem_shared>>
      tpu.wait_indirect_dma semaphore(%arg18 : memref<!tpu.dma_semaphore, #tpu.memory_space<semaphore_mem>>) src(%arg10 : memref<80x128xf32, #tpu.memory_space<vmem>>) dst(%dma_wait3A_145 : memref<10240x128xf32, #tpu.memory_space<vmem_shared>>)
      %dma_wait3A_146 = arith.constant 1 : i32
      %dma_wait3A_147 = arith.constant 0 : i32
      %dma_wait3A_148 = tpu.memref_slice %arg7[%dma_wait3A_146, %dma_wait3A_147] : memref<2x80xi32, #tpu.memory_space<vmem>> -> memref<1x80xi32, #tpu.memory_space<vmem>>
      %dma_wait3A_149 = tpu.memref_squeeze %dma_wait3A_148 : memref<1x80xi32, #tpu.memory_space<vmem>> -> memref<80xi32, #tpu.memory_space<vmem>>
      %dma_wait3A_150 = arith.constant 0 : i32
      %dma_wait3A_151 = arith.constant 0 : i32
      %dma_wait3A_152 = tpu.memref_slice %arg19[%dma_wait3A_150, %dma_wait3A_151] : memref<10240x128xf32, #tpu.memory_space<vmem_shared>> -> memref<10240x128xf32, #tpu.memory_space<vmem_shared>>
      tpu.wait_indirect_dma semaphore(%arg18 : memref<!tpu.dma_semaphore, #tpu.memory_space<semaphore_mem>>) src(%arg11 : memref<80x128xf32, #tpu.memory_space<vmem>>) dst(%dma_wait3A_152 : memref<10240x128xf32, #tpu.memory_space<vmem_shared>>)
      %dma_wait3A_153 = arith.constant 1 : i32
      %dma_wait3A_154 = arith.constant 0 : i32
      %dma_wait3A_155 = tpu.memref_slice %arg8[%dma_wait3A_153, %dma_wait3A_154] : memref<2x80xi32, #tpu.memory_space<vmem>> -> memref<1x80xi32, #tpu.memory_space<vmem>>
      %dma_wait3A_156 = tpu.memref_squeeze %dma_wait3A_155 : memref<1x80xi32, #tpu.memory_space<vmem>> -> memref<80xi32, #tpu.memory_space<vmem>>
      %dma_wait3A_157 = arith.constant 0 : i32
      %dma_wait3A_158 = arith.constant 0 : i32
      %dma_wait3A_159 = tpu.memref_slice %arg19[%dma_wait3A_157, %dma_wait3A_158] : memref<10240x128xf32, #tpu.memory_space<vmem_shared>> -> memref<10240x128xf32, #tpu.memory_space<vmem_shared>>
      tpu.wait_indirect_dma semaphore(%arg18 : memref<!tpu.dma_semaphore, #tpu.memory_space<semaphore_mem>>) src(%arg12 : memref<80x128xf32, #tpu.memory_space<vmem>>) dst(%dma_wait3A_159 : memref<10240x128xf32, #tpu.memory_space<vmem_shared>>)
      %dma_wait3A_160 = arith.constant 1 : i32
      %dma_wait3A_161 = arith.constant 0 : i32
      %dma_wait3A_162 = tpu.memref_slice %arg9[%dma_wait3A_160, %dma_wait3A_161] : memref<2x80xi32, #tpu.memory_space<vmem>> -> memref<1x80xi32, #tpu.memory_space<vmem>>
      %dma_wait3A_163 = tpu.memref_squeeze %dma_wait3A_162 : memref<1x80xi32, #tpu.memory_space<vmem>> -> memref<80xi32, #tpu.memory_space<vmem>>
      %dma_wait3A_164 = arith.constant 0 : i32
      %dma_wait3A_165 = arith.constant 0 : i32
      %dma_wait3A_166 = tpu.memref_slice %arg19[%dma_wait3A_164, %dma_wait3A_165] : memref<10240x128xf32, #tpu.memory_space<vmem_shared>> -> memref<10240x128xf32, #tpu.memory_space<vmem_shared>>
      tpu.wait_indirect_dma semaphore(%arg18 : memref<!tpu.dma_semaphore, #tpu.memory_space<semaphore_mem>>) src(%arg13 : memref<80x128xf32, #tpu.memory_space<vmem>>) dst(%dma_wait3A_166 : memref<10240x128xf32, #tpu.memory_space<vmem_shared>>)
    }
    %scan3A_11 = arith.constant 31 : i32
    %add3A_12 = arith.constant 124 : i32
    %add3A_13 = arith.addi %mul3A_6, %add3A_12 : i32
    "tpu.region"() ({
      %run_scoped3A_34 = tpu.sem_alloc : memref<!tpu.dma_semaphore, #tpu.memory_space<semaphore_mem>>
      %dma_start3A_35 = arith.constant 0 : i32
      %dma_start3A_36 = arith.constant 0 : i32
      %dma_start3A_37 = tpu.memref_slice %arg3[%add3A_13, %dma_start3A_35, %dma_start3A_36] : memref<4000x2x80xi32, #tpu.memory_space<hbm>> -> memref<1x2x80xi32, #tpu.memory_space<hbm>>
      %dma_start3A_38 = tpu.memref_squeeze %dma_start3A_37 : memref<1x2x80xi32, #tpu.memory_space<hbm>> -> memref<2x80xi32, #tpu.memory_space<hbm>>
      %dma_start3A_39 = arith.constant 0 : i32
      %dma_start3A_40 = arith.constant 0 : i32
      %dma_start3A_41 = tpu.memref_slice %arg3[%add3A_13, %dma_start3A_39, %dma_start3A_40] : memref<4000x2x80xi32, #tpu.memory_space<hbm>> -> memref<1x2x80xi32, #tpu.memory_space<hbm>>
      %dma_start3A_42 = tpu.memref_squeeze %dma_start3A_41 : memref<1x2x80xi32, #tpu.memory_space<hbm>> -> memref<2x80xi32, #tpu.memory_space<hbm>>
      tpu.enqueue_dma source(%dma_start3A_42 : memref<2x80xi32, #tpu.memory_space<hbm>>) target(%arg6 : memref<2x80xi32, #tpu.memory_space<vmem>>) target_semaphore(%run_scoped3A_34 : memref<!tpu.dma_semaphore, #tpu.memory_space<semaphore_mem>>)
      %dma_wait3A_43 = arith.constant 0 : i32
      %dma_wait3A_44 = arith.constant 0 : i32
      %dma_wait3A_45 = tpu.memref_slice %arg3[%add3A_13, %dma_wait3A_43, %dma_wait3A_44] : memref<4000x2x80xi32, #tpu.memory_space<hbm>> -> memref<1x2x80xi32, #tpu.memory_space<hbm>>
      %dma_wait3A_46 = tpu.memref_squeeze %dma_wait3A_45 : memref<1x2x80xi32, #tpu.memory_space<hbm>> -> memref<2x80xi32, #tpu.memory_space<hbm>>
      %dma_wait3A_47 = arith.constant 0 : i32
      %dma_wait3A_48 = arith.constant 0 : i32
      %dma_wait3A_49 = tpu.memref_slice %arg3[%add3A_13, %dma_wait3A_47, %dma_wait3A_48] : memref<4000x2x80xi32, #tpu.memory_space<hbm>> -> memref<1x2x80xi32, #tpu.memory_space<hbm>>
      %dma_wait3A_50 = tpu.memref_squeeze %dma_wait3A_49 : memref<1x2x80xi32, #tpu.memory_space<hbm>> -> memref<2x80xi32, #tpu.memory_space<hbm>>
      tpu.wait_dma2 semaphore(%run_scoped3A_34 : memref<!tpu.dma_semaphore, #tpu.memory_space<semaphore_mem>>) src(%dma_wait3A_50 : memref<2x80xi32, #tpu.memory_space<hbm>>) dst(%arg6 : memref<2x80xi32, #tpu.memory_space<vmem>>)
      tpu.yield
    }) : () -> ()
    %dma_start3A = arith.constant 0 : i32
    %dma_start3A_14 = arith.constant 0 : i32
    %dma_start3A_15 = tpu.memref_slice %arg6[%dma_start3A, %dma_start3A_14] : memref<2x80xi32, #tpu.memory_space<vmem>> -> memref<1x80xi32, #tpu.memory_space<vmem>>
    %dma_start3A_16 = tpu.memref_squeeze %dma_start3A_15 : memref<1x80xi32, #tpu.memory_space<vmem>> -> memref<80xi32, #tpu.memory_space<vmem>>
    %dma_start3A_17 = arith.constant 0 : i32
    %dma_start3A_18 = arith.constant 0 : i32
    %dma_start3A_19 = tpu.memref_slice %arg2[%dma_start3A_17, %dma_start3A_18] : memref<10000x128xf32, #tpu.memory_space<hbm>> -> memref<10000x128xf32, #tpu.memory_space<hbm>>
    tpu.enqueue_indirect_dma source(%dma_start3A_19 : memref<10000x128xf32, #tpu.memory_space<hbm>>) target(%arg10 : memref<80x128xf32, #tpu.memory_space<vmem>>) offsets(%dma_start3A_16 : memref<80xi32, #tpu.memory_space<vmem>>) semaphore(%arg14 : memref<!tpu.dma_semaphore, #tpu.memory_space<semaphore_mem>>)
    %dma_wait3A = arith.constant 0 : i32
    %dma_wait3A_20 = arith.constant 0 : i32
    %dma_wait3A_21 = tpu.memref_slice %arg6[%dma_wait3A, %dma_wait3A_20] : memref<2x80xi32, #tpu.memory_space<vmem>> -> memref<1x80xi32, #tpu.memory_space<vmem>>
    %dma_wait3A_22 = tpu.memref_squeeze %dma_wait3A_21 : memref<1x80xi32, #tpu.memory_space<vmem>> -> memref<80xi32, #tpu.memory_space<vmem>>
    %dma_wait3A_23 = arith.constant 0 : i32
    %dma_wait3A_24 = arith.constant 0 : i32
    %dma_wait3A_25 = tpu.memref_slice %arg2[%dma_wait3A_23, %dma_wait3A_24] : memref<10000x128xf32, #tpu.memory_space<hbm>> -> memref<10000x128xf32, #tpu.memory_space<hbm>>
    tpu.wait_indirect_dma semaphore(%arg14 : memref<!tpu.dma_semaphore, #tpu.memory_space<semaphore_mem>>) src(%dma_wait3A_25 : memref<10000x128xf32, #tpu.memory_space<hbm>>) dst(%arg10 : memref<80x128xf32, #tpu.memory_space<vmem>>)
    %run_scoped3A = arith.constant 1 : i32
    "tpu.region"() ({
      %run_scoped3A_34 = tpu.sem_alloc : memref<!tpu.dma_semaphore, #tpu.memory_space<semaphore_mem>>
      %dma_start3A_35 = arith.constant 0 : i32
      %dma_start3A_36 = tpu.memref_slice %arg6[%run_scoped3A, %dma_start3A_35] : memref<2x80xi32, #tpu.memory_space<vmem>> -> memref<1x80xi32, #tpu.memory_space<vmem>>
      %dma_start3A_37 = tpu.memref_squeeze %dma_start3A_36 : memref<1x80xi32, #tpu.memory_space<vmem>> -> memref<80xi32, #tpu.memory_space<vmem>>
      %dma_start3A_38 = arith.constant 0 : i32
      %dma_start3A_39 = arith.constant 0 : i32
      %dma_start3A_40 = tpu.memref_slice %arg19[%dma_start3A_38, %dma_start3A_39] : memref<10240x128xf32, #tpu.memory_space<vmem_shared>> -> memref<10240x128xf32, #tpu.memory_space<vmem_shared>>
      tpu.enqueue_indirect_dma source(%arg10 : memref<80x128xf32, #tpu.memory_space<vmem>>) target(%dma_start3A_40 : memref<10240x128xf32, #tpu.memory_space<vmem_shared>>) offsets(%dma_start3A_37 : memref<80xi32, #tpu.memory_space<vmem>>) semaphore(%run_scoped3A_34 : memref<!tpu.dma_semaphore, #tpu.memory_space<semaphore_mem>>) {add = true}
      %dma_wait3A_41 = arith.constant 0 : i32
      %dma_wait3A_42 = tpu.memref_slice %arg6[%run_scoped3A, %dma_wait3A_41] : memref<2x80xi32, #tpu.memory_space<vmem>> -> memref<1x80xi32, #tpu.memory_space<vmem>>
      %dma_wait3A_43 = tpu.memref_squeeze %dma_wait3A_42 : memref<1x80xi32, #tpu.memory_space<vmem>> -> memref<80xi32, #tpu.memory_space<vmem>>
      %dma_wait3A_44 = arith.constant 0 : i32
      %dma_wait3A_45 = arith.constant 0 : i32
      %dma_wait3A_46 = tpu.memref_slice %arg19[%dma_wait3A_44, %dma_wait3A_45] : memref<10240x128xf32, #tpu.memory_space<vmem_shared>> -> memref<10240x128xf32, #tpu.memory_space<vmem_shared>>
      tpu.wait_indirect_dma semaphore(%run_scoped3A_34 : memref<!tpu.dma_semaphore, #tpu.memory_space<semaphore_mem>>) src(%arg10 : memref<80x128xf32, #tpu.memory_space<vmem>>) dst(%dma_wait3A_46 : memref<10240x128xf32, #tpu.memory_space<vmem_shared>>)
      tpu.yield
    }) : () -> ()
    %barrier3A_26 = arith.constant 0 : index
    tpu.barrier barrier_id(%barrier3A_26)
    %mul3A_27 = arith.constant 640 : i32
    %mul3A_28 = arith.muli %arg1, %mul3A_27 : i32
    %mul3A_29 = arith.constant 10240 : i32
    %mul3A_30 = arith.muli %arg0, %mul3A_29 : i32
    %mul3A_31 = arith.constant 640 : i32
    %mul3A_32 = arith.muli %arg1, %mul3A_31 : i32
    %add3A_33 = arith.addi %mul3A_30, %mul3A_32 : i32
    "tpu.region"() ({
      %run_scoped3A_34 = tpu.sem_alloc : memref<!tpu.dma_semaphore, #tpu.memory_space<semaphore_mem>>
      %dma_start3A_35 = arith.constant 0 : i32
      %dma_start3A_36 = tpu.memref_slice %arg5[%add3A_33, %dma_start3A_35] : memref<20480x128xf32, #tpu.memory_space<hbm>> -> memref<640x128xf32, #tpu.memory_space<hbm>>
      %dma_start3A_37 = arith.constant 0 : i32
      %dma_start3A_38 = tpu.memref_slice %arg19[%mul3A_28, %dma_start3A_37] : memref<10240x128xf32, #tpu.memory_space<vmem_shared>> -> memref<640x128xf32, #tpu.memory_space<vmem_shared>>
      tpu.enqueue_dma source(%dma_start3A_38 : memref<640x128xf32, #tpu.memory_space<vmem_shared>>) target(%dma_start3A_36 : memref<640x128xf32, #tpu.memory_space<hbm>>) target_semaphore(%run_scoped3A_34 : memref<!tpu.dma_semaphore, #tpu.memory_space<semaphore_mem>>)
      %dma_wait3A_39 = arith.constant 0 : i32
      %dma_wait3A_40 = tpu.memref_slice %arg5[%add3A_33, %dma_wait3A_39] : memref<20480x128xf32, #tpu.memory_space<hbm>> -> memref<640x128xf32, #tpu.memory_space<hbm>>
      %dma_wait3A_41 = arith.constant 0 : i32
      %dma_wait3A_42 = tpu.memref_slice %arg19[%mul3A_28, %dma_wait3A_41] : memref<10240x128xf32, #tpu.memory_space<vmem_shared>> -> memref<640x128xf32, #tpu.memory_space<vmem_shared>>
      tpu.wait_dma2 semaphore(%run_scoped3A_34 : memref<!tpu.dma_semaphore, #tpu.memory_space<semaphore_mem>>) src(%dma_wait3A_42 : memref<640x128xf32, #tpu.memory_space<vmem_shared>>) dst(%dma_wait3A_40 : memref<640x128xf32, #tpu.memory_space<hbm>>)
      tpu.yield
    }) : () -> ()
    return
  }
}

module attributes {stable_mosaic.version = 14 : i64} {
  func.func @_mm1_body(%arg0: i32, %arg1: memref<2000x128xf32, #tpu.memory_space<vmem>>, %arg2: memref<2000x1xf32, #tpu.memory_space<vmem>>, %arg3: memref<2000x1xf32, #tpu.memory_space<vmem>>, %arg4: memref<128x128xf32, #tpu.memory_space<vmem>>, %arg5: memref<2000x128xf32, #tpu.memory_space<vmem>>, %arg6: memref<2000x1xf32, #tpu.memory_space<vmem>>) attributes {dimension_semantics = [#tpu.dimension_semantics<arbitrary>], iteration_bounds = array<i64: 5>, scalar_prefetch = 0 : i64, scratch_operands = 0 : i64, tpu.core_type = #tpu.core_type<tc>, window_params = [{transform_indices = @transform_0, window_bounds = array<i64: 2000, 128>}, {transform_indices = @transform_1, window_bounds = array<i64: 2000, 1>}, {transform_indices = @transform_2, window_bounds = array<i64: 2000, 1>}, {pipeline_mode = #tpu.pipeline_mode<synchronous>, transform_indices = @transform_3, window_bounds = array<i64: 128, 128>}, {transform_indices = @transform_4, window_bounds = array<i64: 2000, 128>}, {transform_indices = @transform_5, window_bounds = array<i64: 2000, 1>}]} {
    %get3A = arith.constant 0 : index
    %get3A_0 = arith.constant 0 : index
    %get3A_1 = vector.load %arg2[%get3A, %get3A_0] : memref<2000x1xf32, #tpu.memory_space<vmem>>, vector<2000x1xf32>
    %get3A_2 = arith.constant 0 : index
    %get3A_3 = arith.constant 0 : index
    %get3A_4 = vector.load %arg3[%get3A_2, %get3A_3] : memref<2000x1xf32, #tpu.memory_space<vmem>>, vector<2000x1xf32>
    %add3A = arith.addf %get3A_1, %get3A_4 : vector<2000x1xf32>
    %add3A_5 = arith.constant 1.000000e+00 : f32
    %add3A_6 = vector.broadcast %add3A_5 : f32 to vector<2000x1xf32>
    %add3A_7 = arith.addf %add3A, %add3A_6 : vector<2000x1xf32>
    %max3A = arith.constant 9.99999996E-13 : f32
    %max3A_8 = vector.broadcast %max3A : f32 to vector<2000x1xf32>
    %max3A_9 = arith.maximumf %add3A_7, %max3A_8 : vector<2000x1xf32>
    %rsqrt3A = math.rsqrt %max3A_9 : vector<2000x1xf32>
    %swap3A = arith.constant 0 : index
    %swap3A_10 = arith.constant 0 : index
    %swap3A_11 = vector.load %arg6[%swap3A, %swap3A_10] : memref<2000x1xf32, #tpu.memory_space<vmem>>, vector<2000x1xf32>
    tpu.vector_store %arg6[%swap3A, %swap3A_10], %rsqrt3A {strides = array<i32>} : memref<2000x1xf32, #tpu.memory_space<vmem>>, vector<2000x1xf32>,
    %get3A_12 = arith.constant 0 : index
    %get3A_13 = arith.constant 0 : index
    %get3A_14 = vector.load %arg1[%get3A_12, %get3A_13] : memref<2000x128xf32, #tpu.memory_space<vmem>>, vector<2000x128xf32>
    %get3A_15 = arith.constant 0 : index
    %get3A_16 = arith.constant 0 : index
    %get3A_17 = vector.load %arg4[%get3A_15, %get3A_16] : memref<128x128xf32, #tpu.memory_space<vmem>>, vector<128x128xf32>
    %dot_general3A = arith.constant dense<0.000000e+00> : vector<2000x128xf32>
    %dot_general3A_18 = tpu.matmul %get3A_14, %get3A_17, %dot_general3A {dimension_numbers = #tpu.dot_dimension_numbers<[1], [0], [0], [1], [0, 0, 1, 1], [], []>, transpose_lhs_hint = false} : vector<2000x128xf32>, vector<128x128xf32>, vector<2000x128xf32> -> vector<2000x128xf32>
    %mul3A = vector.broadcast %rsqrt3A : vector<2000x1xf32> to vector<2000x128xf32>
    %mul3A_19 = arith.mulf %dot_general3A_18, %mul3A : vector<2000x128xf32>
    %swap3A_20 = arith.constant 0 : index
    %swap3A_21 = arith.constant 0 : index
    %swap3A_22 = vector.load %arg5[%swap3A_20, %swap3A_21] : memref<2000x128xf32, #tpu.memory_space<vmem>>, vector<2000x128xf32>
    tpu.vector_store %arg5[%swap3A_20, %swap3A_21], %mul3A_19 {strides = array<i32>} : memref<2000x128xf32, #tpu.memory_space<vmem>>, vector<2000x128xf32>,
    return
  }
  func.func @transform_0(%arg0: i32) -> (i32, i32) {
    %c0_i32 = arith.constant 0 : i32
    %c0_i32_0 = arith.constant 0 : i32
    return %arg0, %c0_i32 : i32, i32
  }
  func.func @transform_1(%arg0: i32) -> (i32, i32) {
    %c0_i32 = arith.constant 0 : i32
    %c0_i32_0 = arith.constant 0 : i32
    return %arg0, %c0_i32 : i32, i32
  }
  func.func @transform_2(%arg0: i32) -> (i32, i32) {
    %c0_i32 = arith.constant 0 : i32
    %c0_i32_0 = arith.constant 0 : i32
    return %arg0, %c0_i32 : i32, i32
  }
  func.func @transform_3(%arg0: i32) -> (i32, i32) {
    %c0_i32 = arith.constant 0 : i32
    %c0_i32_0 = arith.constant 0 : i32
    %c0_i32_1 = arith.constant 0 : i32
    return %c0_i32, %c0_i32_0 : i32, i32
  }
  func.func @transform_4(%arg0: i32) -> (i32, i32) {
    %c0_i32 = arith.constant 0 : i32
    %c0_i32_0 = arith.constant 0 : i32
    return %arg0, %c0_i32 : i32, i32
  }
  func.func @transform_5(%arg0: i32) -> (i32, i32) {
    %c0_i32 = arith.constant 0 : i32
    %c0_i32_0 = arith.constant 0 : i32
    return %arg0, %c0_i32 : i32, i32
  }
}

module attributes {stable_mosaic.version = 14 : i64} {
  func.func @_layer_body(%arg0: i32, %arg1: memref<2000x128xf32, #tpu.memory_space<vmem>>, %arg2: memref<2000x128xf32, #tpu.memory_space<vmem>>, %arg3: memref<2000x128xf32, #tpu.memory_space<vmem>>, %arg4: memref<2000x1xf32, #tpu.memory_space<vmem>>, %arg5: memref<1x128xf32, #tpu.memory_space<vmem>>, %arg6: memref<128x128xf32, #tpu.memory_space<vmem>>, %arg7: memref<2000x128xf32, #tpu.memory_space<vmem>>) attributes {dimension_semantics = [#tpu.dimension_semantics<arbitrary>], iteration_bounds = array<i64: 5>, scalar_prefetch = 0 : i64, scratch_operands = 0 : i64, tpu.core_type = #tpu.core_type<tc>, window_params = [{transform_indices = @transform_0, window_bounds = array<i64: 2000, 128>}, {transform_indices = @transform_1, window_bounds = array<i64: 2000, 128>}, {transform_indices = @transform_2, window_bounds = array<i64: 2000, 128>}, {transform_indices = @transform_3, window_bounds = array<i64: 2000, 1>}, {pipeline_mode = #tpu.pipeline_mode<synchronous>, transform_indices = @transform_4, window_bounds = array<i64: 1, 128>}, {pipeline_mode = #tpu.pipeline_mode<synchronous>, transform_indices = @transform_5, window_bounds = array<i64: 128, 128>}, {transform_indices = @transform_6, window_bounds = array<i64: 2000, 128>}]} {
    %get3A = arith.constant 0 : index
    %get3A_0 = arith.constant 0 : index
    %get3A_1 = vector.load %arg4[%get3A, %get3A_0] : memref<2000x1xf32, #tpu.memory_space<vmem>>, vector<2000x1xf32>
    %get3A_2 = arith.constant 0 : index
    %get3A_3 = arith.constant 0 : index
    %get3A_4 = vector.load %arg1[%get3A_2, %get3A_3] : memref<2000x128xf32, #tpu.memory_space<vmem>>, vector<2000x128xf32>
    %get3A_5 = arith.constant 0 : index
    %get3A_6 = arith.constant 0 : index
    %get3A_7 = vector.load %arg2[%get3A_5, %get3A_6] : memref<2000x128xf32, #tpu.memory_space<vmem>>, vector<2000x128xf32>
    %add3A = arith.addf %get3A_4, %get3A_7 : vector<2000x128xf32>
    %get3A_8 = arith.constant 0 : index
    %get3A_9 = arith.constant 0 : index
    %get3A_10 = vector.load %arg3[%get3A_8, %get3A_9] : memref<2000x128xf32, #tpu.memory_space<vmem>>, vector<2000x128xf32>
    %add3A_11 = arith.addf %add3A, %get3A_10 : vector<2000x128xf32>
    %mul3A = vector.broadcast %get3A_1 : vector<2000x1xf32> to vector<2000x128xf32>
    %mul3A_12 = arith.mulf %mul3A, %add3A_11 : vector<2000x128xf32>
    %get3A_13 = arith.constant 0 : index
    %get3A_14 = arith.constant 0 : index
    %get3A_15 = vector.load %arg5[%get3A_13, %get3A_14] : memref<1x128xf32, #tpu.memory_space<vmem>>, vector<1x128xf32>
    %add3A_16 = vector.broadcast %get3A_15 : vector<1x128xf32> to vector<2000x128xf32>
    %add3A_17 = arith.addf %mul3A_12, %add3A_16 : vector<2000x128xf32>
    %max3A = arith.constant 0.000000e+00 : f32
    %max3A_18 = vector.broadcast %max3A : f32 to vector<2000x128xf32>
    %max3A_19 = arith.maximumf %add3A_17, %max3A_18 : vector<2000x128xf32>
    %get3A_20 = arith.constant 0 : index
    %get3A_21 = arith.constant 0 : index
    %get3A_22 = vector.load %arg6[%get3A_20, %get3A_21] : memref<128x128xf32, #tpu.memory_space<vmem>>, vector<128x128xf32>
    %dot_general3A = arith.constant dense<0.000000e+00> : vector<2000x128xf32>
    %dot_general3A_23 = tpu.matmul %max3A_19, %get3A_22, %dot_general3A {dimension_numbers = #tpu.dot_dimension_numbers<[1], [0], [0], [1], [0, 0, 1, 1], [], []>, transpose_lhs_hint = false} : vector<2000x128xf32>, vector<128x128xf32>, vector<2000x128xf32> -> vector<2000x128xf32>
    %mul3A_24 = vector.broadcast %get3A_1 : vector<2000x1xf32> to vector<2000x128xf32>
    %mul3A_25 = arith.mulf %dot_general3A_23, %mul3A_24 : vector<2000x128xf32>
    %swap3A = arith.constant 0 : index
    %swap3A_26 = arith.constant 0 : index
    %swap3A_27 = vector.load %arg7[%swap3A, %swap3A_26] : memref<2000x128xf32, #tpu.memory_space<vmem>>, vector<2000x128xf32>
    tpu.vector_store %arg7[%swap3A, %swap3A_26], %mul3A_25 {strides = array<i32>} : memref<2000x128xf32, #tpu.memory_space<vmem>>, vector<2000x128xf32>,
    return
  }
  func.func @transform_0(%arg0: i32) -> (i32, i32) {
    %c0_i32 = arith.constant 0 : i32
    %c0_i32_0 = arith.constant 0 : i32
    return %arg0, %c0_i32 : i32, i32
  }
  func.func @transform_1(%arg0: i32) -> (i32, i32) {
    %c0_i32 = arith.constant 0 : i32
    %c0_i32_0 = arith.constant 0 : i32
    return %arg0, %c0_i32 : i32, i32
  }
  func.func @transform_2(%arg0: i32) -> (i32, i32) {
    %c0_i32 = arith.constant 0 : i32
    %c0_i32_0 = arith.constant 0 : i32
    return %arg0, %c0_i32 : i32, i32
  }
  func.func @transform_3(%arg0: i32) -> (i32, i32) {
    %c0_i32 = arith.constant 0 : i32
    %c0_i32_0 = arith.constant 0 : i32
    return %arg0, %c0_i32 : i32, i32
  }
  func.func @transform_4(%arg0: i32) -> (i32, i32) {
    %c0_i32 = arith.constant 0 : i32
    %c0_i32_0 = arith.constant 0 : i32
    %c0_i32_1 = arith.constant 0 : i32
    return %c0_i32, %c0_i32_0 : i32, i32
  }
  func.func @transform_5(%arg0: i32) -> (i32, i32) {
    %c0_i32 = arith.constant 0 : i32
    %c0_i32_0 = arith.constant 0 : i32
    %c0_i32_1 = arith.constant 0 : i32
    return %c0_i32, %c0_i32_0 : i32, i32
  }
  func.func @transform_6(%arg0: i32) -> (i32, i32) {
    %c0_i32 = arith.constant 0 : i32
    %c0_i32_0 = arith.constant 0 : i32
    return %arg0, %c0_i32 : i32, i32
  }
}

module attributes {stable_mosaic.version = 14 : i64} {
  func.func @_final_body(%arg0: i32, %arg1: memref<2000x128xf32, #tpu.memory_space<vmem>>, %arg2: memref<2000x128xf32, #tpu.memory_space<vmem>>, %arg3: memref<2000x128xf32, #tpu.memory_space<vmem>>, %arg4: memref<2000x1xf32, #tpu.memory_space<vmem>>, %arg5: memref<1x128xf32, #tpu.memory_space<vmem>>, %arg6: memref<128x128xf32, #tpu.memory_space<vmem>>, %arg7: memref<1x128xf32, #tpu.memory_space<vmem>>, %arg8: memref<128x128xf32, #tpu.memory_space<vmem>>, %arg9: memref<1x128xf32, #tpu.memory_space<vmem>>, %arg10: memref<1x128xf32, #tpu.memory_space<vmem>>, %arg11: memref<1x128xf32, #tpu.memory_space<vmem>>, %arg12: memref<1x128xf32, #tpu.memory_space<vmem>>, %arg13: memref<1x128xf32, #tpu.memory_space<vmem>>) attributes {dimension_semantics = [#tpu.dimension_semantics<arbitrary>], iteration_bounds = array<i64: 5>, scalar_prefetch = 0 : i64, scratch_operands = 1 : i64, tpu.core_type = #tpu.core_type<tc>, window_params = [{transform_indices = @transform_0, window_bounds = array<i64: 2000, 128>}, {transform_indices = @transform_1, window_bounds = array<i64: 2000, 128>}, {transform_indices = @transform_2, window_bounds = array<i64: 2000, 128>}, {transform_indices = @transform_3, window_bounds = array<i64: 2000, 1>}, {pipeline_mode = #tpu.pipeline_mode<synchronous>, transform_indices = @transform_4, window_bounds = array<i64: 1, 128>}, {pipeline_mode = #tpu.pipeline_mode<synchronous>, transform_indices = @transform_5, window_bounds = array<i64: 128, 128>}, {pipeline_mode = #tpu.pipeline_mode<synchronous>, transform_indices = @transform_6, window_bounds = array<i64: 1, 128>}, {pipeline_mode = #tpu.pipeline_mode<synchronous>, transform_indices = @transform_7, window_bounds = array<i64: 128, 128>}, {pipeline_mode = #tpu.pipeline_mode<synchronous>, transform_indices = @transform_8, window_bounds = array<i64: 1, 128>}, {pipeline_mode = #tpu.pipeline_mode<synchronous>, transform_indices = @transform_9, window_bounds = array<i64: 1, 128>}, {pipeline_mode = #tpu.pipeline_mode<synchronous>, transform_indices = @transform_10, window_bounds = array<i64: 1, 128>}, {pipeline_mode = #tpu.pipeline_mode<synchronous>, transform_indices = @transform_11, window_bounds = array<i64: 1, 128>}]} {
    %get3A = arith.constant 0 : index
    %get3A_0 = arith.constant 0 : index
    %get3A_1 = vector.load %arg4[%get3A, %get3A_0] : memref<2000x1xf32, #tpu.memory_space<vmem>>, vector<2000x1xf32>
    %get3A_2 = arith.constant 0 : index
    %get3A_3 = arith.constant 0 : index
    %get3A_4 = vector.load %arg1[%get3A_2, %get3A_3] : memref<2000x128xf32, #tpu.memory_space<vmem>>, vector<2000x128xf32>
    %get3A_5 = arith.constant 0 : index
    %get3A_6 = arith.constant 0 : index
    %get3A_7 = vector.load %arg2[%get3A_5, %get3A_6] : memref<2000x128xf32, #tpu.memory_space<vmem>>, vector<2000x128xf32>
    %add3A = arith.addf %get3A_4, %get3A_7 : vector<2000x128xf32>
    %get3A_8 = arith.constant 0 : index
    %get3A_9 = arith.constant 0 : index
    %get3A_10 = vector.load %arg3[%get3A_8, %get3A_9] : memref<2000x128xf32, #tpu.memory_space<vmem>>, vector<2000x128xf32>
    %add3A_11 = arith.addf %add3A, %get3A_10 : vector<2000x128xf32>
    %mul3A = vector.broadcast %get3A_1 : vector<2000x1xf32> to vector<2000x128xf32>
    %mul3A_12 = arith.mulf %mul3A, %add3A_11 : vector<2000x128xf32>
    %get3A_13 = arith.constant 0 : index
    %get3A_14 = arith.constant 0 : index
    %get3A_15 = vector.load %arg5[%get3A_13, %get3A_14] : memref<1x128xf32, #tpu.memory_space<vmem>>, vector<1x128xf32>
    %add3A_16 = vector.broadcast %get3A_15 : vector<1x128xf32> to vector<2000x128xf32>
    %add3A_17 = arith.addf %mul3A_12, %add3A_16 : vector<2000x128xf32>
    %reduce_sum3A = arith.constant dense<0.000000e+00> : vector<128xf32>
    %reduce_sum3A_18 = vector.multi_reduction <add>, %add3A_17, %reduce_sum3A [0] : vector<2000x128xf32> to vector<128xf32>
    %broadcast_in_dim3A = vector.shape_cast %reduce_sum3A_18 : vector<128xf32> to vector<1x128xf32>
    %eq3A = arith.constant 0 : i32
    %eq3A_19 = arith.cmpi eq, %arg0, %eq3A : i32
    %convert_element_type3A = arith.extui %eq3A_19 : i1 to i32
    %cond3A = arith.constant 0 : i32
    %cond3A_20 = arith.cmpi ne, %convert_element_type3A, %cond3A : i32
    scf.if %cond3A_20 {
      %broadcast_in_dim3A_32 = arith.constant 0.000000e+00 : f32
      %broadcast_in_dim3A_33 = vector.broadcast %broadcast_in_dim3A_32 : f32 to vector<1x128xf32>
      %swap3A_34 = arith.constant 0 : index
      %swap3A_35 = arith.constant 0 : index
      %swap3A_36 = vector.load %arg13[%swap3A_34, %swap3A_35] : memref<1x128xf32, #tpu.memory_space<vmem>>, vector<1x128xf32>
      tpu.vector_store %arg13[%swap3A_34, %swap3A_35], %broadcast_in_dim3A_33 {strides = array<i32>} : memref<1x128xf32, #tpu.memory_space<vmem>>, vector<1x128xf32>,
    } else {
    }
    %get3A_21 = arith.constant 0 : index
    %get3A_22 = arith.constant 0 : index
    %get3A_23 = vector.load %arg13[%get3A_21, %get3A_22] : memref<1x128xf32, #tpu.memory_space<vmem>>, vector<1x128xf32>
    %add3A_24 = arith.addf %get3A_23, %broadcast_in_dim3A : vector<1x128xf32>
    %swap3A = arith.constant 0 : index
    %swap3A_25 = arith.constant 0 : index
    %swap3A_26 = vector.load %arg13[%swap3A, %swap3A_25] : memref<1x128xf32, #tpu.memory_space<vmem>>, vector<1x128xf32>
    tpu.vector_store %arg13[%swap3A, %swap3A_25], %add3A_24 {strides = array<i32>} : memref<1x128xf32, #tpu.memory_space<vmem>>, vector<1x128xf32>,
    %eq3A_27 = arith.constant 4 : i32
    %eq3A_28 = arith.cmpi eq, %arg0, %eq3A_27 : i32
    %convert_element_type3A_29 = arith.extui %eq3A_28 : i1 to i32
    %cond3A_30 = arith.constant 0 : i32
    %cond3A_31 = arith.cmpi ne, %convert_element_type3A_29, %cond3A_30 : i32
    scf.if %cond3A_31 {
      %get3A_32 = arith.constant 0 : index
      %get3A_33 = arith.constant 0 : index
      %get3A_34 = vector.load %arg13[%get3A_32, %get3A_33] : memref<1x128xf32, #tpu.memory_space<vmem>>, vector<1x128xf32>
      %mul3A_35 = arith.constant 9.99999974E-5 : f32
      %mul3A_36 = vector.broadcast %mul3A_35 : f32 to vector<1x128xf32>
      %mul3A_37 = arith.mulf %get3A_34, %mul3A_36 : vector<1x128xf32>
      %get3A_38 = arith.constant 0 : index
      %get3A_39 = arith.constant 0 : index
      %get3A_40 = vector.load %arg6[%get3A_38, %get3A_39] : memref<128x128xf32, #tpu.memory_space<vmem>>, vector<128x128xf32>
      %dot_general3A = arith.constant dense<0.000000e+00> : vector<1x128xf32>
      %dot_general3A_41 = tpu.matmul %mul3A_37, %get3A_40, %dot_general3A {dimension_numbers = #tpu.dot_dimension_numbers<[1], [0], [0], [1], [0, 0, 1, 1], [], []>, transpose_lhs_hint = false} : vector<1x128xf32>, vector<128x128xf32>, vector<1x128xf32> -> vector<1x128xf32>
      %get3A_42 = arith.constant 0 : index
      %get3A_43 = arith.constant 0 : index
      %get3A_44 = vector.load %arg7[%get3A_42, %get3A_43] : memref<1x128xf32, #tpu.memory_space<vmem>>, vector<1x128xf32>
      %add3A_45 = arith.addf %dot_general3A_41, %get3A_44 : vector<1x128xf32>
      %max3A = arith.constant 0.000000e+00 : f32
      %max3A_46 = vector.broadcast %max3A : f32 to vector<1x128xf32>
      %max3A_47 = arith.maximumf %add3A_45, %max3A_46 : vector<1x128xf32>
      %get3A_48 = arith.constant 0 : index
      %get3A_49 = arith.constant 0 : index
      %get3A_50 = vector.load %arg8[%get3A_48, %get3A_49] : memref<128x128xf32, #tpu.memory_space<vmem>>, vector<128x128xf32>
      %dot_general3A_51 = arith.constant dense<0.000000e+00> : vector<1x128xf32>
      %dot_general3A_52 = tpu.matmul %max3A_47, %get3A_50, %dot_general3A_51 {dimension_numbers = #tpu.dot_dimension_numbers<[1], [0], [0], [1], [0, 0, 1, 1], [], []>, transpose_lhs_hint = false} : vector<1x128xf32>, vector<128x128xf32>, vector<1x128xf32> -> vector<1x128xf32>
      %get3A_53 = arith.constant 0 : index
      %get3A_54 = arith.constant 0 : index
      %get3A_55 = vector.load %arg9[%get3A_53, %get3A_54] : memref<1x128xf32, #tpu.memory_space<vmem>>, vector<1x128xf32>
      %add3A_56 = arith.addf %dot_general3A_52, %get3A_55 : vector<1x128xf32>
      %reduce_sum3A_57 = arith.constant dense<0.000000e+00> : vector<1xf32>
      %reduce_sum3A_58 = vector.multi_reduction <add>, %add3A_56, %reduce_sum3A_57 [1] : vector<1x128xf32> to vector<1xf32>
      %broadcast_in_dim3A_59 = vector.shape_cast %reduce_sum3A_58 : vector<1xf32> to vector<1x1xf32>
      %div3A = arith.constant 1.280000e+02 : f32
      %div3A_60 = vector.broadcast %div3A : f32 to vector<1x1xf32>
      %div3A_61 = arith.divf %broadcast_in_dim3A_59, %div3A_60 : vector<1x1xf32>
      %sub3A = vector.broadcast %div3A_61 : vector<1x1xf32> to vector<1x128xf32>
      %sub3A_62 = arith.subf %add3A_56, %sub3A : vector<1x128xf32>
      %mul3A_63 = arith.mulf %sub3A_62, %sub3A_62 : vector<1x128xf32>
      %reduce_sum3A_64 = arith.constant dense<0.000000e+00> : vector<1xf32>
      %reduce_sum3A_65 = vector.multi_reduction <add>, %mul3A_63, %reduce_sum3A_64 [1] : vector<1x128xf32> to vector<1xf32>
      %broadcast_in_dim3A_66 = vector.shape_cast %reduce_sum3A_65 : vector<1xf32> to vector<1x1xf32>
      %div3A_67 = arith.constant 1.280000e+02 : f32
      %div3A_68 = vector.broadcast %div3A_67 : f32 to vector<1x1xf32>
      %div3A_69 = arith.divf %broadcast_in_dim3A_66, %div3A_68 : vector<1x1xf32>
      %add3A_70 = arith.constant 9.99999974E-6 : f32
      %add3A_71 = vector.broadcast %add3A_70 : f32 to vector<1x1xf32>
      %add3A_72 = arith.addf %div3A_69, %add3A_71 : vector<1x1xf32>
      %rsqrt3A = math.rsqrt %add3A_72 : vector<1x1xf32>
      %mul3A_73 = vector.broadcast %rsqrt3A : vector<1x1xf32> to vector<1x128xf32>
      %mul3A_74 = arith.mulf %sub3A_62, %mul3A_73 : vector<1x128xf32>
      %get3A_75 = arith.constant 0 : index
      %get3A_76 = arith.constant 0 : index
      %get3A_77 = vector.load %arg10[%get3A_75, %get3A_76] : memref<1x128xf32, #tpu.memory_space<vmem>>, vector<1x128xf32>
      %mul3A_78 = arith.mulf %mul3A_74, %get3A_77 : vector<1x128xf32>
      %get3A_79 = arith.constant 0 : index
      %get3A_80 = arith.constant 0 : index
      %get3A_81 = vector.load %arg11[%get3A_79, %get3A_80] : memref<1x128xf32, #tpu.memory_space<vmem>>, vector<1x128xf32>
      %add3A_82 = arith.addf %mul3A_78, %get3A_81 : vector<1x128xf32>
      %swap3A_83 = arith.constant 0 : index
      %swap3A_84 = arith.constant 0 : index
      %swap3A_85 = vector.load %arg12[%swap3A_83, %swap3A_84] : memref<1x128xf32, #tpu.memory_space<vmem>>, vector<1x128xf32>
      tpu.vector_store %arg12[%swap3A_83, %swap3A_84], %add3A_82 {strides = array<i32>} : memref<1x128xf32, #tpu.memory_space<vmem>>, vector<1x128xf32>,
    } else {
    }
    return
  }
  func.func @transform_0(%arg0: i32) -> (i32, i32) {
    %c0_i32 = arith.constant 0 : i32
    %c0_i32_0 = arith.constant 0 : i32
    return %arg0, %c0_i32 : i32, i32
  }
  func.func @transform_1(%arg0: i32) -> (i32, i32) {
    %c0_i32 = arith.constant 0 : i32
    %c0_i32_0 = arith.constant 0 : i32
    return %arg0, %c0_i32 : i32, i32
  }
  func.func @transform_2(%arg0: i32) -> (i32, i32) {
    %c0_i32 = arith.constant 0 : i32
    %c0_i32_0 = arith.constant 0 : i32
    return %arg0, %c0_i32 : i32, i32
  }
  func.func @transform_3(%arg0: i32) -> (i32, i32) {
    %c0_i32 = arith.constant 0 : i32
    %c0_i32_0 = arith.constant 0 : i32
    return %arg0, %c0_i32 : i32, i32
  }
  func.func @transform_4(%arg0: i32) -> (i32, i32) {
    %c0_i32 = arith.constant 0 : i32
    %c0_i32_0 = arith.constant 0 : i32
    %c0_i32_1 = arith.constant 0 : i32
    return %c0_i32, %c0_i32_0 : i32, i32
  }
  func.func @transform_5(%arg0: i32) -> (i32, i32) {
    %c0_i32 = arith.constant 0 : i32
    %c0_i32_0 = arith.constant 0 : i32
    %c0_i32_1 = arith.constant 0 : i32
    return %c0_i32, %c0_i32_0 : i32, i32
  }
  func.func @transform_6(%arg0: i32) -> (i32, i32) {
    %c0_i32 = arith.constant 0 : i32
    %c0_i32_0 = arith.constant 0 : i32
    %c0_i32_1 = arith.constant 0 : i32
    return %c0_i32, %c0_i32_0 : i32, i32
  }
  func.func @transform_7(%arg0: i32) -> (i32, i32) {
    %c0_i32 = arith.constant 0 : i32
    %c0_i32_0 = arith.constant 0 : i32
    %c0_i32_1 = arith.constant 0 : i32
    return %c0_i32, %c0_i32_0 : i32, i32
  }
  func.func @transform_8(%arg0: i32) -> (i32, i32) {
    %c0_i32 = arith.constant 0 : i32
    %c0_i32_0 = arith.constant 0 : i32
    %c0_i32_1 = arith.constant 0 : i32
    return %c0_i32, %c0_i32_0 : i32, i32
  }
  func.func @transform_9(%arg0: i32) -> (i32, i32) {
    %c0_i32 = arith.constant 0 : i32
    %c0_i32_0 = arith.constant 0 : i32
    %c0_i32_1 = arith.constant 0 : i32
    return %c0_i32, %c0_i32_0 : i32, i32
  }
  func.func @transform_10(%arg0: i32) -> (i32, i32) {
    %c0_i32 = arith.constant 0 : i32
    %c0_i32_0 = arith.constant 0 : i32
    %c0_i32_1 = arith.constant 0 : i32
    return %c0_i32, %c0_i32_0 : i32, i32
  }
  func.func @transform_11(%arg0: i32) -> (i32, i32) {
    %c0_i32 = arith.constant 0 : i32
    %c0_i32_0 = arith.constant 0 : i32
    %c0_i32_1 = arith.constant 0 : i32
    return %c0_i32, %c0_i32_0 : i32, i32
  }
}

</mosaic_0001>

<sc_bundles>
// kernel: kernel.10.cloned.1.call-start
scs
__scs_entry_jumppad:
0x0: {  	(pc) =	sbr.rel $0x88, $3  }
0x1: {  	(tag) =	ssettag $0x0;
	lr =	simm.s32 $0x1  }
0x2: {  	[smem:$0x3F93] =	sst lr;
	_ =	strace $0xD0000000  }
0x3: {  	_ = 	snop  }
0x4: {  	_ = 	snop  }
0x5: {  	_ = 	snop  }
0x6: {  	_ = 	snop  }
0x7: {  	_ = 	snop  }
__scs_overlays_trampoline_lowered:
0x8: {  	[smem:$0x3FA2] =	sst s0  }
0x9: {  	[smem:$0x3FA3] =	sst s1  }
0xa: {  	[smem:$0x3FA4] =	sst s2  }
0xb: {  	[smem:$0x3FA5] =	sst s3  }
0xc: {  	[smem:$0x3FA6] =	sst s4  }
0xd: {  	[smem:$0x3FA7] =	sst s5  }
0xe: {  	[smem:$0x3FA8] =	sst s6  }
0xf: {  	[smem:$0x3FA9] =	sst s7  }
0x10: {  	[smem:$0x3FAA] =	sst s8  }
0x11: {  	[smem:$0x3FAB] =	sst s9;
	s0 =	simm.s32 @!p0 $0x0  }
0x12: {  	s1 =	sld [smem:$0x3F91];
	s0 =	simm.s32 @p0 $0x1  }
0x13: {  	[smem:$0x3FAC] =	sst s0;
	s0 =	simm.s32 @!p1 $0x0  }
0x14: {  	s2 =	sld [smem:$0x3F90];
	s0 =	simm.s32 @p1 $0x1  }
0x15: {  	[smem:$0x3FAD] =	sst s0;
	s0 =	simm.s32 @!p2 $0x0  }
0x16: {  	s3 =	sld [smem:$0x3FDB];
	s0 =	simm.s32 @p2 $0x1  }
0x17: {  	s4 =	simm.s32 $0x1BF5;
	[smem:$0x3FAF] =	sst s0  }
0x18: {  	s0 =	sld [smem:$0x3F92];
	_ =	swait.ge [sflag:s4], $0x0  }
0x19: {  	s7 =	sld [smem:$0x3F93]  }
0x1a: {  	s8 =	sadd.s32 $0xFFFFE003, lr  }
0x1b: {  	s9 =	sadd.s32 $0xFFFFFEF7, lr;
	s5 =	simm.s32 $0xFFFFFFFF;
	p2 =	slt.u32 s8, $0xFFFFF086  }
0x1c: {  	p1 =	slt.u32 s9, $0xF7A;
	s5 =	simm.s32 @!p2 $0x0  }
0x1d: {  	s5 =	simm.s32 @p1 $0x1;
	p0 =	seq.s32 s7, s2  }
0x1e: {  	s7 =	smul.u32 @!p0 $0xF7A, s2;
	p2 =	seq.s32 @!p0 s5, $0x0  }
0x1f: {  	s9 =	smul.u32 $0xF7A, s1;
	s8 =	simm.s32 @!p0 $0x1BF5;
	p2 =	por !p2, p0  }
0x20: {  	[sflag:s8] =	ssyncset.s32 @!p0 $0xFFFFF086;
	s6 =	sadd.s32 @!p0 s3, s7;
	s7 =	simm.s32 @!p0 $0x108  }
0x21: {  	s3 =	sadd.s32 s3, s9;
	s6 =	sadd.s32 @!p0 $0x88, s6;
	s7 =	simm.s32 @p2 $0x1082  }
0x22: {  	[simem:s7], [sflag:s8] =	dma.local @!p0 [hbm:s6], $0xF7A  }
0x23: {  	s9 =	sor.u32 $0xD0000000, s2;
	s6 =	simm.s32 $0x108;
	_ =	swait.ge @!p0 [sflag:s8], $0x0  }
0x24: {  	s3 =	sadd.s32 $0x88, s3;
	s6 =	simm.s32 @!p1 $0x1082;
	[sflag:s4] =	ssyncset.s32 $0xFFFFF086  }
0x25: {  	[simem:s6], [sflag:s4] =	dma.local [hbm:s3], $0xF7A  }
0x26: {  	[smem:$0x3F93] =	sst s1;
	(tag) =	ssettag s2;
	_ =	strace s9  }
0x27: {  	s1 =	sld [smem:$0x3FA3]  }
0x28: {  	s2 =	sld [smem:$0x3FA4]  }
0x29: {  	s4 =	sld [smem:$0x3FA6]  }
0x2a: {  	p0 =	seq.s32 s5, $0x0;
	s5 =	sld [smem:$0x3FA7]  }
0x2b: {  	s6 =	sld [smem:$0x3FA8]  }
0x2c: {  	s7 =	sld [smem:$0x3FA9]  }
0x2d: {  	s3 =	simm.s32 $0x108;
	s8 =	sld [smem:$0x3FAA]  }
0x2e: {  	s3 =	simm.s32 @!p0 $0x1082;
	s9 =	sld [smem:$0x3FAB]  }
0x2f: {  	lr =	sadd.s32 s0, s3;
	s0 =	sld [smem:$0x3FA2]  }
0x30: {  	s3 =	sld [smem:$0x3FA5]  }
0x31: {  	[smem:$0x3FAE] =	sst s10  }
0x32: {  	s10 =	sld [smem:$0x3FAC];
	_ =	sdelay $0x3  }
0x33: {  	p0 =	seq.s32 s10, $0x1;
	s10 =	sld [smem:$0x3FAE];
	_ =	sdelay $0x3  }
0x34: {  	[smem:$0x3FAE] =	sst s10  }
0x35: {  	s10 =	sld [smem:$0x3FAD];
	_ =	sdelay $0x3  }
0x36: {  	p1 =	seq.s32 s10, $0x1;
	s10 =	sld [smem:$0x3FAE];
	_ =	sdelay $0x3  }
0x37: {  	[smem:$0x3FAE] =	sst s10  }
0x38: {  	s10 =	sld [smem:$0x3FAF]  }
0x39: {  	_ = 	snop;
	(pc) =	sbr.ind lr, $3  }
0x3a: {  	_ = 	snop  }
0x3b: {  	_ = 	snop  }
0x3c: {  	p2 =	seq.s32 s10, $0x1;
	s10 =	sld [smem:$0x3FAE]  }
0x3d: {  	_ =	shalt  }
0x3e: {  	_ =	shalt  }
0x3f: {  	_ =	shalt  }
0x40: {  	_ =	shalt  }
0x41: {  	_ =	shalt  }
0x42: {  	_ =	shalt  }
0x43: {  	_ =	shalt  }
0x44: {  	_ =	shalt  }
0x45: {  	_ =	shalt  }
0x46: {  	_ =	shalt  }
0x47: {  	_ =	shalt  }
0x48: {  	_ =	shalt  }
0x49: {  	_ =	shalt  }
0x4a: {  	_ =	shalt  }
0x4b: {  	_ =	shalt  }
0x4c: {  	_ =	shalt  }
0x4d: {  	_ =	shalt  }
0x4e: {  	_ =	shalt  }
0x4f: {  	_ =	shalt  }
0x50: {  	_ =	shalt  }
0x51: {  	_ =	shalt  }
0x52: {  	_ =	shalt  }
0x53: {  	_ =	shalt  }
0x54: {  	_ =	shalt  }
0x55: {  	_ =	shalt  }
0x56: {  	_ =	shalt  }
0x57: {  	_ =	shalt  }
0x58: {  	_ =	shalt  }
0x59: {  	_ =	shalt  }
0x5a: {  	_ =	shalt  }
0x5b: {  	_ =	shalt  }
0x5c: {  	_ =	shalt  }
0x5d: {  	_ =	shalt  }
0x5e: {  	_ =	shalt  }
0x5f: {  	_ =	shalt  }
0x60: {  	_ =	shalt  }
0x61: {  	_ =	shalt  }
0x62: {  	_ =	shalt  }
0x63: {  	_ =	shalt  }
0x64: {  	_ =	shalt  }
0x65: {  	_ =	shalt  }
0x66: {  	_ =	shalt  }
0x67: {  	_ =	shalt  }
0x68: {  	_ =	shalt  }
0x69: {  	_ =	shalt  }
0x6a: {  	_ =	shalt  }
0x6b: {  	_ =	shalt  }
0x6c: {  	_ =	shalt  }
0x6d: {  	_ =	shalt  }
0x6e: {  	_ =	shalt  }
0x6f: {  	_ =	shalt  }
0x70: {  	_ =	shalt  }
0x71: {  	_ =	shalt  }
0x72: {  	_ =	shalt  }
0x73: {  	_ =	shalt  }
0x74: {  	_ =	shalt  }
0x75: {  	_ =	shalt  }
0x76: {  	_ =	shalt  }
0x77: {  	_ =	shalt  }
0x78: {  	_ =	shalt  }
0x79: {  	_ =	shalt  }
0x7a: {  	_ =	shalt  }
0x7b: {  	_ =	shalt  }
0x7c: {  	_ =	shalt  }
0x7d: {  	_ =	shalt  }
0x7e: {  	_ =	shalt  }
0x7f: {  	_ =	shalt  }
0x80: {  	_ =	shalt  }
0x81: {  	_ =	shalt  }
0x82: {  	_ =	shalt  }
0x83: {  	_ =	shalt  }
0x84: {  	_ =	shalt  }
0x85: {  	_ =	shalt  }
0x86: {  	_ =	shalt  }
0x87: {  	_ =	shalt  }
.Lfunc_end0:
.L_simem_size_0:
called_computation_lowered:
.L_overlay_start_0:
0x88: {  	s2 =	sld [smem:$0x3FD9]  }
0x89: {  	s3 =	sld [smem:$0x3FFE];
	_ =	sdelay $0x1  }
0x8a: {  	s1 =	srdreg.scid  }
0x8b: {  	s0 =	sand.u32 $0x1, s1  }
0x8c: {  	s16 =	sshll.u32 s0, $0xA;
	s2 =	sadd.s32 s3, s2  }
0x8d: {  	s2 =	sadd.s32 s2, s16  }
0x8e: {  	[smem:$0x3FBA] =	sst s2  }
0x8f: {  	_ = 	snop  }
0x90: {  	(tm) =	ssettm $0x1  }
0x91: {  	s17 =	sld [smem:$0x3FFB];
	_ =	sdelay $0x3  }
0x92: {  	_ =	strace s17  }
0x93: {  	s2 =	sld [smem:$0x3FFC];
	_ =	sdelay $0x3  }
0x94: {  	_ =	strace s2  }
0x95: {  	s2 =	sld [smem:$0x3FFD];
	_ =	sdelay $0x3  }
0x96: {  	_ =	strace s2  }
0x97: {  	_ =	strace $0x8FFFFFFF  }
0x98: {  	s18 =	sld [smem:$0x3FDB];
	_ =	sdelay $0x1  }
0x99: {  	s19 =	simm.s32 $_scs_section_size  }
0x9a: {  	s4 =	simm.s32 $_size__tile_overlayer_lowered;
	s5 =	simm.s32 $_tile_overlayer_lowered  }
0x9b: {  	s22 =	simm.s32 $0x1BFF;
	s21 =	sshll.u32 s5, $0x1;
	s2 =	sadd.s32 s19, s18  }
0x9c: {  	s6 =	simm.s32 $0x0;
	s20 =	sshll.u32 s4, $0x1;
	s4 =	sadd.s32 s21, s2  }
0x9d: {  	[timem:s6], [sflag:s22] =	dma.local [hbm:s4], s20  }
0x9e: {  	_ =	swait.ge [sflag:s22], s20  }
0x9f: {  	s3 =	ssub.s32 $0x0, s20;
	[sflag:s22] =	ssyncset.done $0x0  }
0xa0: {  	[sflag:s22] =	ssyncadd.s32 s3;
	_ =	sdelay $0x1  }
0xa1: {  	s23 =	simm.s32 $0x1B8B  }
0xa2: {  	_ =	swait.ge [sflag:s23], $0x1  }
0xa3: {  	[sflag:s23] =	ssyncset.done $0x0  }
0xa4: {  	s25 =	simm.s32 $0x1B8E;
	s24 =	sld [smem:$0x3FFE];
	[sflag:s23] =	ssyncadd.s32 $0xFFFFFFFF  }
0xa5: {  	s26 =	simm.s32 $execute0_lowered;
	[smem:$0x3FD2] =	sst s25  }
0xa6: {  	s4 =	sshll.u32 s26, $0x1;
	_ =	strace $0x80000046;
	[dreg:$0x1] =	wrdreg $0xFFFFFFFF  }
0xa7: {  	s28 =	simm.s32 $_size_execute0_lowered;
	s2 =	sadd.s32 s2, s4;
	[dreg:$0x0] =	wrdreg $0x0  }
0xa8: {  	s4 =	sshll.u32 s28, $0x1;
	[dreg:$0x2] =	wrdreg s2  }
0xa9: {  	[dreg:$0x3] =	wrdreg s4  }
0xaa: {  	[dreg:$0x4] =	wrdreg $0xC0  }
0xab: {  	_ =	task [dreg:s6], $0x5FFFF  }
0xac: {  	[dreg:$0x1] =	wrdreg $0xFFFFFFFF  }
0xad: {  	[dreg:$0x0] =	wrdreg $0x60  }
0xae: {  	[dreg:$0x2] =	wrdreg s24  }
0xaf: {  	[dreg:$0x3] =	wrdreg $0x38000  }
0xb0: {  	[dreg:$0x4] =	wrdreg $0x9  }
0xb1: {  	_ =	task.clear_ibuf [dreg:s6], $0x5FFFF;
	_ =	strace $0x90000046  }
0xb2: {  	s29 =	simm.s32 $0x9;
	_ =	strace $0x80000048  }
0xb3: {  	_ =	swait.ge [sflag:s29], $0x1  }
0xb4: {  	[sflag:s29] =	ssyncadd.s32 $0xFFFFFFFF  }
0xb5: {  	_ =	strace $0x90000048  }
0xb6: {  	_ =	sfence  }
0xb7: {  	s30 =	sld [smem:$0x0];
	_ =	sdelay $0x2  }
0xb8: {  	s31 =	sshll.u32 s1, $0xD;
	s1 =	sshrl.u32 s1, $0x2  }
0xb9: {  	s3 =	sand.u32 $0x4000, s31;
	s1 =	sadd.s32 s1, s30  }
0xba: {  	s0 =	sor.u32 s3, s0;
	s1 =	sshll.u32 s1, $0x11  }
0xbb: {  	s0 =	sor.u32 s1, s0  }
0xbc: {  	s0 =	sadd.s32 $0x8F2B, s0  }
0xbd: {  	[sflag:s0] =	ssyncadd.remote.s32 $0x1  }
0xbe: {  	_ =	sfence.sel $0xFFFF  }
0xbf: {  	[dreg:$0x0] =	wrdreg $0xFFFFFFFF;
	(pc) =	sbr.abs _section_cstart, $3  }
0xc0: {  	[dreg:$0x1] =	wrdreg $0xFFFFFFFF  }
0xc1: {  	_ =	task.clear_ibuf [dreg:s6], $0x2FFFF;
	_ =	strace $0x9FFFFFFF  }
0xc2: {  	(tm) =	ssettm $0x7FFFFFFF  }
0xc3: {  	_ =	shalt  }
tec
execute0_lowered:
.L_overlay_start_1:
0x0: {  	(tag) =	ssettag $0x1  }
0x1: {  	s0 =	rddreg [dreg:$0x0]  }
0x2: {  	s2 =	rddreg [dreg:$0x1];
	s3 =	simm.s32 $0x0;
	s1 =	srdreg.scid  }
0x3: {  	s10 =	stileid.u32;
	s17 =	simm.s32 $0x80;
	s18 =	simm.s32 $0x100  }
0x4: {  	s19 =	simm.s32 $0x180;
	s9 =	simm.s32 $0x2;
	s20 =	simm.s32 $0x200  }
0x5: {  	s22 =	simm.s32 $0x280;
	[smem:$0x7FF] =	sst s3;
	s7 =	sadd.s32 $0x15400, s0  }
0x6: {  	s23 =	simm.s32 $0x300;
	_ =	strace $0x80000047;
	[dreg:$0xd] =	wrdreg s7  }
0x7: {  	s24 =	simm.s32 $0x380;
	s25 =	simm.s32 $0x400;
	[dreg:$0x4] =	wrdreg s17  }
0x8: {  	s26 =	simm.s32 $0x480;
	s28 =	simm.s32 $0xB80;
	[dreg:$0x5] =	wrdreg s18  }
0x9: {  	s29 =	simm.s32 $0xC00;
	s30 =	simm.s32 $0xC80;
	[dreg:$0x6] =	wrdreg s19  }
0xa: {  	s31 =	simm.s32 $0xD00;
	s4 =	smul.u32 $0x2800, s10;
	[dreg:$0x7] =	wrdreg s20  }
0xb: {  	s1 =	sand.u32 $0x1, s1;
	s13 =	smul.u32 $0x50000, s10;
	[dreg:$0x8] =	wrdreg s22  }
0xc: {  	s8 =	sshll.u32 s10, $0xB;
	s21 =	sshll.u32 s10, $0x6;
	[dreg:$0x9] =	wrdreg s23  }
0xd: {  	s5 =	sshll.u32 s1, $0xF;
	s6 =	smul.u32 $0x28000, s1;
	[dreg:$0xa] =	wrdreg s24  }
0xe: {  	s1 =	ssub.s32 $0x2, s1;
	s10 =	sor.u32 $0x1C02, s21;
	[dreg:$0xb] =	wrdreg s25  }
0xf: {  	[dreg:$0xc] =	wrdreg s26;
	s17 =	simm.s32 $0x680;
	s18 =	simm.s32 $0x700  }
0x10: {  	s19 =	simm.s32 $0x780;
	s20 =	simm.s32 $0x800;
	s21 =	simm.s32 $0x880  }
0x11: {  	s22 =	simm.s32 $0x900;
	s23 =	simm.s32 $0x980;
	s24 =	simm.s32 $0xA00  }
0x12: {  	s25 =	simm.s32 $0xA80;
	s26 =	simm.s32 $0xB00;
	s5 =	sadd.s32 s5, s0  }
0x13: {  	s12 =	sadd.s32 s4, s0;
	s14 =	sshrl.u32 s1, $0x1;
	s15 =	sshrl.u32 s13, $0x2  }
0x14: {  	s13 =	simm.s32 $0x1;
	[dreg:$0x11] =	wrdreg s10;
	s4 =	sadd.s32 s4, s6  }
0x15: {  	s1 =	ssub.s32 s1, s14;
	s5 =	sadd.s32 s8, s5;
	s16 =	sadd.s32 $0x15A00, s12  }
0x16: {  	s8 =	simm.s32 $0x1000;
	s12 =	simm.s32 $0x50;
	s6 =	simm.s32 $0xF80  }
0x17: {  	s14 =	simm.s32 $0x0;
	s0 =	sadd.s32 s4, s0;
	s4 =	sadd.s32 s15, s2  }
0x18: {  	[dreg:$0xe] =	wrdreg s16;
	s5 =	sadd.s32 $0x5400, s5;
	s1 =	smax.u32 s1, $0x1  }
0x19: {  	s15 =	simm.s32 $0x580;
	s16 =	simm.s32 $0x600;
	[dreg:$0x3] =	wrdreg s5  }
0x1a: {  	s0 =	sadd.s32 $0x3DA00, s0;
	[dreg:$0x10] =	wrdreg s1;
	s11 =	sshrl.u32 s4, $0x3  }
0x1b: {  	s1 =	simm.s32 $0xE00;
	s4 =	simm.s32 $0xE80;
	[dreg:$0xf] =	wrdreg s0  }
0x1c: {  	s5 =	simm.s32 $0xF00;
	s0 =	simm.s32 $0xD80;
	[dreg:$0x12] =	wrdreg s11  }
.LBB2_1:
0x1d: {  	[dreg:$0x13] =	wrdreg s14  }
0x1e: {  	s7 =	rddreg [dreg:$0xd]  }
0x1f: {  	[tilespmem:s8], [sflag:$0x2] =	stream.linear.gather [hbm4b:s7+s3], $0x2800, $0x38;
	[tilespmem:$0x17800] =	vst v63  }
0x20: {  	_ =	swait.ge [sflag:s9], $0x2800  }
0x21: {  	[sflag:s9] =	ssyncset.done $0x0  }
0x22: {  	s14 =	rddreg [dreg:$0xe];
	[sflag:s9] =	ssyncadd.s32 $0xFFFFD800  }
0x23: {  	[spmem:s11], [sflag:s10] =	dma.local [hbm:s14], $0x2800  }
0x24: {  	_ =	swait.ge [sflag:s9], $0x2800  }
0x25: {  	[sflag:s9] =	ssyncset.done $0x0  }
0x26: {  	[sflag:s9] =	ssyncadd.s32 $0xFFFFD800  }
0x27: {  	[bflag:$0x0] =	sbarrier.arrive $0xFFFF  }
0x28: {  	s14 =	rddreg [dreg:$0x3]  }
0x29: {  	s7 =	sadd.s32 $0x0, s14  }
0x2a: {  	[tilespmem:s3], [sflag:$0x2] =	stream.linear.gather [hbm4b:s7+s3], $0x1000, $0x38;
	[tilespmem:$0x17800] =	vst v63  }
0x2b: {  	_ =	swait.ge [sflag:s9], $0x1000  }
0x2c: {  	[sflag:s9] =	ssyncset.done $0x0  }
0x2d: {  	[sflag:s9] =	ssyncadd.s32 $0xFFFFF000  }
0x2e: {  	[spmem:s2] =	stream.indirect.scatter.add.f32 [tilespmem:s8], [sflag:$0x1], $0x80, s3, s12, $0xb8;
	[tilespmem:$0x17800] =	vst v63  }
0x2f: {  	s10 =	rddreg [dreg:$0x4]  }
0x30: {  	[spmem:s2] =	stream.indirect.scatter.add.f32 [tilespmem:s8], [sflag:$0x1], $0x80, s10, s12, $0xb8;
	[tilespmem:$0x17800] =	vst v63  }
0x31: {  	s11 =	rddreg [dreg:$0x5]  }
0x32: {  	[spmem:s2] =	stream.indirect.scatter.add.f32 [tilespmem:s8], [sflag:$0x1], $0x80, s11, s12, $0xb8;
	[tilespmem:$0x17800] =	vst v63  }
0x33: {  	s14 =	rddreg [dreg:$0x6]  }
0x34: {  	[spmem:s2] =	stream.indirect.scatter.add.f32 [tilespmem:s8], [sflag:$0x1], $0x80, s14, s12, $0xb8;
	[tilespmem:$0x17800] =	vst v63  }
0x35: {  	_ =	swait.ge [sflag:s13], $0x2800  }
0x36: {  	[sflag:s13] =	ssyncset.done $0x0  }
0x37: {  	[sflag:s13] =	ssyncadd.s32 $0xFFFFD800  }
0x38: {  	_ =	swait.ge [sflag:s13], $0x2800  }
0x39: {  	[sflag:s13] =	ssyncset.done $0x0  }
0x3a: {  	[sflag:s13] =	ssyncadd.s32 $0xFFFFD800  }
0x3b: {  	_ =	swait.ge [sflag:s13], $0x2800  }
0x3c: {  	[sflag:s13] =	ssyncset.done $0x0  }
0x3d: {  	[sflag:s13] =	ssyncadd.s32 $0xFFFFD800  }
0x3e: {  	_ =	swait.ge [sflag:s13], $0x2800  }
0x3f: {  	[sflag:s13] =	ssyncset.done $0x0  }
0x40: {  	s11 =	rddreg [dreg:$0x7];
	[sflag:s13] =	ssyncadd.s32 $0xFFFFD800  }
0x41: {  	[spmem:s2] =	stream.indirect.scatter.add.f32 [tilespmem:s8], [sflag:$0x1], $0x80, s11, s12, $0xb8;
	[tilespmem:$0x17800] =	vst v63  }
0x42: {  	s14 =	rddreg [dreg:$0x8]  }
0x43: {  	[spmem:s2] =	stream.indirect.scatter.add.f32 [tilespmem:s8], [sflag:$0x1], $0x80, s14, s12, $0xb8;
	[tilespmem:$0x17800] =	vst v63  }
0x44: {  	s11 =	rddreg [dreg:$0x9]  }
0x45: {  	[spmem:s2] =	stream.indirect.scatter.add.f32 [tilespmem:s8], [sflag:$0x1], $0x80, s11, s12, $0xb8;
	[tilespmem:$0x17800] =	vst v63  }
0x46: {  	s14 =	rddreg [dreg:$0xa]  }
0x47: {  	[spmem:s2] =	stream.indirect.scatter.add.f32 [tilespmem:s8], [sflag:$0x1], $0x80, s14, s12, $0xb8;
	[tilespmem:$0x17800] =	vst v63  }
0x48: {  	_ =	swait.ge [sflag:s13], $0x2800  }
0x49: {  	[sflag:s13] =	ssyncset.done $0x0  }
0x4a: {  	[sflag:s13] =	ssyncadd.s32 $0xFFFFD800  }
0x4b: {  	_ =	swait.ge [sflag:s13], $0x2800  }
0x4c: {  	[sflag:s13] =	ssyncset.done $0x0  }
0x4d: {  	[sflag:s13] =	ssyncadd.s32 $0xFFFFD800  }
0x4e: {  	_ =	swait.ge [sflag:s13], $0x2800  }
0x4f: {  	[sflag:s13] =	ssyncset.done $0x0  }
0x50: {  	[sflag:s13] =	ssyncadd.s32 $0xFFFFD800  }
0x51: {  	_ =	swait.ge [sflag:s13], $0x2800  }
0x52: {  	[sflag:s13] =	ssyncset.done $0x0  }
0x53: {  	s10 =	rddreg [dreg:$0xb];
	[sflag:s13] =	ssyncadd.s32 $0xFFFFD800  }
0x54: {  	[spmem:s2] =	stream.indirect.scatter.add.f32 [tilespmem:s8], [sflag:$0x1], $0x80, s10, s12, $0xb8;
	[tilespmem:$0x17800] =	vst v63  }
0x55: {  	s11 =	rddreg [dreg:$0xc]  }
0x56: {  	[spmem:s2] =	stream.indirect.scatter.add.f32 [tilespmem:s8], [sflag:$0x1], $0x80, s11, s12, $0xb8;
	[tilespmem:$0x17800] =	vst v63  }
0x57: {  	s14 =	simm.s32 $0x500  }
0x58: {  	[spmem:s2] =	stream.indirect.scatter.add.f32 [tilespmem:s8], [sflag:$0x1], $0x80, s14, s12, $0xb8;
	[tilespmem:$0x17800] =	vst v63  }
0x59: {  	_ = 	snop  }
0x5a: {  	[spmem:s2] =	stream.indirect.scatter.add.f32 [tilespmem:s8], [sflag:$0x1], $0x80, s15, s12, $0xb8;
	[tilespmem:$0x17800] =	vst v63  }
0x5b: {  	_ =	swait.ge [sflag:s13], $0x2800  }
0x5c: {  	[sflag:s13] =	ssyncset.done $0x0  }
0x5d: {  	[sflag:s13] =	ssyncadd.s32 $0xFFFFD800  }
0x5e: {  	_ =	swait.ge [sflag:s13], $0x2800  }
0x5f: {  	[sflag:s13] =	ssyncset.done $0x0  }
0x60: {  	[sflag:s13] =	ssyncadd.s32 $0xFFFFD800  }
0x61: {  	_ =	swait.ge [sflag:s13], $0x2800  }
0x62: {  	[sflag:s13] =	ssyncset.done $0x0  }
0x63: {  	[sflag:s13] =	ssyncadd.s32 $0xFFFFD800  }
0x64: {  	_ =	swait.ge [sflag:s13], $0x2800  }
0x65: {  	[sflag:s13] =	ssyncset.done $0x0  }
0x66: {  	[sflag:s13] =	ssyncadd.s32 $0xFFFFD800  }
0x67: {  	[spmem:s2] =	stream.indirect.scatter.add.f32 [tilespmem:s8], [sflag:$0x1], $0x80, s16, s12, $0xb8;
	[tilespmem:$0x17800] =	vst v63  }
0x68: {  	_ = 	snop  }
0x69: {  	[spmem:s2] =	stream.indirect.scatter.add.f32 [tilespmem:s8], [sflag:$0x1], $0x80, s17, s12, $0xb8;
	[tilespmem:$0x17800] =	vst v63  }
0x6a: {  	_ = 	snop  }
0x6b: {  	[spmem:s2] =	stream.indirect.scatter.add.f32 [tilespmem:s8], [sflag:$0x1], $0x80, s18, s12, $0xb8;
	[tilespmem:$0x17800] =	vst v63  }
0x6c: {  	_ = 	snop  }
0x6d: {  	[spmem:s2] =	stream.indirect.scatter.add.f32 [tilespmem:s8], [sflag:$0x1], $0x80, s19, s12, $0xb8;
	[tilespmem:$0x17800] =	vst v63  }
0x6e: {  	_ =	swait.ge [sflag:s13], $0x2800  }
0x6f: {  	[sflag:s13] =	ssyncset.done $0x0  }
0x70: {  	[sflag:s13] =	ssyncadd.s32 $0xFFFFD800  }
0x71: {  	_ =	swait.ge [sflag:s13], $0x2800  }
0x72: {  	[sflag:s13] =	ssyncset.done $0x0  }
0x73: {  	[sflag:s13] =	ssyncadd.s32 $0xFFFFD800  }
0x74: {  	_ =	swait.ge [sflag:s13], $0x2800  }
0x75: {  	[sflag:s13] =	ssyncset.done $0x0  }
0x76: {  	[sflag:s13] =	ssyncadd.s32 $0xFFFFD800  }
0x77: {  	_ =	swait.ge [sflag:s13], $0x2800  }
0x78: {  	[sflag:s13] =	ssyncset.done $0x0  }
0x79: {  	[sflag:s13] =	ssyncadd.s32 $0xFFFFD800  }
0x7a: {  	[spmem:s2] =	stream.indirect.scatter.add.f32 [tilespmem:s8], [sflag:$0x1], $0x80, s20, s12, $0xb8;
	[tilespmem:$0x17800] =	vst v63  }
0x7b: {  	_ = 	snop  }
0x7c: {  	[spmem:s2] =	stream.indirect.scatter.add.f32 [tilespmem:s8], [sflag:$0x1], $0x80, s21, s12, $0xb8;
	[tilespmem:$0x17800] =	vst v63  }
0x7d: {  	_ = 	snop  }
0x7e: {  	[spmem:s2] =	stream.indirect.scatter.add.f32 [tilespmem:s8], [sflag:$0x1], $0x80, s22, s12, $0xb8;
	[tilespmem:$0x17800] =	vst v63  }
0x7f: {  	_ = 	snop  }
0x80: {  	[spmem:s2] =	stream.indirect.scatter.add.f32 [tilespmem:s8], [sflag:$0x1], $0x80, s23, s12, $0xb8;
	[tilespmem:$0x17800] =	vst v63  }
0x81: {  	_ =	swait.ge [sflag:s13], $0x2800  }
0x82: {  	[sflag:s13] =	ssyncset.done $0x0  }
0x83: {  	[sflag:s13] =	ssyncadd.s32 $0xFFFFD800  }
0x84: {  	_ =	swait.ge [sflag:s13], $0x2800  }
0x85: {  	[sflag:s13] =	ssyncset.done $0x0  }
0x86: {  	[sflag:s13] =	ssyncadd.s32 $0xFFFFD800  }
0x87: {  	_ =	swait.ge [sflag:s13], $0x2800  }
0x88: {  	[sflag:s13] =	ssyncset.done $0x0  }
0x89: {  	[sflag:s13] =	ssyncadd.s32 $0xFFFFD800  }
0x8a: {  	_ =	swait.ge [sflag:s13], $0x2800  }
0x8b: {  	[sflag:s13] =	ssyncset.done $0x0  }
0x8c: {  	[sflag:s13] =	ssyncadd.s32 $0xFFFFD800  }
0x8d: {  	[spmem:s2] =	stream.indirect.scatter.add.f32 [tilespmem:s8], [sflag:$0x1], $0x80, s24, s12, $0xb8;
	[tilespmem:$0x17800] =	vst v63  }
0x8e: {  	_ = 	snop  }
0x8f: {  	[spmem:s2] =	stream.indirect.scatter.add.f32 [tilespmem:s8], [sflag:$0x1], $0x80, s25, s12, $0xb8;
	[tilespmem:$0x17800] =	vst v63  }
0x90: {  	_ = 	snop  }
0x91: {  	[spmem:s2] =	stream.indirect.scatter.add.f32 [tilespmem:s8], [sflag:$0x1], $0x80, s26, s12, $0xb8;
	[tilespmem:$0x17800] =	vst v63  }
0x92: {  	_ = 	snop  }
0x93: {  	[spmem:s2] =	stream.indirect.scatter.add.f32 [tilespmem:s8], [sflag:$0x1], $0x80, s28, s12, $0xb8;
	[tilespmem:$0x17800] =	vst v63  }
0x94: {  	_ =	swait.ge [sflag:s13], $0x2800  }
0x95: {  	[sflag:s13] =	ssyncset.done $0x0  }
0x96: {  	[sflag:s13] =	ssyncadd.s32 $0xFFFFD800  }
0x97: {  	_ =	swait.ge [sflag:s13], $0x2800  }
0x98: {  	[sflag:s13] =	ssyncset.done $0x0  }
0x99: {  	[sflag:s13] =	ssyncadd.s32 $0xFFFFD800  }
0x9a: {  	_ =	swait.ge [sflag:s13], $0x2800  }
0x9b: {  	[sflag:s13] =	ssyncset.done $0x0  }
0x9c: {  	[sflag:s13] =	ssyncadd.s32 $0xFFFFD800  }
0x9d: {  	_ =	swait.ge [sflag:s13], $0x2800  }
0x9e: {  	[sflag:s13] =	ssyncset.done $0x0  }
0x9f: {  	[sflag:s13] =	ssyncadd.s32 $0xFFFFD800  }
0xa0: {  	[spmem:s2] =	stream.indirect.scatter.add.f32 [tilespmem:s8], [sflag:$0x1], $0x80, s29, s12, $0xb8;
	[tilespmem:$0x17800] =	vst v63  }
0xa1: {  	_ = 	snop  }
0xa2: {  	[spmem:s2] =	stream.indirect.scatter.add.f32 [tilespmem:s8], [sflag:$0x1], $0x80, s30, s12, $0xb8;
	[tilespmem:$0x17800] =	vst v63  }
0xa3: {  	_ = 	snop  }
0xa4: {  	[spmem:s2] =	stream.indirect.scatter.add.f32 [tilespmem:s8], [sflag:$0x1], $0x80, s31, s12, $0xb8;
	[tilespmem:$0x17800] =	vst v63  }
0xa5: {  	_ = 	snop  }
0xa6: {  	[spmem:s2] =	stream.indirect.scatter.add.f32 [tilespmem:s8], [sflag:$0x1], $0x80, s0, s12, $0xb8;
	[tilespmem:$0x17800] =	vst v63  }
0xa7: {  	_ =	swait.ge [sflag:s13], $0x2800  }
0xa8: {  	[sflag:s13] =	ssyncset.done $0x0  }
0xa9: {  	[sflag:s13] =	ssyncadd.s32 $0xFFFFD800  }
0xaa: {  	_ =	swait.ge [sflag:s13], $0x2800  }
0xab: {  	[sflag:s13] =	ssyncset.done $0x0  }
0xac: {  	[sflag:s13] =	ssyncadd.s32 $0xFFFFD800  }
0xad: {  	_ =	swait.ge [sflag:s13], $0x2800  }
0xae: {  	[sflag:s13] =	ssyncset.done $0x0  }
0xaf: {  	[sflag:s13] =	ssyncadd.s32 $0xFFFFD800  }
0xb0: {  	_ =	swait.ge [sflag:s13], $0x2800  }
0xb1: {  	[sflag:s13] =	ssyncset.done $0x0  }
0xb2: {  	[sflag:s13] =	ssyncadd.s32 $0xFFFFD800  }
0xb3: {  	[spmem:s2] =	stream.indirect.scatter.add.f32 [tilespmem:s8], [sflag:$0x1], $0x80, s1, s12, $0xb8;
	[tilespmem:$0x17800] =	vst v63  }
0xb4: {  	_ = 	snop  }
0xb5: {  	[spmem:s2] =	stream.indirect.scatter.add.f32 [tilespmem:s8], [sflag:$0x1], $0x80, s4, s12, $0xb8;
	[tilespmem:$0x17800] =	vst v63  }
0xb6: {  	_ = 	snop  }
0xb7: {  	[spmem:s2] =	stream.indirect.scatter.add.f32 [tilespmem:s8], [sflag:$0x1], $0x80, s5, s12, $0xb8;
	[tilespmem:$0x17800] =	vst v63  }
0xb8: {  	_ = 	snop  }
0xb9: {  	[spmem:s2] =	stream.indirect.scatter.add.f32 [tilespmem:s8], [sflag:$0x1], $0x80, s6, s12, $0xb8;
	[tilespmem:$0x17800] =	vst v63  }
0xba: {  	_ =	swait.ge [sflag:s13], $0x2800  }
0xbb: {  	[sflag:s13] =	ssyncset.done $0x0  }
0xbc: {  	[sflag:s13] =	ssyncadd.s32 $0xFFFFD800  }
0xbd: {  	_ =	swait.ge [sflag:s13], $0x2800  }
0xbe: {  	[sflag:s13] =	ssyncset.done $0x0  }
0xbf: {  	[sflag:s13] =	ssyncadd.s32 $0xFFFFD800  }
0xc0: {  	_ =	swait.ge [sflag:s13], $0x2800  }
0xc1: {  	[sflag:s13] =	ssyncset.done $0x0  }
0xc2: {  	[sflag:s13] =	ssyncadd.s32 $0xFFFFD800  }
0xc3: {  	s10 =	simm.s32 $0x200;
	_ =	swait.ge [sflag:s13], $0x2800  }
0xc4: {  	s11 =	simm.s32 $0x400;
	s7 =	rddreg [dreg:$0x3];
	[sflag:s13] =	ssyncset.done $0x0  }
.LBB2_2:
0xc5: {  	[sflag:s13] =	ssyncadd.s32 $0xFFFFD800;
	s7 =	sadd.s32 s10, s7  }
0xc6: {  	[tilespmem:s3], [sflag:$0x2] =	stream.linear.gather [hbm4b:s7+s3], $0x1000, $0x38;
	[tilespmem:$0x17800] =	vst v63  }
0xc7: {  	_ =	swait.ge [sflag:s9], $0x1000  }
0xc8: {  	[sflag:s9] =	ssyncset.done $0x0  }
0xc9: {  	[sflag:s9] =	ssyncadd.s32 $0xFFFFF000  }
0xca: {  	[spmem:s2] =	stream.indirect.scatter.add.f32 [tilespmem:s8], [sflag:$0x1], $0x80, s3, s12, $0xb8;
	[tilespmem:$0x17800] =	vst v63  }
0xcb: {  	s14 =	smov.u32 s11;
	s7 =	rddreg [dreg:$0x4]  }
0xcc: {  	[spmem:s2] =	stream.indirect.scatter.add.f32 [tilespmem:s8], [sflag:$0x1], $0x80, s7, s12, $0xb8;
	[tilespmem:$0x17800] =	vst v63  }
0xcd: {  	s10 =	smov.u32 s14;
	s14 =	rddreg [dreg:$0x5]  }
0xce: {  	[spmem:s2] =	stream.indirect.scatter.add.f32 [tilespmem:s8], [sflag:$0x1], $0x80, s14, s12, $0xb8;
	[tilespmem:$0x17800] =	vst v63  }
0xcf: {  	s7 =	rddreg [dreg:$0x6]  }
0xd0: {  	[spmem:s2] =	stream.indirect.scatter.add.f32 [tilespmem:s8], [sflag:$0x1], $0x80, s7, s12, $0xb8;
	[tilespmem:$0x17800] =	vst v63  }
0xd1: {  	_ =	swait.ge [sflag:s13], $0x2800  }
0xd2: {  	[sflag:s13] =	ssyncset.done $0x0  }
0xd3: {  	[sflag:s13] =	ssyncadd.s32 $0xFFFFD800  }
0xd4: {  	_ =	swait.ge [sflag:s13], $0x2800  }
0xd5: {  	[sflag:s13] =	ssyncset.done $0x0  }
0xd6: {  	[sflag:s13] =	ssyncadd.s32 $0xFFFFD800  }
0xd7: {  	_ =	swait.ge [sflag:s13], $0x2800  }
0xd8: {  	[sflag:s13] =	ssyncset.done $0x0  }
0xd9: {  	[sflag:s13] =	ssyncadd.s32 $0xFFFFD800  }
0xda: {  	_ =	swait.ge [sflag:s13], $0x2800  }
0xdb: {  	[sflag:s13] =	ssyncset.done $0x0  }
0xdc: {  	s7 =	rddreg [dreg:$0x7];
	[sflag:s13] =	ssyncadd.s32 $0xFFFFD800  }
0xdd: {  	[spmem:s2] =	stream.indirect.scatter.add.f32 [tilespmem:s8], [sflag:$0x1], $0x80, s7, s12, $0xb8;
	[tilespmem:$0x17800] =	vst v63  }
0xde: {  	s14 =	rddreg [dreg:$0x8]  }
0xdf: {  	[spmem:s2] =	stream.indirect.scatter.add.f32 [tilespmem:s8], [sflag:$0x1], $0x80, s14, s12, $0xb8;
	[tilespmem:$0x17800] =	vst v63  }
0xe0: {  	s7 =	rddreg [dreg:$0x9]  }
0xe1: {  	[spmem:s2] =	stream.indirect.scatter.add.f32 [tilespmem:s8], [sflag:$0x1], $0x80, s7, s12, $0xb8;
	[tilespmem:$0x17800] =	vst v63  }
0xe2: {  	s14 =	rddreg [dreg:$0xa]  }
0xe3: {  	[spmem:s2] =	stream.indirect.scatter.add.f32 [tilespmem:s8], [sflag:$0x1], $0x80, s14, s12, $0xb8;
	[tilespmem:$0x17800] =	vst v63  }
0xe4: {  	_ =	swait.ge [sflag:s13], $0x2800  }
0xe5: {  	[sflag:s13] =	ssyncset.done $0x0  }
0xe6: {  	[sflag:s13] =	ssyncadd.s32 $0xFFFFD800  }
0xe7: {  	_ =	swait.ge [sflag:s13], $0x2800  }
0xe8: {  	[sflag:s13] =	ssyncset.done $0x0  }
0xe9: {  	[sflag:s13] =	ssyncadd.s32 $0xFFFFD800  }
0xea: {  	_ =	swait.ge [sflag:s13], $0x2800  }
0xeb: {  	[sflag:s13] =	ssyncset.done $0x0  }
0xec: {  	[sflag:s13] =	ssyncadd.s32 $0xFFFFD800  }
0xed: {  	_ =	swait.ge [sflag:s13], $0x2800  }
0xee: {  	[sflag:s13] =	ssyncset.done $0x0  }
0xef: {  	s7 =	rddreg [dreg:$0xb];
	[sflag:s13] =	ssyncadd.s32 $0xFFFFD800  }
0xf0: {  	[spmem:s2] =	stream.indirect.scatter.add.f32 [tilespmem:s8], [sflag:$0x1], $0x80, s7, s12, $0xb8;
	[tilespmem:$0x17800] =	vst v63  }
0xf1: {  	s14 =	rddreg [dreg:$0xc]  }
0xf2: {  	[spmem:s2] =	stream.indirect.scatter.add.f32 [tilespmem:s8], [sflag:$0x1], $0x80, s14, s12, $0xb8;
	[tilespmem:$0x17800] =	vst v63  }
0xf3: {  	s14 =	simm.s32 $0x500  }
0xf4: {  	[spmem:s2] =	stream.indirect.scatter.add.f32 [tilespmem:s8], [sflag:$0x1], $0x80, s14, s12, $0xb8;
	[tilespmem:$0x17800] =	vst v63  }
0xf5: {  	_ = 	snop  }
0xf6: {  	[spmem:s2] =	stream.indirect.scatter.add.f32 [tilespmem:s8], [sflag:$0x1], $0x80, s15, s12, $0xb8;
	[tilespmem:$0x17800] =	vst v63  }
0xf7: {  	_ =	swait.ge [sflag:s13], $0x2800  }
0xf8: {  	[sflag:s13] =	ssyncset.done $0x0  }
0xf9: {  	[sflag:s13] =	ssyncadd.s32 $0xFFFFD800  }
0xfa: {  	_ =	swait.ge [sflag:s13], $0x2800  }
0xfb: {  	[sflag:s13] =	ssyncset.done $0x0  }
0xfc: {  	[sflag:s13] =	ssyncadd.s32 $0xFFFFD800  }
0xfd: {  	_ =	swait.ge [sflag:s13], $0x2800  }
0xfe: {  	[sflag:s13] =	ssyncset.done $0x0  }
0xff: {  	[sflag:s13] =	ssyncadd.s32 $0xFFFFD800  }
0x100: {  	_ =	swait.ge [sflag:s13], $0x2800  }
0x101: {  	[sflag:s13] =	ssyncset.done $0x0  }
0x102: {  	[sflag:s13] =	ssyncadd.s32 $0xFFFFD800  }
0x103: {  	[spmem:s2] =	stream.indirect.scatter.add.f32 [tilespmem:s8], [sflag:$0x1], $0x80, s16, s12, $0xb8;
	[tilespmem:$0x17800] =	vst v63  }
0x104: {  	_ = 	snop  }
0x105: {  	[spmem:s2] =	stream.indirect.scatter.add.f32 [tilespmem:s8], [sflag:$0x1], $0x80, s17, s12, $0xb8;
	[tilespmem:$0x17800] =	vst v63  }
0x106: {  	_ = 	snop  }
0x107: {  	[spmem:s2] =	stream.indirect.scatter.add.f32 [tilespmem:s8], [sflag:$0x1], $0x80, s18, s12, $0xb8;
	[tilespmem:$0x17800] =	vst v63  }
0x108: {  	_ = 	snop  }
0x109: {  	[spmem:s2] =	stream.indirect.scatter.add.f32 [tilespmem:s8], [sflag:$0x1], $0x80, s19, s12, $0xb8;
	[tilespmem:$0x17800] =	vst v63  }
0x10a: {  	_ =	swait.ge [sflag:s13], $0x2800  }
0x10b: {  	[sflag:s13] =	ssyncset.done $0x0  }
0x10c: {  	[sflag:s13] =	ssyncadd.s32 $0xFFFFD800  }
0x10d: {  	_ =	swait.ge [sflag:s13], $0x2800  }
0x10e: {  	[sflag:s13] =	ssyncset.done $0x0  }
0x10f: {  	[sflag:s13] =	ssyncadd.s32 $0xFFFFD800  }
0x110: {  	_ =	swait.ge [sflag:s13], $0x2800  }
0x111: {  	[sflag:s13] =	ssyncset.done $0x0  }
0x112: {  	[sflag:s13] =	ssyncadd.s32 $0xFFFFD800  }
0x113: {  	_ =	swait.ge [sflag:s13], $0x2800  }
0x114: {  	[sflag:s13] =	ssyncset.done $0x0  }
0x115: {  	[sflag:s13] =	ssyncadd.s32 $0xFFFFD800  }
0x116: {  	[spmem:s2] =	stream.indirect.scatter.add.f32 [tilespmem:s8], [sflag:$0x1], $0x80, s20, s12, $0xb8;
	[tilespmem:$0x17800] =	vst v63  }
0x117: {  	_ = 	snop  }
0x118: {  	[spmem:s2] =	stream.indirect.scatter.add.f32 [tilespmem:s8], [sflag:$0x1], $0x80, s21, s12, $0xb8;
	[tilespmem:$0x17800] =	vst v63  }
0x119: {  	_ = 	snop  }
0x11a: {  	[spmem:s2] =	stream.indirect.scatter.add.f32 [tilespmem:s8], [sflag:$0x1], $0x80, s22, s12, $0xb8;
	[tilespmem:$0x17800] =	vst v63  }
0x11b: {  	_ = 	snop  }
0x11c: {  	[spmem:s2] =	stream.indirect.scatter.add.f32 [tilespmem:s8], [sflag:$0x1], $0x80, s23, s12, $0xb8;
	[tilespmem:$0x17800] =	vst v63  }
0x11d: {  	_ =	swait.ge [sflag:s13], $0x2800  }
0x11e: {  	[sflag:s13] =	ssyncset.done $0x0  }
0x11f: {  	[sflag:s13] =	ssyncadd.s32 $0xFFFFD800  }
0x120: {  	_ =	swait.ge [sflag:s13], $0x2800  }
0x121: {  	[sflag:s13] =	ssyncset.done $0x0  }
0x122: {  	[sflag:s13] =	ssyncadd.s32 $0xFFFFD800  }
0x123: {  	_ =	swait.ge [sflag:s13], $0x2800  }
0x124: {  	[sflag:s13] =	ssyncset.done $0x0  }
0x125: {  	[sflag:s13] =	ssyncadd.s32 $0xFFFFD800  }
0x126: {  	_ =	swait.ge [sflag:s13], $0x2800  }
0x127: {  	[sflag:s13] =	ssyncset.done $0x0  }
0x128: {  	[sflag:s13] =	ssyncadd.s32 $0xFFFFD800  }
0x129: {  	[spmem:s2] =	stream.indirect.scatter.add.f32 [tilespmem:s8], [sflag:$0x1], $0x80, s24, s12, $0xb8;
	[tilespmem:$0x17800] =	vst v63  }
0x12a: {  	_ = 	snop  }
0x12b: {  	[spmem:s2] =	stream.indirect.scatter.add.f32 [tilespmem:s8], [sflag:$0x1], $0x80, s25, s12, $0xb8;
	[tilespmem:$0x17800] =	vst v63  }
0x12c: {  	_ = 	snop  }
0x12d: {  	[spmem:s2] =	stream.indirect.scatter.add.f32 [tilespmem:s8], [sflag:$0x1], $0x80, s26, s12, $0xb8;
	[tilespmem:$0x17800] =	vst v63  }
0x12e: {  	_ = 	snop  }
0x12f: {  	[spmem:s2] =	stream.indirect.scatter.add.f32 [tilespmem:s8], [sflag:$0x1], $0x80, s28, s12, $0xb8;
	[tilespmem:$0x17800] =	vst v63  }
0x130: {  	_ =	swait.ge [sflag:s13], $0x2800  }
0x131: {  	[sflag:s13] =	ssyncset.done $0x0  }
0x132: {  	[sflag:s13] =	ssyncadd.s32 $0xFFFFD800  }
0x133: {  	_ =	swait.ge [sflag:s13], $0x2800  }
0x134: {  	[sflag:s13] =	ssyncset.done $0x0  }
0x135: {  	[sflag:s13] =	ssyncadd.s32 $0xFFFFD800  }
0x136: {  	_ =	swait.ge [sflag:s13], $0x2800  }
0x137: {  	[sflag:s13] =	ssyncset.done $0x0  }
0x138: {  	[sflag:s13] =	ssyncadd.s32 $0xFFFFD800  }
0x139: {  	_ =	swait.ge [sflag:s13], $0x2800  }
0x13a: {  	[sflag:s13] =	ssyncset.done $0x0  }
0x13b: {  	[sflag:s13] =	ssyncadd.s32 $0xFFFFD800  }
0x13c: {  	[spmem:s2] =	stream.indirect.scatter.add.f32 [tilespmem:s8], [sflag:$0x1], $0x80, s29, s12, $0xb8;
	[tilespmem:$0x17800] =	vst v63  }
0x13d: {  	_ = 	snop  }
0x13e: {  	[spmem:s2] =	stream.indirect.scatter.add.f32 [tilespmem:s8], [sflag:$0x1], $0x80, s30, s12, $0xb8;
	[tilespmem:$0x17800] =	vst v63  }
0x13f: {  	_ = 	snop  }
0x140: {  	[spmem:s2] =	stream.indirect.scatter.add.f32 [tilespmem:s8], [sflag:$0x1], $0x80, s31, s12, $0xb8;
	[tilespmem:$0x17800] =	vst v63  }
0x141: {  	_ = 	snop  }
0x142: {  	[spmem:s2] =	stream.indirect.scatter.add.f32 [tilespmem:s8], [sflag:$0x1], $0x80, s0, s12, $0xb8;
	[tilespmem:$0x17800] =	vst v63  }
0x143: {  	_ =	swait.ge [sflag:s13], $0x2800  }
0x144: {  	[sflag:s13] =	ssyncset.done $0x0  }
0x145: {  	[sflag:s13] =	ssyncadd.s32 $0xFFFFD800  }
0x146: {  	_ =	swait.ge [sflag:s13], $0x2800  }
0x147: {  	[sflag:s13] =	ssyncset.done $0x0  }
0x148: {  	[sflag:s13] =	ssyncadd.s32 $0xFFFFD800  }
0x149: {  	_ =	swait.ge [sflag:s13], $0x2800  }
0x14a: {  	[sflag:s13] =	ssyncset.done $0x0  }
0x14b: {  	[sflag:s13] =	ssyncadd.s32 $0xFFFFD800  }
0x14c: {  	_ =	swait.ge [sflag:s13], $0x2800  }
0x14d: {  	[sflag:s13] =	ssyncset.done $0x0  }
0x14e: {  	[sflag:s13] =	ssyncadd.s32 $0xFFFFD800  }
0x14f: {  	[spmem:s2] =	stream.indirect.scatter.add.f32 [tilespmem:s8], [sflag:$0x1], $0x80, s1, s12, $0xb8;
	[tilespmem:$0x17800] =	vst v63  }
0x150: {  	_ = 	snop  }
0x151: {  	[spmem:s2] =	stream.indirect.scatter.add.f32 [tilespmem:s8], [sflag:$0x1], $0x80, s4, s12, $0xb8;
	[tilespmem:$0x17800] =	vst v63  }
0x152: {  	_ = 	snop  }
0x153: {  	[spmem:s2] =	stream.indirect.scatter.add.f32 [tilespmem:s8], [sflag:$0x1], $0x80, s5, s12, $0xb8;
	[tilespmem:$0x17800] =	vst v63  }
0x154: {  	_ = 	snop  }
0x155: {  	[spmem:s2] =	stream.indirect.scatter.add.f32 [tilespmem:s8], [sflag:$0x1], $0x80, s6, s12, $0xb8;
	[tilespmem:$0x17800] =	vst v63  }
0x156: {  	_ =	swait.ge [sflag:s13], $0x2800  }
0x157: {  	[sflag:s13] =	ssyncset.done $0x0  }
0x158: {  	[sflag:s13] =	ssyncadd.s32 $0xFFFFD800  }
0x159: {  	_ =	swait.ge [sflag:s13], $0x2800  }
0x15a: {  	[sflag:s13] =	ssyncset.done $0x0  }
0x15b: {  	p0 =	sne.s32 s11, $0x600;
	[sflag:s13] =	ssyncadd.s32 $0xFFFFD800  }
.Ltmp0:
0x15c: {  	_ =	swait.ge [sflag:s13], $0x2800;
	(pc) =	sbr.rel @p0 .LBB2_2-.Ltmp0, $4  }
0x15d: {  	[sflag:s13] =	ssyncset.done $0x0  }
0x15e: {  	[sflag:s13] =	ssyncadd.s32 $0xFFFFD800  }
0x15f: {  	_ =	swait.ge [sflag:s13], $0x2800  }
0x160: {  	s11 =	sadd.s32 $0x200, s11;
	s7 =	rddreg [dreg:$0x3];
	[sflag:s13] =	ssyncset.done $0x0  }
0x161: {  	[sflag:s13] =	ssyncadd.s32 $0xFFFFD800;
	s7 =	sadd.s32 s10, s7  }
0x162: {  	[tilespmem:s3], [sflag:$0x2] =	stream.linear.gather [hbm4b:s7+s3], $0x1000, $0x38;
	[tilespmem:$0x17800] =	vst v63  }
0x163: {  	_ =	swait.ge [sflag:s9], $0x1000  }
0x164: {  	[sflag:s9] =	ssyncset.done $0x0  }
0x165: {  	[sflag:s9] =	ssyncadd.s32 $0xFFFFF000  }
0x166: {  	[spmem:s2] =	stream.indirect.scatter.add.f32 [tilespmem:s8], [sflag:$0x1], $0x80, s3, s12, $0xb8;
	[tilespmem:$0x17800] =	vst v63  }
0x167: {  	s10 =	rddreg [dreg:$0x4]  }
0x168: {  	[spmem:s2] =	stream.indirect.scatter.add.f32 [tilespmem:s8], [sflag:$0x1], $0x80, s10, s12, $0xb8;
	[tilespmem:$0x17800] =	vst v63  }
0x169: {  	s11 =	rddreg [dreg:$0x5]  }
0x16a: {  	[spmem:s2] =	stream.indirect.scatter.add.f32 [tilespmem:s8], [sflag:$0x1], $0x80, s11, s12, $0xb8;
	[tilespmem:$0x17800] =	vst v63  }
0x16b: {  	s14 =	rddreg [dreg:$0x6]  }
0x16c: {  	[spmem:s2] =	stream.indirect.scatter.add.f32 [tilespmem:s8], [sflag:$0x1], $0x80, s14, s12, $0xb8;
	[tilespmem:$0x17800] =	vst v63  }
0x16d: {  	_ =	swait.ge [sflag:s13], $0x2800  }
0x16e: {  	[sflag:s13] =	ssyncset.done $0x0  }
0x16f: {  	[sflag:s13] =	ssyncadd.s32 $0xFFFFD800  }
0x170: {  	_ =	swait.ge [sflag:s13], $0x2800  }
0x171: {  	[sflag:s13] =	ssyncset.done $0x0  }
0x172: {  	[sflag:s13] =	ssyncadd.s32 $0xFFFFD800  }
0x173: {  	_ =	swait.ge [sflag:s13], $0x2800  }
0x174: {  	[sflag:s13] =	ssyncset.done $0x0  }
0x175: {  	[sflag:s13] =	ssyncadd.s32 $0xFFFFD800  }
0x176: {  	_ =	swait.ge [sflag:s13], $0x2800  }
0x177: {  	[sflag:s13] =	ssyncset.done $0x0  }
0x178: {  	s11 =	rddreg [dreg:$0x7];
	[sflag:s13] =	ssyncadd.s32 $0xFFFFD800  }
0x179: {  	[spmem:s2] =	stream.indirect.scatter.add.f32 [tilespmem:s8], [sflag:$0x1], $0x80, s11, s12, $0xb8;
	[tilespmem:$0x17800] =	vst v63  }
0x17a: {  	s14 =	rddreg [dreg:$0x8]  }
0x17b: {  	[spmem:s2] =	stream.indirect.scatter.add.f32 [tilespmem:s8], [sflag:$0x1], $0x80, s14, s12, $0xb8;
	[tilespmem:$0x17800] =	vst v63  }
0x17c: {  	s11 =	rddreg [dreg:$0x9]  }
0x17d: {  	[spmem:s2] =	stream.indirect.scatter.add.f32 [tilespmem:s8], [sflag:$0x1], $0x80, s11, s12, $0xb8;
	[tilespmem:$0x17800] =	vst v63  }
0x17e: {  	s14 =	rddreg [dreg:$0xa]  }
0x17f: {  	[spmem:s2] =	stream.indirect.scatter.add.f32 [tilespmem:s8], [sflag:$0x1], $0x80, s14, s12, $0xb8;
	[tilespmem:$0x17800] =	vst v63  }
0x180: {  	_ =	swait.ge [sflag:s13], $0x2800  }
0x181: {  	[sflag:s13] =	ssyncset.done $0x0  }
0x182: {  	[sflag:s13] =	ssyncadd.s32 $0xFFFFD800  }
0x183: {  	_ =	swait.ge [sflag:s13], $0x2800  }
0x184: {  	[sflag:s13] =	ssyncset.done $0x0  }
0x185: {  	[sflag:s13] =	ssyncadd.s32 $0xFFFFD800  }
0x186: {  	_ =	swait.ge [sflag:s13], $0x2800  }
0x187: {  	[sflag:s13] =	ssyncset.done $0x0  }
0x188: {  	[sflag:s13] =	ssyncadd.s32 $0xFFFFD800  }
0x189: {  	_ =	swait.ge [sflag:s13], $0x2800  }
0x18a: {  	[sflag:s13] =	ssyncset.done $0x0  }
0x18b: {  	s11 =	rddreg [dreg:$0xb];
	[sflag:s13] =	ssyncadd.s32 $0xFFFFD800  }
0x18c: {  	[spmem:s2] =	stream.indirect.scatter.add.f32 [tilespmem:s8], [sflag:$0x1], $0x80, s11, s12, $0xb8;
	[tilespmem:$0x17800] =	vst v63  }
0x18d: {  	s14 =	rddreg [dreg:$0xc]  }
0x18e: {  	[spmem:s2] =	stream.indirect.scatter.add.f32 [tilespmem:s8], [sflag:$0x1], $0x80, s14, s12, $0xb8;
	[tilespmem:$0x17800] =	vst v63  }
0x18f: {  	s11 =	simm.s32 $0x500  }
0x190: {  	[spmem:s2] =	stream.indirect.scatter.add.f32 [tilespmem:s8], [sflag:$0x1], $0x80, s11, s12, $0xb8;
	[tilespmem:$0x17800] =	vst v63  }
0x191: {  	_ = 	snop  }
0x192: {  	[spmem:s2] =	stream.indirect.scatter.add.f32 [tilespmem:s8], [sflag:$0x1], $0x80, s15, s12, $0xb8;
	[tilespmem:$0x17800] =	vst v63  }
0x193: {  	_ =	swait.ge [sflag:s13], $0x2800  }
0x194: {  	[sflag:s13] =	ssyncset.done $0x0  }
0x195: {  	[sflag:s13] =	ssyncadd.s32 $0xFFFFD800  }
0x196: {  	_ =	swait.ge [sflag:s13], $0x2800  }
0x197: {  	[sflag:s13] =	ssyncset.done $0x0  }
0x198: {  	[sflag:s13] =	ssyncadd.s32 $0xFFFFD800  }
0x199: {  	_ =	swait.ge [sflag:s13], $0x2800  }
0x19a: {  	[sflag:s13] =	ssyncset.done $0x0  }
0x19b: {  	[sflag:s13] =	ssyncadd.s32 $0xFFFFD800  }
0x19c: {  	_ =	swait.ge [sflag:s13], $0x2800  }
0x19d: {  	[sflag:s13] =	ssyncset.done $0x0  }
0x19e: {  	[sflag:s13] =	ssyncadd.s32 $0xFFFFD800  }
0x19f: {  	[spmem:s2] =	stream.indirect.scatter.add.f32 [tilespmem:s8], [sflag:$0x1], $0x80, s16, s12, $0xb8;
	[tilespmem:$0x17800] =	vst v63  }
0x1a0: {  	_ = 	snop  }
0x1a1: {  	[spmem:s2] =	stream.indirect.scatter.add.f32 [tilespmem:s8], [sflag:$0x1], $0x80, s17, s12, $0xb8;
	[tilespmem:$0x17800] =	vst v63  }
0x1a2: {  	_ = 	snop  }
0x1a3: {  	[spmem:s2] =	stream.indirect.scatter.add.f32 [tilespmem:s8], [sflag:$0x1], $0x80, s18, s12, $0xb8;
	[tilespmem:$0x17800] =	vst v63  }
0x1a4: {  	_ = 	snop  }
0x1a5: {  	[spmem:s2] =	stream.indirect.scatter.add.f32 [tilespmem:s8], [sflag:$0x1], $0x80, s19, s12, $0xb8;
	[tilespmem:$0x17800] =	vst v63  }
0x1a6: {  	_ =	swait.ge [sflag:s13], $0x2800  }
0x1a7: {  	[sflag:s13] =	ssyncset.done $0x0  }
0x1a8: {  	[sflag:s13] =	ssyncadd.s32 $0xFFFFD800  }
0x1a9: {  	_ =	swait.ge [sflag:s13], $0x2800  }
0x1aa: {  	[sflag:s13] =	ssyncset.done $0x0  }
0x1ab: {  	[sflag:s13] =	ssyncadd.s32 $0xFFFFD800  }
0x1ac: {  	_ =	swait.ge [sflag:s13], $0x2800  }
0x1ad: {  	[sflag:s13] =	ssyncset.done $0x0  }
0x1ae: {  	[sflag:s13] =	ssyncadd.s32 $0xFFFFD800  }
0x1af: {  	_ =	swait.ge [sflag:s13], $0x2800  }
0x1b0: {  	[sflag:s13] =	ssyncset.done $0x0  }
0x1b1: {  	[sflag:s13] =	ssyncadd.s32 $0xFFFFD800  }
0x1b2: {  	[spmem:s2] =	stream.indirect.scatter.add.f32 [tilespmem:s8], [sflag:$0x1], $0x80, s20, s12, $0xb8;
	[tilespmem:$0x17800] =	vst v63  }
0x1b3: {  	_ = 	snop  }
0x1b4: {  	[spmem:s2] =	stream.indirect.scatter.add.f32 [tilespmem:s8], [sflag:$0x1], $0x80, s21, s12, $0xb8;
	[tilespmem:$0x17800] =	vst v63  }
0x1b5: {  	_ = 	snop  }
0x1b6: {  	[spmem:s2] =	stream.indirect.scatter.add.f32 [tilespmem:s8], [sflag:$0x1], $0x80, s22, s12, $0xb8;
	[tilespmem:$0x17800] =	vst v63  }
0x1b7: {  	_ = 	snop  }
0x1b8: {  	[spmem:s2] =	stream.indirect.scatter.add.f32 [tilespmem:s8], [sflag:$0x1], $0x80, s23, s12, $0xb8;
	[tilespmem:$0x17800] =	vst v63  }
0x1b9: {  	_ =	swait.ge [sflag:s13], $0x2800  }
0x1ba: {  	[sflag:s13] =	ssyncset.done $0x0  }
0x1bb: {  	[sflag:s13] =	ssyncadd.s32 $0xFFFFD800  }
0x1bc: {  	_ =	swait.ge [sflag:s13], $0x2800  }
0x1bd: {  	[sflag:s13] =	ssyncset.done $0x0  }
0x1be: {  	[sflag:s13] =	ssyncadd.s32 $0xFFFFD800  }
0x1bf: {  	_ =	swait.ge [sflag:s13], $0x2800  }
0x1c0: {  	[sflag:s13] =	ssyncset.done $0x0  }
0x1c1: {  	[sflag:s13] =	ssyncadd.s32 $0xFFFFD800  }
0x1c2: {  	_ =	swait.ge [sflag:s13], $0x2800  }
0x1c3: {  	[sflag:s13] =	ssyncset.done $0x0  }
0x1c4: {  	[sflag:s13] =	ssyncadd.s32 $0xFFFFD800  }
0x1c5: {  	[spmem:s2] =	stream.indirect.scatter.add.f32 [tilespmem:s8], [sflag:$0x1], $0x80, s24, s12, $0xb8;
	[tilespmem:$0x17800] =	vst v63  }
0x1c6: {  	_ = 	snop  }
0x1c7: {  	[spmem:s2] =	stream.indirect.scatter.add.f32 [tilespmem:s8], [sflag:$0x1], $0x80, s25, s12, $0xb8;
	[tilespmem:$0x17800] =	vst v63  }
0x1c8: {  	_ = 	snop  }
0x1c9: {  	[spmem:s2] =	stream.indirect.scatter.add.f32 [tilespmem:s8], [sflag:$0x1], $0x80, s26, s12, $0xb8;
	[tilespmem:$0x17800] =	vst v63  }
0x1ca: {  	_ = 	snop  }
0x1cb: {  	[spmem:s2] =	stream.indirect.scatter.add.f32 [tilespmem:s8], [sflag:$0x1], $0x80, s28, s12, $0xb8;
	[tilespmem:$0x17800] =	vst v63  }
0x1cc: {  	_ =	swait.ge [sflag:s13], $0x2800  }
0x1cd: {  	[sflag:s13] =	ssyncset.done $0x0  }
0x1ce: {  	[sflag:s13] =	ssyncadd.s32 $0xFFFFD800  }
0x1cf: {  	_ =	swait.ge [sflag:s13], $0x2800  }
0x1d0: {  	[sflag:s13] =	ssyncset.done $0x0  }
0x1d1: {  	[sflag:s13] =	ssyncadd.s32 $0xFFFFD800  }
0x1d2: {  	_ =	swait.ge [sflag:s13], $0x2800  }
0x1d3: {  	[sflag:s13] =	ssyncset.done $0x0  }
0x1d4: {  	[sflag:s13] =	ssyncadd.s32 $0xFFFFD800  }
0x1d5: {  	_ =	swait.ge [sflag:s13], $0x2800  }
0x1d6: {  	[sflag:s13] =	ssyncset.done $0x0  }
0x1d7: {  	[sflag:s13] =	ssyncadd.s32 $0xFFFFD800  }
0x1d8: {  	[spmem:s2] =	stream.indirect.scatter.add.f32 [tilespmem:s8], [sflag:$0x1], $0x80, s29, s12, $0xb8;
	[tilespmem:$0x17800] =	vst v63  }
0x1d9: {  	_ = 	snop  }
0x1da: {  	[spmem:s2] =	stream.indirect.scatter.add.f32 [tilespmem:s8], [sflag:$0x1], $0x80, s30, s12, $0xb8;
	[tilespmem:$0x17800] =	vst v63  }
0x1db: {  	_ = 	snop  }
0x1dc: {  	[spmem:s2] =	stream.indirect.scatter.add.f32 [tilespmem:s8], [sflag:$0x1], $0x80, s31, s12, $0xb8;
	[tilespmem:$0x17800] =	vst v63  }
0x1dd: {  	_ = 	snop  }
0x1de: {  	[spmem:s2] =	stream.indirect.scatter.add.f32 [tilespmem:s8], [sflag:$0x1], $0x80, s0, s12, $0xb8;
	[tilespmem:$0x17800] =	vst v63  }
0x1df: {  	_ =	swait.ge [sflag:s13], $0x2800  }
0x1e0: {  	[sflag:s13] =	ssyncset.done $0x0  }
0x1e1: {  	[sflag:s13] =	ssyncadd.s32 $0xFFFFD800  }
0x1e2: {  	_ =	swait.ge [sflag:s13], $0x2800  }
0x1e3: {  	[sflag:s13] =	ssyncset.done $0x0  }
0x1e4: {  	[sflag:s13] =	ssyncadd.s32 $0xFFFFD800  }
0x1e5: {  	_ =	swait.ge [sflag:s13], $0x2800  }
0x1e6: {  	[sflag:s13] =	ssyncset.done $0x0  }
0x1e7: {  	[sflag:s13] =	ssyncadd.s32 $0xFFFFD800  }
0x1e8: {  	_ =	swait.ge [sflag:s13], $0x2800  }
0x1e9: {  	[sflag:s13] =	ssyncset.done $0x0  }
0x1ea: {  	[sflag:s13] =	ssyncadd.s32 $0xFFFFD800  }
0x1eb: {  	[spmem:s2] =	stream.indirect.scatter.add.f32 [tilespmem:s8], [sflag:$0x1], $0x80, s1, s12, $0xb8;
	[tilespmem:$0x17800] =	vst v63  }
0x1ec: {  	_ = 	snop  }
0x1ed: {  	[spmem:s2] =	stream.indirect.scatter.add.f32 [tilespmem:s8], [sflag:$0x1], $0x80, s4, s12, $0xb8;
	[tilespmem:$0x17800] =	vst v63  }
0x1ee: {  	_ = 	snop  }
0x1ef: {  	[spmem:s2] =	stream.indirect.scatter.add.f32 [tilespmem:s8], [sflag:$0x1], $0x80, s5, s12, $0xb8;
	[tilespmem:$0x17800] =	vst v63  }
0x1f0: {  	_ = 	snop  }
0x1f1: {  	[spmem:s2] =	stream.indirect.scatter.add.f32 [tilespmem:s8], [sflag:$0x1], $0x80, s6, s12, $0xb8;
	[tilespmem:$0x17800] =	vst v63  }
0x1f2: {  	_ =	swait.ge [sflag:s13], $0x2800  }
0x1f3: {  	[sflag:s13] =	ssyncset.done $0x0  }
0x1f4: {  	[sflag:s13] =	ssyncadd.s32 $0xFFFFD800  }
0x1f5: {  	_ =	swait.ge [sflag:s13], $0x2800  }
0x1f6: {  	[sflag:s13] =	ssyncset.done $0x0  }
0x1f7: {  	[sflag:s13] =	ssyncadd.s32 $0xFFFFD800  }
0x1f8: {  	_ =	swait.ge [sflag:s13], $0x2800  }
0x1f9: {  	[sflag:s13] =	ssyncset.done $0x0  }
0x1fa: {  	[sflag:s13] =	ssyncadd.s32 $0xFFFFD800  }
0x1fb: {  	_ =	swait.ge [sflag:s13], $0x2800  }
0x1fc: {  	[sflag:s13] =	ssyncset.done $0x0  }
0x1fd: {  	[sflag:s13] =	ssyncadd.s32 $0xFFFFD800  }
0x1fe: {  	[bflag:$0x0] =	sbarrier.arrive $0xFFFF  }
0x1ff: {  	s14 =	rddreg [dreg:$0xf]  }
0x200: {  	s10 =	rddreg [dreg:$0x11]  }
0x201: {  	s11 =	rddreg [dreg:$0x12]  }
0x202: {  	[hbm:s14], [sflag:s10] =	dma.local [spmem:s11], $0x2800  }
0x203: {  	_ =	swait.ge [sflag:s9], $0x2800  }
0x204: {  	s14 =	rddreg [dreg:$0x13]  }
0x205: {  	s7 =	rddreg [dreg:$0x10];
	s14 =	sadd.s32 $0x1, s14  }
0x206: {  	p0 =	sne.s32 s14, s7  }
.Ltmp1:
0x207: {  	_ = 	snop;
	(pc) =	sbr.rel @p0 .LBB2_1-.Ltmp1, $3  }
0x208: {  	_ =	sdelay $0x1  }
0x209: {  	[sflag:s9] =	ssyncset.done $0x0  }
0x20a: {  	[sflag:s9] =	ssyncadd.s32 $0xFFFFD800  }
0x20b: {  	_ =	sfence.sel $0x180000  }
0x20c: {  	[bflag:$0x0] =	sbarrier.arrive $0xFFFF  }
0x20d: {  	_ =	strace $0x90000047  }
0x20e: {  	s0 =	stileid.u32;
	[bflag:$0x2] =	sbarrier.arrive $0xFFFF  }
0x20f: {  	p0 =	sne.s32 s0, $0x0;
	s0 =	rddreg [dreg:$0x2]  }
0x210: {  	s0 =	sadd.s32 @!p0 $0x100000, s0  }
0x211: {  	[sflag:s0] =	ssyncadd.tile.s32 @!p0 $0x1;
	_ =	shalt  }
.Lfunc_end2:
_tile_overlayer_lowered:
.L_overlay_start_2:
0x212: {  	(tag) =	ssettag $0x2  }
0x213: {  	s0 =	rddreg [dreg:$0x0];
	s2 =	stileid.u32  }
0x214: {  	s1 =	rddreg [dreg:$0x1];
	p0 =	sne.s32 s2, $0x0  }
0x215: {  	s3 =	rddreg [dreg:$0x2];
	[bflag:$0x3] =	sbarrier.arrive $0xFFFF;
	s2 =	simm.s32 @!p0 $0x1C02  }
0x216: {  	[timem:s3], [sflag:s2] =	dma.local @!p0 [hbm:s0], s1  }
0x217: {  	s0 =	simm.s32 @!p0 $0x2  }
0x218: {  	_ =	swait.ge @!p0 [sflag:s0], s1  }
0x219: {  	s1 =	ssub.s32 @!p0 $0x0, s1;
	[sflag:s0] =	ssyncset.done @!p0 $0x0  }
0x21a: {  	[sflag:s0] =	ssyncadd.s32 @!p0 s1  }
0x21b: {  	[bflag:$0x3] =	sbarrier.arrive $0xFFFF  }
0x21c: {  	_ =	shalt  }

// kernel: kernel.13.cloned.1.call-start
scs
__scs_entry_jumppad:
0x0: {  	(pc) =	sbr.rel $0x88, $3  }
0x1: {  	(tag) =	ssettag $0x0;
	lr =	simm.s32 $0x1  }
0x2: {  	[smem:$0x3F93] =	sst lr;
	_ =	strace $0xD0000000  }
0x3: {  	_ = 	snop  }
0x4: {  	_ = 	snop  }
0x5: {  	_ = 	snop  }
0x6: {  	_ = 	snop  }
0x7: {  	_ = 	snop  }
__scs_overlays_trampoline_lowered:
0x8: {  	[smem:$0x3FA2] =	sst s0  }
0x9: {  	[smem:$0x3FA3] =	sst s1  }
0xa: {  	[smem:$0x3FA4] =	sst s2  }
0xb: {  	[smem:$0x3FA5] =	sst s3  }
0xc: {  	[smem:$0x3FA6] =	sst s4  }
0xd: {  	[smem:$0x3FA7] =	sst s5  }
0xe: {  	[smem:$0x3FA8] =	sst s6  }
0xf: {  	[smem:$0x3FA9] =	sst s7  }
0x10: {  	[smem:$0x3FAA] =	sst s8  }
0x11: {  	[smem:$0x3FAB] =	sst s9;
	s0 =	simm.s32 @!p0 $0x0  }
0x12: {  	s1 =	sld [smem:$0x3F91];
	s0 =	simm.s32 @p0 $0x1  }
0x13: {  	[smem:$0x3FAC] =	sst s0;
	s0 =	simm.s32 @!p1 $0x0  }
0x14: {  	s2 =	sld [smem:$0x3F90];
	s0 =	simm.s32 @p1 $0x1  }
0x15: {  	[smem:$0x3FAD] =	sst s0;
	s0 =	simm.s32 @!p2 $0x0  }
0x16: {  	s3 =	sld [smem:$0x3FDB];
	s0 =	simm.s32 @p2 $0x1  }
0x17: {  	s4 =	simm.s32 $0x1BF5;
	[smem:$0x3FAF] =	sst s0  }
0x18: {  	s0 =	sld [smem:$0x3F92];
	_ =	swait.ge [sflag:s4], $0x0  }
0x19: {  	s7 =	sld [smem:$0x3F93]  }
0x1a: {  	s8 =	sadd.s32 $0xFFFFE003, lr  }
0x1b: {  	s9 =	sadd.s32 $0xFFFFFEF7, lr;
	s5 =	simm.s32 $0xFFFFFFFF;
	p2 =	slt.u32 s8, $0xFFFFF086  }
0x1c: {  	p1 =	slt.u32 s9, $0xF7A;
	s5 =	simm.s32 @!p2 $0x0  }
0x1d: {  	s5 =	simm.s32 @p1 $0x1;
	p0 =	seq.s32 s7, s2  }
0x1e: {  	s7 =	smul.u32 @!p0 $0xF7A, s2;
	p2 =	seq.s32 @!p0 s5, $0x0  }
0x1f: {  	s9 =	smul.u32 $0xF7A, s1;
	s8 =	simm.s32 @!p0 $0x1BF5;
	p2 =	por !p2, p0  }
0x20: {  	[sflag:s8] =	ssyncset.s32 @!p0 $0xFFFFF086;
	s6 =	sadd.s32 @!p0 s3, s7;
	s7 =	simm.s32 @!p0 $0x108  }
0x21: {  	s3 =	sadd.s32 s3, s9;
	s6 =	sadd.s32 @!p0 $0x88, s6;
	s7 =	simm.s32 @p2 $0x1082  }
0x22: {  	[simem:s7], [sflag:s8] =	dma.local @!p0 [hbm:s6], $0xF7A  }
0x23: {  	s9 =	sor.u32 $0xD0000000, s2;
	s6 =	simm.s32 $0x108;
	_ =	swait.ge @!p0 [sflag:s8], $0x0  }
0x24: {  	s3 =	sadd.s32 $0x88, s3;
	s6 =	simm.s32 @!p1 $0x1082;
	[sflag:s4] =	ssyncset.s32 $0xFFFFF086  }
0x25: {  	[simem:s6], [sflag:s4] =	dma.local [hbm:s3], $0xF7A  }
0x26: {  	[smem:$0x3F93] =	sst s1;
	(tag) =	ssettag s2;
	_ =	strace s9  }
0x27: {  	s1 =	sld [smem:$0x3FA3]  }
0x28: {  	s2 =	sld [smem:$0x3FA4]  }
0x29: {  	s4 =	sld [smem:$0x3FA6]  }
0x2a: {  	p0 =	seq.s32 s5, $0x0;
	s5 =	sld [smem:$0x3FA7]  }
0x2b: {  	s6 =	sld [smem:$0x3FA8]  }
0x2c: {  	s7 =	sld [smem:$0x3FA9]  }
0x2d: {  	s3 =	simm.s32 $0x108;
	s8 =	sld [smem:$0x3FAA]  }
0x2e: {  	s3 =	simm.s32 @!p0 $0x1082;
	s9 =	sld [smem:$0x3FAB]  }
0x2f: {  	lr =	sadd.s32 s0, s3;
	s0 =	sld [smem:$0x3FA2]  }
0x30: {  	s3 =	sld [smem:$0x3FA5]  }
0x31: {  	[smem:$0x3FAE] =	sst s10  }
0x32: {  	s10 =	sld [smem:$0x3FAC];
	_ =	sdelay $0x3  }
0x33: {  	p0 =	seq.s32 s10, $0x1;
	s10 =	sld [smem:$0x3FAE];
	_ =	sdelay $0x3  }
0x34: {  	[smem:$0x3FAE] =	sst s10  }
0x35: {  	s10 =	sld [smem:$0x3FAD];
	_ =	sdelay $0x3  }
0x36: {  	p1 =	seq.s32 s10, $0x1;
	s10 =	sld [smem:$0x3FAE];
	_ =	sdelay $0x3  }
0x37: {  	[smem:$0x3FAE] =	sst s10  }
0x38: {  	s10 =	sld [smem:$0x3FAF]  }
0x39: {  	_ = 	snop;
	(pc) =	sbr.ind lr, $3  }
0x3a: {  	_ = 	snop  }
0x3b: {  	_ = 	snop  }
0x3c: {  	p2 =	seq.s32 s10, $0x1;
	s10 =	sld [smem:$0x3FAE]  }
0x3d: {  	_ =	shalt  }
0x3e: {  	_ =	shalt  }
0x3f: {  	_ =	shalt  }
0x40: {  	_ =	shalt  }
0x41: {  	_ =	shalt  }
0x42: {  	_ =	shalt  }
0x43: {  	_ =	shalt  }
0x44: {  	_ =	shalt  }
0x45: {  	_ =	shalt  }
0x46: {  	_ =	shalt  }
0x47: {  	_ =	shalt  }
0x48: {  	_ =	shalt  }
0x49: {  	_ =	shalt  }
0x4a: {  	_ =	shalt  }
0x4b: {  	_ =	shalt  }
0x4c: {  	_ =	shalt  }
0x4d: {  	_ =	shalt  }
0x4e: {  	_ =	shalt  }
0x4f: {  	_ =	shalt  }
0x50: {  	_ =	shalt  }
0x51: {  	_ =	shalt  }
0x52: {  	_ =	shalt  }
0x53: {  	_ =	shalt  }
0x54: {  	_ =	shalt  }
0x55: {  	_ =	shalt  }
0x56: {  	_ =	shalt  }
0x57: {  	_ =	shalt  }
0x58: {  	_ =	shalt  }
0x59: {  	_ =	shalt  }
0x5a: {  	_ =	shalt  }
0x5b: {  	_ =	shalt  }
0x5c: {  	_ =	shalt  }
0x5d: {  	_ =	shalt  }
0x5e: {  	_ =	shalt  }
0x5f: {  	_ =	shalt  }
0x60: {  	_ =	shalt  }
0x61: {  	_ =	shalt  }
0x62: {  	_ =	shalt  }
0x63: {  	_ =	shalt  }
0x64: {  	_ =	shalt  }
0x65: {  	_ =	shalt  }
0x66: {  	_ =	shalt  }
0x67: {  	_ =	shalt  }
0x68: {  	_ =	shalt  }
0x69: {  	_ =	shalt  }
0x6a: {  	_ =	shalt  }
0x6b: {  	_ =	shalt  }
0x6c: {  	_ =	shalt  }
0x6d: {  	_ =	shalt  }
0x6e: {  	_ =	shalt  }
0x6f: {  	_ =	shalt  }
0x70: {  	_ =	shalt  }
0x71: {  	_ =	shalt  }
0x72: {  	_ =	shalt  }
0x73: {  	_ =	shalt  }
0x74: {  	_ =	shalt  }
0x75: {  	_ =	shalt  }
0x76: {  	_ =	shalt  }
0x77: {  	_ =	shalt  }
0x78: {  	_ =	shalt  }
0x79: {  	_ =	shalt  }
0x7a: {  	_ =	shalt  }
0x7b: {  	_ =	shalt  }
0x7c: {  	_ =	shalt  }
0x7d: {  	_ =	shalt  }
0x7e: {  	_ =	shalt  }
0x7f: {  	_ =	shalt  }
0x80: {  	_ =	shalt  }
0x81: {  	_ =	shalt  }
0x82: {  	_ =	shalt  }
0x83: {  	_ =	shalt  }
0x84: {  	_ =	shalt  }
0x85: {  	_ =	shalt  }
0x86: {  	_ =	shalt  }
0x87: {  	_ =	shalt  }
.Lfunc_end0:
.L_simem_size_0:
called_computation.1_lowered:
.L_overlay_start_0:
0x88: {  	s2 =	sld [smem:$0x3FD9]  }
0x89: {  	s3 =	sld [smem:$0x3FFE];
	_ =	sdelay $0x1  }
0x8a: {  	s1 =	srdreg.scid  }
0x8b: {  	s0 =	sand.u32 $0x1, s1  }
0x8c: {  	s16 =	sshll.u32 s0, $0xA;
	s2 =	sadd.s32 s3, s2  }
0x8d: {  	s2 =	sadd.s32 s2, s16  }
0x8e: {  	[smem:$0x3FBA] =	sst s2  }
0x8f: {  	_ = 	snop  }
0x90: {  	(tm) =	ssettm $0x1  }
0x91: {  	s17 =	sld [smem:$0x3FFB];
	_ =	sdelay $0x3  }
0x92: {  	_ =	strace s17  }
0x93: {  	s2 =	sld [smem:$0x3FFC];
	_ =	sdelay $0x3  }
0x94: {  	_ =	strace s2  }
0x95: {  	s2 =	sld [smem:$0x3FFD];
	_ =	sdelay $0x3  }
0x96: {  	_ =	strace s2  }
0x97: {  	_ =	strace $0x8FFFFFFF  }
0x98: {  	s18 =	sld [smem:$0x3FDB];
	_ =	sdelay $0x1  }
0x99: {  	s19 =	simm.s32 $_scs_section_size  }
0x9a: {  	s4 =	simm.s32 $_size__tile_overlayer_lowered;
	s5 =	simm.s32 $_tile_overlayer_lowered  }
0x9b: {  	s22 =	simm.s32 $0x1BFF;
	s21 =	sshll.u32 s5, $0x1;
	s2 =	sadd.s32 s19, s18  }
0x9c: {  	s6 =	simm.s32 $0x0;
	s20 =	sshll.u32 s4, $0x1;
	s4 =	sadd.s32 s21, s2  }
0x9d: {  	[timem:s6], [sflag:s22] =	dma.local [hbm:s4], s20  }
0x9e: {  	_ =	swait.ge [sflag:s22], s20  }
0x9f: {  	s3 =	ssub.s32 $0x0, s20;
	[sflag:s22] =	ssyncset.done $0x0  }
0xa0: {  	[sflag:s22] =	ssyncadd.s32 s3;
	_ =	sdelay $0x1  }
0xa1: {  	s23 =	simm.s32 $0x1B8B  }
0xa2: {  	_ =	swait.ge [sflag:s23], $0x1  }
0xa3: {  	[sflag:s23] =	ssyncset.done $0x0  }
0xa4: {  	s25 =	simm.s32 $0x1B8E;
	s24 =	sld [smem:$0x3FFE];
	[sflag:s23] =	ssyncadd.s32 $0xFFFFFFFF  }
0xa5: {  	s26 =	simm.s32 $execute0_lowered;
	[smem:$0x3FD2] =	sst s25  }
0xa6: {  	s4 =	sshll.u32 s26, $0x1;
	_ =	strace $0x80000049;
	[dreg:$0x1] =	wrdreg $0xFFFFFFFF  }
0xa7: {  	s28 =	simm.s32 $_size_execute0_lowered;
	s2 =	sadd.s32 s2, s4;
	[dreg:$0x0] =	wrdreg $0x0  }
0xa8: {  	s4 =	sshll.u32 s28, $0x1;
	[dreg:$0x2] =	wrdreg s2  }
0xa9: {  	[dreg:$0x3] =	wrdreg s4  }
0xaa: {  	[dreg:$0x4] =	wrdreg $0xC0  }
0xab: {  	_ =	task [dreg:s6], $0x5FFFF  }
0xac: {  	[dreg:$0x1] =	wrdreg $0xFFFFFFFF  }
0xad: {  	[dreg:$0x0] =	wrdreg $0x60  }
0xae: {  	[dreg:$0x2] =	wrdreg s24  }
0xaf: {  	[dreg:$0x3] =	wrdreg $0xA4000  }
0xb0: {  	[dreg:$0x4] =	wrdreg $0x9  }
0xb1: {  	_ =	task.clear_ibuf [dreg:s6], $0x5FFFF;
	_ =	strace $0x90000049  }
0xb2: {  	s29 =	simm.s32 $0x9;
	_ =	strace $0x8000004B  }
0xb3: {  	_ =	swait.ge [sflag:s29], $0x1  }
0xb4: {  	[sflag:s29] =	ssyncadd.s32 $0xFFFFFFFF  }
0xb5: {  	_ =	strace $0x9000004B  }
0xb6: {  	_ =	sfence  }
0xb7: {  	s30 =	sld [smem:$0x0];
	_ =	sdelay $0x2  }
0xb8: {  	s31 =	sshll.u32 s1, $0xD;
	s1 =	sshrl.u32 s1, $0x2  }
0xb9: {  	s3 =	sand.u32 $0x4000, s31;
	s1 =	sadd.s32 s1, s30  }
0xba: {  	s0 =	sor.u32 s3, s0;
	s1 =	sshll.u32 s1, $0x11  }
0xbb: {  	s0 =	sor.u32 s1, s0  }
0xbc: {  	s0 =	sadd.s32 $0x8F2B, s0  }
0xbd: {  	[sflag:s0] =	ssyncadd.remote.s32 $0x1  }
0xbe: {  	_ =	sfence.sel $0xFFFF  }
0xbf: {  	[dreg:$0x0] =	wrdreg $0xFFFFFFFF;
	(pc) =	sbr.abs _section_cstart, $3  }
0xc0: {  	[dreg:$0x1] =	wrdreg $0xFFFFFFFF  }
0xc1: {  	_ =	task.clear_ibuf [dreg:s6], $0x2FFFF;
	_ =	strace $0x9FFFFFFF  }
0xc2: {  	(tm) =	ssettm $0x7FFFFFFF  }
0xc3: {  	_ =	shalt  }
tec
execute0_lowered:
.L_overlay_start_1:
0x0: {  	(tag) =	ssettag $0x1  }
0x1: {  	s0 =	rddreg [dreg:$0x0]  }
0x2: {  	s2 =	rddreg [dreg:$0x1];
	s3 =	simm.s32 $0x0;
	s12 =	stileid.u32  }
0x3: {  	s5 =	srdreg.scid;
	s13 =	simm.s32 $0x50;
	s14 =	simm.s32 $0x400  }
0x4: {  	s15 =	simm.s32 $0x100;
	s16 =	simm.s32 $0x2C00;
	s17 =	simm.s32 $0x200  }
0x5: {  	s18 =	simm.s32 $0x5400;
	s19 =	simm.s32 $0x300;
	s28 =	simm.s32 $0x4  }
0x6: {  	s29 =	simm.s32 $0x380;
	s30 =	simm.s32 $0x5;
	s31 =	simm.s32 $0x0  }
0x7: {  	[smem:$0x7FF] =	sst s3;
	s1 =	smul.u32 $0x2800, s12;
	s4 =	sadd.s32 $0x3DA00, s0  }
0x8: {  	s10 =	sadd.s32 $0x8DA00, s0;
	s5 =	sand.u32 $0x1, s5;
	s11 =	smul.u32 $0x50000, s12  }
0x9: {  	s24 =	sshll.u32 s12, $0x6;
	_ =	strace $0x8000004A;
	s7 =	smul.u32 $0x28000, s5  }
0xa: {  	s8 =	sshll.u32 s5, $0x4;
	s9 =	ssub.s32 $0x2, s5;
	s5 =	smul.u32 $0xFA00, s5  }
0xb: {  	s6 =	sadd.s32 s1, s0;
	s8 =	sor.u32 s12, s8;
	s20 =	sshrl.u32 s9, $0x1  }
0xc: {  	s22 =	sshrl.u32 s11, $0x2;
	s12 =	smul.u32 $0xFA0, s12;
	s1 =	sadd.s32 s1, s7  }
0xd: {  	s8 =	smul.u32 $0x7D00, s8;
	s21 =	ssub.s32 s9, s20;
	s11 =	sadd.s32 s22, s2  }
0xe: {  	s6 =	sadd.s32 $0x15A00, s6;
	s26 =	sadd.s32 s5, s10;
	s20 =	simm.s32 $0x7C00  }
0xf: {  	s22 =	simm.s32 $0x80;
	s0 =	sadd.s32 s1, s0;
	[dreg:$0x3] =	wrdreg s6  }
0x10: {  	s6 =	sor.u32 $0x1C06, s24;
	s9 =	smax.u32 s21, $0x1;
	s11 =	sshrl.u32 s11, $0x3  }
0x11: {  	s21 =	simm.s32 $0x1;
	s24 =	simm.s32 $0x180;
	s23 =	sshrl.u32 s8, $0x3  }
0x12: {  	s8 =	sadd.s32 s10, s23;
	s10 =	sadd.s32 s12, s26;
	s12 =	simm.s32 $0x6  }
0x13: {  	s23 =	simm.s32 $0x2;
	s26 =	simm.s32 $0x280;
	s25 =	sadd.s32 $0xF80, s8  }
0x14: {  	s8 =	sadd.s32 $0xACE00, s0;
	[dreg:$0x4] =	wrdreg s25;
	s25 =	simm.s32 $0x3  }
.LBB2_1:
0x15: {  	s0 =	rddreg [dreg:$0x3]  }
0x16: {  	[spmem:s11], [sflag:s6] =	dma.local [hbm:s0], $0x2800  }
0x17: {  	_ =	swait.ge [sflag:s12], $0x2800  }
0x18: {  	[sflag:s12] =	ssyncset.done $0x0  }
0x19: {  	[sflag:s12] =	ssyncadd.s32 $0xFFFFD800  }
0x1a: {  	s5 =	sadd.s32 $0x0, s10;
	[bflag:$0x0] =	sbarrier.arrive $0xFFFF  }
0x1b: {  	[tilespmem:s3], [sflag:$0x6] =	stream.linear.gather [hbm4b:s5+s3], $0x100, $0x38;
	[tilespmem:$0x1E400] =	vst v63  }
0x1c: {  	_ =	swait.ge [sflag:s12], $0x100  }
0x1d: {  	[sflag:s12] =	ssyncset.done $0x0  }
0x1e: {  	[sflag:s12] =	ssyncadd.s32 $0xFFFFFF00  }
0x1f: {  	[tilespmem:s14], [sflag:$0x1] =	stream.indirect.gather [hbm4b:s4+s13], $0x80, s3, s13, $0xb8;
	[tilespmem:$0x1E400] =	vst v63  }
0x20: {  	s1 =	sadd.s32 $0x20, s5  }
0x21: {  	[tilespmem:s15], [sflag:$0x6] =	stream.linear.gather [hbm4b:s1+s3], $0x100, $0x38;
	[tilespmem:$0x1E400] =	vst v63  }
0x22: {  	_ =	swait.ge [sflag:s12], $0x100  }
0x23: {  	[sflag:s12] =	ssyncset.done $0x0  }
0x24: {  	[sflag:s12] =	ssyncadd.s32 $0xFFFFFF00  }
0x25: {  	[tilespmem:s16], [sflag:$0x2] =	stream.indirect.gather [hbm4b:s4+s13], $0x80, s15, s13, $0xb8;
	[tilespmem:$0x1E400] =	vst v63  }
0x26: {  	s7 =	sadd.s32 $0x40, s5  }
0x27: {  	[tilespmem:s17], [sflag:$0x6] =	stream.linear.gather [hbm4b:s7+s3], $0x100, $0x38;
	[tilespmem:$0x1E400] =	vst v63  }
0x28: {  	_ =	swait.ge [sflag:s12], $0x100  }
0x29: {  	[sflag:s12] =	ssyncset.done $0x0  }
0x2a: {  	[sflag:s12] =	ssyncadd.s32 $0xFFFFFF00  }
0x2b: {  	[tilespmem:s18], [sflag:$0x3] =	stream.indirect.gather [hbm4b:s4+s13], $0x80, s17, s13, $0xb8;
	[tilespmem:$0x1E400] =	vst v63  }
0x2c: {  	s0 =	sadd.s32 $0x60, s5  }
0x2d: {  	[tilespmem:s19], [sflag:$0x6] =	stream.linear.gather [hbm4b:s0+s3], $0x100, $0x38;
	[tilespmem:$0x1E400] =	vst v63  }
0x2e: {  	_ =	swait.ge [sflag:s12], $0x100  }
0x2f: {  	[sflag:s12] =	ssyncset.done $0x0  }
0x30: {  	[sflag:s12] =	ssyncadd.s32 $0xFFFFFF00  }
0x31: {  	[tilespmem:s20], [sflag:$0x4] =	stream.indirect.gather [hbm4b:s4+s13], $0x80, s19, s13, $0xb8;
	[tilespmem:$0x1E400] =	vst v63  }
0x32: {  	_ =	swait.ge [sflag:s21], $0x2800  }
0x33: {  	[sflag:s21] =	ssyncset.done $0x0  }
0x34: {  	[sflag:s21] =	ssyncadd.s32 $0xFFFFD800  }
0x35: {  	[spmem:s2] =	stream.indirect.scatter.add.f32 [tilespmem:s14], [sflag:$0x5], $0x80, s22, s13, $0xb8;
	[tilespmem:$0x1E400] =	vst v63  }
0x36: {  	_ =	swait.ge [sflag:s23], $0x2800  }
0x37: {  	[sflag:s23] =	ssyncset.done $0x0  }
0x38: {  	[sflag:s23] =	ssyncadd.s32 $0xFFFFD800  }
0x39: {  	[spmem:s2] =	stream.indirect.scatter.add.f32 [tilespmem:s16], [sflag:$0x5], $0x80, s24, s13, $0xb8;
	[tilespmem:$0x1E400] =	vst v63  }
0x3a: {  	_ =	swait.ge [sflag:s25], $0x2800  }
0x3b: {  	[sflag:s25] =	ssyncset.done $0x0  }
0x3c: {  	[sflag:s25] =	ssyncadd.s32 $0xFFFFD800  }
0x3d: {  	[spmem:s2] =	stream.indirect.scatter.add.f32 [tilespmem:s18], [sflag:$0x5], $0x80, s26, s13, $0xb8;
	[tilespmem:$0x1E400] =	vst v63  }
0x3e: {  	_ =	swait.ge [sflag:s28], $0x2800  }
0x3f: {  	[sflag:s28] =	ssyncset.done $0x0  }
0x40: {  	[sflag:s28] =	ssyncadd.s32 $0xFFFFD800  }
0x41: {  	[spmem:s2] =	stream.indirect.scatter.add.f32 [tilespmem:s20], [sflag:$0x5], $0x80, s29, s13, $0xb8;
	[tilespmem:$0x1E400] =	vst v63  }
0x42: {  	_ =	swait.ge [sflag:s30], $0x2800  }
0x43: {  	[sflag:s30] =	ssyncset.done $0x0  }
0x44: {  	[sflag:s30] =	ssyncadd.s32 $0xFFFFD800  }
0x45: {  	_ =	swait.ge [sflag:s30], $0x2800  }
0x46: {  	[sflag:s30] =	ssyncset.done $0x0  }
0x47: {  	[sflag:s30] =	ssyncadd.s32 $0xFFFFD800  }
0x48: {  	_ =	swait.ge [sflag:s30], $0x2800  }
0x49: {  	[sflag:s30] =	ssyncset.done $0x0  }
0x4a: {  	[sflag:s30] =	ssyncadd.s32 $0xFFFFD800  }
0x4b: {  	_ =	swait.ge [sflag:s30], $0x2800  }
0x4c: {  	s1 =	simm.s32 $0x100;
	s0 =	simm.s32 $0x80;
	[sflag:s30] =	ssyncset.done $0x0  }
.LBB2_2:
0x4d: {  	s7 =	sadd.s32 s0, s10  }
0x4e: {  	[sflag:s30] =	ssyncadd.s32 $0xFFFFD800;
	s0 =	smov.u32 s1;
	s5 =	sadd.s32 $0x80, s1  }
0x4f: {  	[tilespmem:s3], [sflag:$0x6] =	stream.linear.gather [hbm4b:s7+s3], $0x100, $0x38;
	[tilespmem:$0x1E400] =	vst v63  }
0x50: {  	p0 =	sne.s32 s1, $0xF00;
	_ =	swait.ge [sflag:s12], $0x100  }
0x51: {  	[sflag:s12] =	ssyncset.done $0x0  }
0x52: {  	[sflag:s12] =	ssyncadd.s32 $0xFFFFFF00  }
0x53: {  	[tilespmem:s14], [sflag:$0x1] =	stream.indirect.gather [hbm4b:s4+s13], $0x80, s3, s13, $0xb8;
	[tilespmem:$0x1E400] =	vst v63  }
0x54: {  	s1 =	sadd.s32 $0x20, s7  }
0x55: {  	[tilespmem:s15], [sflag:$0x6] =	stream.linear.gather [hbm4b:s1+s3], $0x100, $0x38;
	[tilespmem:$0x1E400] =	vst v63  }
0x56: {  	_ =	swait.ge [sflag:s12], $0x100  }
0x57: {  	[sflag:s12] =	ssyncset.done $0x0  }
0x58: {  	[sflag:s12] =	ssyncadd.s32 $0xFFFFFF00  }
0x59: {  	[tilespmem:s16], [sflag:$0x2] =	stream.indirect.gather [hbm4b:s4+s13], $0x80, s15, s13, $0xb8;
	[tilespmem:$0x1E400] =	vst v63  }
0x5a: {  	s1 =	sadd.s32 $0x40, s7  }
0x5b: {  	[tilespmem:s17], [sflag:$0x6] =	stream.linear.gather [hbm4b:s1+s3], $0x100, $0x38;
	[tilespmem:$0x1E400] =	vst v63  }
0x5c: {  	_ =	swait.ge [sflag:s12], $0x100  }
0x5d: {  	[sflag:s12] =	ssyncset.done $0x0  }
0x5e: {  	[sflag:s12] =	ssyncadd.s32 $0xFFFFFF00  }
0x5f: {  	[tilespmem:s18], [sflag:$0x3] =	stream.indirect.gather [hbm4b:s4+s13], $0x80, s17, s13, $0xb8;
	[tilespmem:$0x1E400] =	vst v63  }
0x60: {  	s1 =	sadd.s32 $0x60, s7  }
0x61: {  	[tilespmem:s19], [sflag:$0x6] =	stream.linear.gather [hbm4b:s1+s3], $0x100, $0x38;
	[tilespmem:$0x1E400] =	vst v63  }
0x62: {  	_ =	swait.ge [sflag:s12], $0x100  }
0x63: {  	[sflag:s12] =	ssyncset.done $0x0  }
0x64: {  	[sflag:s12] =	ssyncadd.s32 $0xFFFFFF00  }
0x65: {  	[tilespmem:s20], [sflag:$0x4] =	stream.indirect.gather [hbm4b:s4+s13], $0x80, s19, s13, $0xb8;
	[tilespmem:$0x1E400] =	vst v63  }
0x66: {  	_ =	swait.ge [sflag:s21], $0x2800  }
0x67: {  	[sflag:s21] =	ssyncset.done $0x0  }
0x68: {  	[sflag:s21] =	ssyncadd.s32 $0xFFFFD800  }
0x69: {  	[spmem:s2] =	stream.indirect.scatter.add.f32 [tilespmem:s14], [sflag:$0x5], $0x80, s22, s13, $0xb8;
	[tilespmem:$0x1E400] =	vst v63  }
0x6a: {  	_ =	swait.ge [sflag:s23], $0x2800  }
0x6b: {  	[sflag:s23] =	ssyncset.done $0x0  }
0x6c: {  	[sflag:s23] =	ssyncadd.s32 $0xFFFFD800  }
0x6d: {  	[spmem:s2] =	stream.indirect.scatter.add.f32 [tilespmem:s16], [sflag:$0x5], $0x80, s24, s13, $0xb8;
	[tilespmem:$0x1E400] =	vst v63  }
0x6e: {  	_ =	swait.ge [sflag:s25], $0x2800  }
0x6f: {  	[sflag:s25] =	ssyncset.done $0x0  }
0x70: {  	[sflag:s25] =	ssyncadd.s32 $0xFFFFD800  }
0x71: {  	[spmem:s2] =	stream.indirect.scatter.add.f32 [tilespmem:s18], [sflag:$0x5], $0x80, s26, s13, $0xb8;
	[tilespmem:$0x1E400] =	vst v63  }
0x72: {  	_ =	swait.ge [sflag:s28], $0x2800  }
0x73: {  	[sflag:s28] =	ssyncset.done $0x0  }
0x74: {  	[sflag:s28] =	ssyncadd.s32 $0xFFFFD800  }
0x75: {  	[spmem:s2] =	stream.indirect.scatter.add.f32 [tilespmem:s20], [sflag:$0x5], $0x80, s29, s13, $0xb8;
	[tilespmem:$0x1E400] =	vst v63  }
0x76: {  	_ =	swait.ge [sflag:s30], $0x2800  }
0x77: {  	[sflag:s30] =	ssyncset.done $0x0  }
0x78: {  	[sflag:s30] =	ssyncadd.s32 $0xFFFFD800  }
0x79: {  	_ =	swait.ge [sflag:s30], $0x2800  }
0x7a: {  	[sflag:s30] =	ssyncset.done $0x0  }
0x7b: {  	[sflag:s30] =	ssyncadd.s32 $0xFFFFD800  }
.Ltmp0:
0x7c: {  	_ =	swait.ge [sflag:s30], $0x2800;
	(pc) =	sbr.rel @p0 .LBB2_2-.Ltmp0, $4  }
0x7d: {  	[sflag:s30] =	ssyncset.done $0x0  }
0x7e: {  	[sflag:s30] =	ssyncadd.s32 $0xFFFFD800  }
0x7f: {  	_ =	swait.ge [sflag:s30], $0x2800  }
0x80: {  	s1 =	smov.u32 s5;
	[sflag:s30] =	ssyncset.done $0x0  }
0x81: {  	s0 =	sadd.s32 s0, s10;
	[sflag:s30] =	ssyncadd.s32 $0xFFFFD800  }
0x82: {  	[tilespmem:s3], [sflag:$0x6] =	stream.linear.gather [hbm4b:s0+s3], $0x100, $0x38;
	[tilespmem:$0x1E400] =	vst v63  }
0x83: {  	_ =	swait.ge [sflag:s12], $0x100  }
0x84: {  	[sflag:s12] =	ssyncset.done $0x0  }
0x85: {  	[sflag:s12] =	ssyncadd.s32 $0xFFFFFF00  }
0x86: {  	[tilespmem:s14], [sflag:$0x1] =	stream.indirect.gather [hbm4b:s4+s13], $0x80, s3, s13, $0xb8;
	[tilespmem:$0x1E400] =	vst v63  }
0x87: {  	s1 =	sadd.s32 $0x20, s0  }
0x88: {  	[tilespmem:s15], [sflag:$0x6] =	stream.linear.gather [hbm4b:s1+s3], $0x100, $0x38;
	[tilespmem:$0x1E400] =	vst v63  }
0x89: {  	_ =	swait.ge [sflag:s12], $0x100  }
0x8a: {  	[sflag:s12] =	ssyncset.done $0x0  }
0x8b: {  	[sflag:s12] =	ssyncadd.s32 $0xFFFFFF00  }
0x8c: {  	[tilespmem:s16], [sflag:$0x2] =	stream.indirect.gather [hbm4b:s4+s13], $0x80, s15, s13, $0xb8;
	[tilespmem:$0x1E400] =	vst v63  }
0x8d: {  	s5 =	sadd.s32 $0x40, s0  }
0x8e: {  	[tilespmem:s17], [sflag:$0x6] =	stream.linear.gather [hbm4b:s5+s3], $0x100, $0x38;
	[tilespmem:$0x1E400] =	vst v63  }
0x8f: {  	_ =	swait.ge [sflag:s12], $0x100  }
0x90: {  	[sflag:s12] =	ssyncset.done $0x0  }
0x91: {  	[sflag:s12] =	ssyncadd.s32 $0xFFFFFF00  }
0x92: {  	[tilespmem:s18], [sflag:$0x3] =	stream.indirect.gather [hbm4b:s4+s13], $0x80, s17, s13, $0xb8;
	[tilespmem:$0x1E400] =	vst v63  }
0x93: {  	s0 =	sadd.s32 $0x60, s0  }
0x94: {  	[tilespmem:s19], [sflag:$0x6] =	stream.linear.gather [hbm4b:s0+s3], $0x100, $0x38;
	[tilespmem:$0x1E400] =	vst v63  }
0x95: {  	_ =	swait.ge [sflag:s12], $0x100  }
0x96: {  	[sflag:s12] =	ssyncset.done $0x0  }
0x97: {  	[sflag:s12] =	ssyncadd.s32 $0xFFFFFF00  }
0x98: {  	[tilespmem:s20], [sflag:$0x4] =	stream.indirect.gather [hbm4b:s4+s13], $0x80, s19, s13, $0xb8;
	[tilespmem:$0x1E400] =	vst v63  }
0x99: {  	_ =	swait.ge [sflag:s21], $0x2800  }
0x9a: {  	[sflag:s21] =	ssyncset.done $0x0  }
0x9b: {  	[sflag:s21] =	ssyncadd.s32 $0xFFFFD800  }
0x9c: {  	[spmem:s2] =	stream.indirect.scatter.add.f32 [tilespmem:s14], [sflag:$0x5], $0x80, s22, s13, $0xb8;
	[tilespmem:$0x1E400] =	vst v63  }
0x9d: {  	_ =	swait.ge [sflag:s23], $0x2800  }
0x9e: {  	[sflag:s23] =	ssyncset.done $0x0  }
0x9f: {  	[sflag:s23] =	ssyncadd.s32 $0xFFFFD800  }
0xa0: {  	[spmem:s2] =	stream.indirect.scatter.add.f32 [tilespmem:s16], [sflag:$0x5], $0x80, s24, s13, $0xb8;
	[tilespmem:$0x1E400] =	vst v63  }
0xa1: {  	_ =	swait.ge [sflag:s25], $0x2800  }
0xa2: {  	[sflag:s25] =	ssyncset.done $0x0  }
0xa3: {  	[sflag:s25] =	ssyncadd.s32 $0xFFFFD800  }
0xa4: {  	[spmem:s2] =	stream.indirect.scatter.add.f32 [tilespmem:s18], [sflag:$0x5], $0x80, s26, s13, $0xb8;
	[tilespmem:$0x1E400] =	vst v63  }
0xa5: {  	_ =	swait.ge [sflag:s28], $0x2800  }
0xa6: {  	[sflag:s28] =	ssyncset.done $0x0  }
0xa7: {  	[sflag:s28] =	ssyncadd.s32 $0xFFFFD800  }
0xa8: {  	[spmem:s2] =	stream.indirect.scatter.add.f32 [tilespmem:s20], [sflag:$0x5], $0x80, s29, s13, $0xb8;
	[tilespmem:$0x1E400] =	vst v63  }
0xa9: {  	_ =	swait.ge [sflag:s30], $0x2800  }
0xaa: {  	[sflag:s30] =	ssyncset.done $0x0  }
0xab: {  	[sflag:s30] =	ssyncadd.s32 $0xFFFFD800  }
0xac: {  	_ =	swait.ge [sflag:s30], $0x2800  }
0xad: {  	[sflag:s30] =	ssyncset.done $0x0  }
0xae: {  	[sflag:s30] =	ssyncadd.s32 $0xFFFFD800  }
0xaf: {  	_ =	swait.ge [sflag:s30], $0x2800  }
0xb0: {  	[sflag:s30] =	ssyncset.done $0x0  }
0xb1: {  	[sflag:s30] =	ssyncadd.s32 $0xFFFFD800  }
0xb2: {  	_ =	swait.ge [sflag:s30], $0x2800  }
0xb3: {  	[sflag:s30] =	ssyncset.done $0x0  }
0xb4: {  	s7 =	rddreg [dreg:$0x4];
	[sflag:s30] =	ssyncadd.s32 $0xFFFFD800  }
0xb5: {  	[tilespmem:s3], [sflag:$0x6] =	stream.linear.gather [hbm4b:s7+s3], $0x100, $0x38;
	[tilespmem:$0x1E400] =	vst v63  }
0xb6: {  	_ =	swait.ge [sflag:s12], $0x100  }
0xb7: {  	[sflag:s12] =	ssyncset.done $0x0  }
0xb8: {  	[sflag:s12] =	ssyncadd.s32 $0xFFFFFF00  }
0xb9: {  	[tilespmem:s14], [sflag:$0x1] =	stream.indirect.gather [hbm4b:s4+s13], $0x80, s3, s13, $0xb8;
	[tilespmem:$0x1E400] =	vst v63  }
0xba: {  	_ =	swait.ge [sflag:s21], $0x2800  }
0xbb: {  	[sflag:s21] =	ssyncset.done $0x0  }
0xbc: {  	[sflag:s21] =	ssyncadd.s32 $0xFFFFD800  }
0xbd: {  	[spmem:s2] =	stream.indirect.scatter.add.f32 [tilespmem:s14], [sflag:$0x6], $0x80, s22, s13, $0xb8;
	[tilespmem:$0x1E400] =	vst v63  }
0xbe: {  	_ =	swait.ge [sflag:s12], $0x2800  }
0xbf: {  	s31 =	sadd.s32 $0x1, s31;
	[sflag:s12] =	ssyncset.done $0x0  }
0xc0: {  	p0 =	sne.s32 s31, s9;
	[sflag:s12] =	ssyncadd.s32 $0xFFFFD800  }
.Ltmp1:
0xc1: {  	[bflag:$0x0] =	sbarrier.arrive $0xFFFF;
	(pc) =	sbr.rel @p0 .LBB2_1-.Ltmp1, $4  }
0xc2: {  	[hbm:s8], [sflag:s6] =	dma.local [spmem:s11], $0x2800  }
0xc3: {  	_ =	swait.ge [sflag:s12], $0x2800  }
0xc4: {  	[sflag:s12] =	ssyncset.done $0x0  }
0xc5: {  	[sflag:s12] =	ssyncadd.s32 $0xFFFFD800  }
0xc6: {  	_ =	sfence.sel $0x180000  }
0xc7: {  	[bflag:$0x0] =	sbarrier.arrive $0xFFFF  }
0xc8: {  	_ =	strace $0x9000004A  }
0xc9: {  	s0 =	stileid.u32;
	[bflag:$0x2] =	sbarrier.arrive $0xFFFF  }
0xca: {  	p0 =	sne.s32 s0, $0x0;
	s0 =	rddreg [dreg:$0x2]  }
0xcb: {  	s0 =	sadd.s32 @!p0 $0x100000, s0  }
0xcc: {  	[sflag:s0] =	ssyncadd.tile.s32 @!p0 $0x1;
	_ =	shalt  }
.Lfunc_end2:
_tile_overlayer_lowered:
.L_overlay_start_2:
0xcd: {  	(tag) =	ssettag $0x2  }
0xce: {  	s0 =	rddreg [dreg:$0x0];
	s2 =	stileid.u32  }
0xcf: {  	s1 =	rddreg [dreg:$0x1];
	p0 =	sne.s32 s2, $0x0  }
0xd0: {  	s3 =	rddreg [dreg:$0x2];
	[bflag:$0x3] =	sbarrier.arrive $0xFFFF;
	s2 =	simm.s32 @!p0 $0x1C06  }
0xd1: {  	[timem:s3], [sflag:s2] =	dma.local @!p0 [hbm:s0], s1  }
0xd2: {  	s0 =	simm.s32 @!p0 $0x6  }
0xd3: {  	_ =	swait.ge @!p0 [sflag:s0], s1  }
0xd4: {  	s1 =	ssub.s32 @!p0 $0x0, s1;
	[sflag:s0] =	ssyncset.done @!p0 $0x0  }
0xd5: {  	[sflag:s0] =	ssyncadd.s32 @!p0 s1  }
0xd6: {  	[bflag:$0x3] =	sbarrier.arrive $0xFFFF  }
0xd7: {  	_ =	shalt  }

// kernel: kernel.16.cloned.1.call-start
scs
__scs_entry_jumppad:
0x0: {  	(pc) =	sbr.rel $0x88, $3  }
0x1: {  	(tag) =	ssettag $0x0;
	lr =	simm.s32 $0x1  }
0x2: {  	[smem:$0x3F93] =	sst lr;
	_ =	strace $0xD0000000  }
0x3: {  	_ = 	snop  }
0x4: {  	_ = 	snop  }
0x5: {  	_ = 	snop  }
0x6: {  	_ = 	snop  }
0x7: {  	_ = 	snop  }
__scs_overlays_trampoline_lowered:
0x8: {  	[smem:$0x3FA2] =	sst s0  }
0x9: {  	[smem:$0x3FA3] =	sst s1  }
0xa: {  	[smem:$0x3FA4] =	sst s2  }
0xb: {  	[smem:$0x3FA5] =	sst s3  }
0xc: {  	[smem:$0x3FA6] =	sst s4  }
0xd: {  	[smem:$0x3FA7] =	sst s5  }
0xe: {  	[smem:$0x3FA8] =	sst s6  }
0xf: {  	[smem:$0x3FA9] =	sst s7  }
0x10: {  	[smem:$0x3FAA] =	sst s8  }
0x11: {  	[smem:$0x3FAB] =	sst s9;
	s0 =	simm.s32 @!p0 $0x0  }
0x12: {  	s1 =	sld [smem:$0x3F91];
	s0 =	simm.s32 @p0 $0x1  }
0x13: {  	[smem:$0x3FAC] =	sst s0;
	s0 =	simm.s32 @!p1 $0x0  }
0x14: {  	s2 =	sld [smem:$0x3F90];
	s0 =	simm.s32 @p1 $0x1  }
0x15: {  	[smem:$0x3FAD] =	sst s0;
	s0 =	simm.s32 @!p2 $0x0  }
0x16: {  	s3 =	sld [smem:$0x3FDB];
	s0 =	simm.s32 @p2 $0x1  }
0x17: {  	s4 =	simm.s32 $0x1BF5;
	[smem:$0x3FAF] =	sst s0  }
0x18: {  	s0 =	sld [smem:$0x3F92];
	_ =	swait.ge [sflag:s4], $0x0  }
0x19: {  	s7 =	sld [smem:$0x3F93]  }
0x1a: {  	s8 =	sadd.s32 $0xFFFFE003, lr  }
0x1b: {  	s9 =	sadd.s32 $0xFFFFFEF7, lr;
	s5 =	simm.s32 $0xFFFFFFFF;
	p2 =	slt.u32 s8, $0xFFFFF086  }
0x1c: {  	p1 =	slt.u32 s9, $0xF7A;
	s5 =	simm.s32 @!p2 $0x0  }
0x1d: {  	s5 =	simm.s32 @p1 $0x1;
	p0 =	seq.s32 s7, s2  }
0x1e: {  	s7 =	smul.u32 @!p0 $0xF7A, s2;
	p2 =	seq.s32 @!p0 s5, $0x0  }
0x1f: {  	s9 =	smul.u32 $0xF7A, s1;
	s8 =	simm.s32 @!p0 $0x1BF5;
	p2 =	por !p2, p0  }
0x20: {  	[sflag:s8] =	ssyncset.s32 @!p0 $0xFFFFF086;
	s6 =	sadd.s32 @!p0 s3, s7;
	s7 =	simm.s32 @!p0 $0x108  }
0x21: {  	s3 =	sadd.s32 s3, s9;
	s6 =	sadd.s32 @!p0 $0x88, s6;
	s7 =	simm.s32 @p2 $0x1082  }
0x22: {  	[simem:s7], [sflag:s8] =	dma.local @!p0 [hbm:s6], $0xF7A  }
0x23: {  	s9 =	sor.u32 $0xD0000000, s2;
	s6 =	simm.s32 $0x108;
	_ =	swait.ge @!p0 [sflag:s8], $0x0  }
0x24: {  	s3 =	sadd.s32 $0x88, s3;
	s6 =	simm.s32 @!p1 $0x1082;
	[sflag:s4] =	ssyncset.s32 $0xFFFFF086  }
0x25: {  	[simem:s6], [sflag:s4] =	dma.local [hbm:s3], $0xF7A  }
0x26: {  	[smem:$0x3F93] =	sst s1;
	(tag) =	ssettag s2;
	_ =	strace s9  }
0x27: {  	s1 =	sld [smem:$0x3FA3]  }
0x28: {  	s2 =	sld [smem:$0x3FA4]  }
0x29: {  	s4 =	sld [smem:$0x3FA6]  }
0x2a: {  	p0 =	seq.s32 s5, $0x0;
	s5 =	sld [smem:$0x3FA7]  }
0x2b: {  	s6 =	sld [smem:$0x3FA8]  }
0x2c: {  	s7 =	sld [smem:$0x3FA9]  }
0x2d: {  	s3 =	simm.s32 $0x108;
	s8 =	sld [smem:$0x3FAA]  }
0x2e: {  	s3 =	simm.s32 @!p0 $0x1082;
	s9 =	sld [smem:$0x3FAB]  }
0x2f: {  	lr =	sadd.s32 s0, s3;
	s0 =	sld [smem:$0x3FA2]  }
0x30: {  	s3 =	sld [smem:$0x3FA5]  }
0x31: {  	[smem:$0x3FAE] =	sst s10  }
0x32: {  	s10 =	sld [smem:$0x3FAC];
	_ =	sdelay $0x3  }
0x33: {  	p0 =	seq.s32 s10, $0x1;
	s10 =	sld [smem:$0x3FAE];
	_ =	sdelay $0x3  }
0x34: {  	[smem:$0x3FAE] =	sst s10  }
0x35: {  	s10 =	sld [smem:$0x3FAD];
	_ =	sdelay $0x3  }
0x36: {  	p1 =	seq.s32 s10, $0x1;
	s10 =	sld [smem:$0x3FAE];
	_ =	sdelay $0x3  }
0x37: {  	[smem:$0x3FAE] =	sst s10  }
0x38: {  	s10 =	sld [smem:$0x3FAF]  }
0x39: {  	_ = 	snop;
	(pc) =	sbr.ind lr, $3  }
0x3a: {  	_ = 	snop  }
0x3b: {  	_ = 	snop  }
0x3c: {  	p2 =	seq.s32 s10, $0x1;
	s10 =	sld [smem:$0x3FAE]  }
0x3d: {  	_ =	shalt  }
0x3e: {  	_ =	shalt  }
0x3f: {  	_ =	shalt  }
0x40: {  	_ =	shalt  }
0x41: {  	_ =	shalt  }
0x42: {  	_ =	shalt  }
0x43: {  	_ =	shalt  }
0x44: {  	_ =	shalt  }
0x45: {  	_ =	shalt  }
0x46: {  	_ =	shalt  }
0x47: {  	_ =	shalt  }
0x48: {  	_ =	shalt  }
0x49: {  	_ =	shalt  }
0x4a: {  	_ =	shalt  }
0x4b: {  	_ =	shalt  }
0x4c: {  	_ =	shalt  }
0x4d: {  	_ =	shalt  }
0x4e: {  	_ =	shalt  }
0x4f: {  	_ =	shalt  }
0x50: {  	_ =	shalt  }
0x51: {  	_ =	shalt  }
0x52: {  	_ =	shalt  }
0x53: {  	_ =	shalt  }
0x54: {  	_ =	shalt  }
0x55: {  	_ =	shalt  }
0x56: {  	_ =	shalt  }
0x57: {  	_ =	shalt  }
0x58: {  	_ =	shalt  }
0x59: {  	_ =	shalt  }
0x5a: {  	_ =	shalt  }
0x5b: {  	_ =	shalt  }
0x5c: {  	_ =	shalt  }
0x5d: {  	_ =	shalt  }
0x5e: {  	_ =	shalt  }
0x5f: {  	_ =	shalt  }
0x60: {  	_ =	shalt  }
0x61: {  	_ =	shalt  }
0x62: {  	_ =	shalt  }
0x63: {  	_ =	shalt  }
0x64: {  	_ =	shalt  }
0x65: {  	_ =	shalt  }
0x66: {  	_ =	shalt  }
0x67: {  	_ =	shalt  }
0x68: {  	_ =	shalt  }
0x69: {  	_ =	shalt  }
0x6a: {  	_ =	shalt  }
0x6b: {  	_ =	shalt  }
0x6c: {  	_ =	shalt  }
0x6d: {  	_ =	shalt  }
0x6e: {  	_ =	shalt  }
0x6f: {  	_ =	shalt  }
0x70: {  	_ =	shalt  }
0x71: {  	_ =	shalt  }
0x72: {  	_ =	shalt  }
0x73: {  	_ =	shalt  }
0x74: {  	_ =	shalt  }
0x75: {  	_ =	shalt  }
0x76: {  	_ =	shalt  }
0x77: {  	_ =	shalt  }
0x78: {  	_ =	shalt  }
0x79: {  	_ =	shalt  }
0x7a: {  	_ =	shalt  }
0x7b: {  	_ =	shalt  }
0x7c: {  	_ =	shalt  }
0x7d: {  	_ =	shalt  }
0x7e: {  	_ =	shalt  }
0x7f: {  	_ =	shalt  }
0x80: {  	_ =	shalt  }
0x81: {  	_ =	shalt  }
0x82: {  	_ =	shalt  }
0x83: {  	_ =	shalt  }
0x84: {  	_ =	shalt  }
0x85: {  	_ =	shalt  }
0x86: {  	_ =	shalt  }
0x87: {  	_ =	shalt  }
.Lfunc_end0:
.L_simem_size_0:
called_computation.2_lowered:
.L_overlay_start_0:
0x88: {  	s2 =	sld [smem:$0x3FD9]  }
0x89: {  	s3 =	sld [smem:$0x3FFE];
	_ =	sdelay $0x1  }
0x8a: {  	s1 =	srdreg.scid  }
0x8b: {  	s0 =	sand.u32 $0x1, s1  }
0x8c: {  	s16 =	sshll.u32 s0, $0xA;
	s2 =	sadd.s32 s3, s2  }
0x8d: {  	s2 =	sadd.s32 s2, s16  }
0x8e: {  	[smem:$0x3FBA] =	sst s2  }
0x8f: {  	_ = 	snop  }
0x90: {  	(tm) =	ssettm $0x1  }
0x91: {  	s17 =	sld [smem:$0x3FFB];
	_ =	sdelay $0x3  }
0x92: {  	_ =	strace s17  }
0x93: {  	s2 =	sld [smem:$0x3FFC];
	_ =	sdelay $0x3  }
0x94: {  	_ =	strace s2  }
0x95: {  	s2 =	sld [smem:$0x3FFD];
	_ =	sdelay $0x3  }
0x96: {  	_ =	strace s2  }
0x97: {  	_ =	strace $0x8FFFFFFF  }
0x98: {  	s18 =	sld [smem:$0x3FDB];
	_ =	sdelay $0x1  }
0x99: {  	s19 =	simm.s32 $_scs_section_size  }
0x9a: {  	s4 =	simm.s32 $_size__tile_overlayer_lowered;
	s5 =	simm.s32 $_tile_overlayer_lowered  }
0x9b: {  	s22 =	simm.s32 $0x1BFF;
	s21 =	sshll.u32 s5, $0x1;
	s2 =	sadd.s32 s19, s18  }
0x9c: {  	s6 =	simm.s32 $0x0;
	s20 =	sshll.u32 s4, $0x1;
	s4 =	sadd.s32 s21, s2  }
0x9d: {  	[timem:s6], [sflag:s22] =	dma.local [hbm:s4], s20  }
0x9e: {  	_ =	swait.ge [sflag:s22], s20  }
0x9f: {  	s3 =	ssub.s32 $0x0, s20;
	[sflag:s22] =	ssyncset.done $0x0  }
0xa0: {  	[sflag:s22] =	ssyncadd.s32 s3;
	_ =	sdelay $0x1  }
0xa1: {  	s23 =	simm.s32 $0x1B8B  }
0xa2: {  	_ =	swait.ge [sflag:s23], $0x1  }
0xa3: {  	[sflag:s23] =	ssyncset.done $0x0  }
0xa4: {  	s25 =	simm.s32 $0x1B8E;
	s24 =	sld [smem:$0x3FFE];
	[sflag:s23] =	ssyncadd.s32 $0xFFFFFFFF  }
0xa5: {  	s26 =	simm.s32 $execute0_lowered;
	[smem:$0x3FD2] =	sst s25  }
0xa6: {  	s4 =	sshll.u32 s26, $0x1;
	_ =	strace $0x8000004C;
	[dreg:$0x1] =	wrdreg $0xFFFFFFFF  }
0xa7: {  	s28 =	simm.s32 $_size_execute0_lowered;
	s2 =	sadd.s32 s2, s4;
	[dreg:$0x0] =	wrdreg $0x0  }
0xa8: {  	s4 =	sshll.u32 s28, $0x1;
	[dreg:$0x2] =	wrdreg s2  }
0xa9: {  	[dreg:$0x3] =	wrdreg s4  }
0xaa: {  	[dreg:$0x4] =	wrdreg $0xC0  }
0xab: {  	_ =	task [dreg:s6], $0x5FFFF  }
0xac: {  	[dreg:$0x1] =	wrdreg $0xFFFFFFFF  }
0xad: {  	[dreg:$0x0] =	wrdreg $0x60  }
0xae: {  	[dreg:$0x2] =	wrdreg s24  }
0xaf: {  	[dreg:$0x3] =	wrdreg $0xA4000  }
0xb0: {  	[dreg:$0x4] =	wrdreg $0x9  }
0xb1: {  	_ =	task.clear_ibuf [dreg:s6], $0x5FFFF;
	_ =	strace $0x9000004C  }
0xb2: {  	s29 =	simm.s32 $0x9;
	_ =	strace $0x8000004E  }
0xb3: {  	_ =	swait.ge [sflag:s29], $0x1  }
0xb4: {  	[sflag:s29] =	ssyncadd.s32 $0xFFFFFFFF  }
0xb5: {  	_ =	strace $0x9000004E  }
0xb6: {  	_ =	sfence  }
0xb7: {  	s30 =	sld [smem:$0x0];
	_ =	sdelay $0x2  }
0xb8: {  	s31 =	sshll.u32 s1, $0xD;
	s1 =	sshrl.u32 s1, $0x2  }
0xb9: {  	s3 =	sand.u32 $0x4000, s31;
	s1 =	sadd.s32 s1, s30  }
0xba: {  	s0 =	sor.u32 s3, s0;
	s1 =	sshll.u32 s1, $0x11  }
0xbb: {  	s0 =	sor.u32 s1, s0  }
0xbc: {  	s0 =	sadd.s32 $0x8F2B, s0  }
0xbd: {  	[sflag:s0] =	ssyncadd.remote.s32 $0x1  }
0xbe: {  	_ =	sfence.sel $0xFFFF  }
0xbf: {  	[dreg:$0x0] =	wrdreg $0xFFFFFFFF;
	(pc) =	sbr.abs _section_cstart, $3  }
0xc0: {  	[dreg:$0x1] =	wrdreg $0xFFFFFFFF  }
0xc1: {  	_ =	task.clear_ibuf [dreg:s6], $0x2FFFF;
	_ =	strace $0x9FFFFFFF  }
0xc2: {  	(tm) =	ssettm $0x7FFFFFFF  }
0xc3: {  	_ =	shalt  }
tec
execute0_lowered:
.L_overlay_start_1:
0x0: {  	(tag) =	ssettag $0x1  }
0x1: {  	s0 =	rddreg [dreg:$0x0]  }
0x2: {  	s2 =	rddreg [dreg:$0x1];
	s3 =	simm.s32 $0x0;
	s12 =	stileid.u32  }
0x3: {  	s5 =	srdreg.scid;
	s13 =	simm.s32 $0x50;
	s14 =	simm.s32 $0x400  }
0x4: {  	s15 =	simm.s32 $0x100;
	s16 =	simm.s32 $0x2C00;
	s17 =	simm.s32 $0x200  }
0x5: {  	s18 =	simm.s32 $0x5400;
	s19 =	simm.s32 $0x300;
	s28 =	simm.s32 $0x4  }
0x6: {  	s29 =	simm.s32 $0x380;
	s30 =	simm.s32 $0x5;
	s31 =	simm.s32 $0x0  }
0x7: {  	[smem:$0x7FF] =	sst s3;
	s1 =	smul.u32 $0x2800, s12;
	s4 =	sadd.s32 $0x3DA00, s0  }
0x8: {  	s10 =	sadd.s32 $0x8DA00, s0;
	s5 =	sand.u32 $0x1, s5;
	s11 =	smul.u32 $0x50000, s12  }
0x9: {  	s24 =	sshll.u32 s12, $0x6;
	_ =	strace $0x8000004D;
	s7 =	smul.u32 $0x28000, s5  }
0xa: {  	s8 =	sshll.u32 s5, $0x4;
	s9 =	ssub.s32 $0x2, s5;
	s5 =	smul.u32 $0xFA00, s5  }
0xb: {  	s6 =	sadd.s32 s1, s0;
	s8 =	sor.u32 s12, s8;
	s20 =	sshrl.u32 s9, $0x1  }
0xc: {  	s22 =	sshrl.u32 s11, $0x2;
	s12 =	smul.u32 $0xFA0, s12;
	s1 =	sadd.s32 s1, s7  }
0xd: {  	s8 =	smul.u32 $0x7D00, s8;
	s21 =	ssub.s32 s9, s20;
	s11 =	sadd.s32 s22, s2  }
0xe: {  	s6 =	sadd.s32 $0x15A00, s6;
	s26 =	sadd.s32 s5, s10;
	s20 =	simm.s32 $0x7C00  }
0xf: {  	s22 =	simm.s32 $0x80;
	s0 =	sadd.s32 s1, s0;
	[dreg:$0x3] =	wrdreg s6  }
0x10: {  	s6 =	sor.u32 $0x1C06, s24;
	s9 =	smax.u32 s21, $0x1;
	s11 =	sshrl.u32 s11, $0x3  }
0x11: {  	s21 =	simm.s32 $0x1;
	s24 =	simm.s32 $0x180;
	s23 =	sshrl.u32 s8, $0x3  }
0x12: {  	s8 =	sadd.s32 s10, s23;
	s10 =	sadd.s32 s12, s26;
	s12 =	simm.s32 $0x6  }
0x13: {  	s23 =	simm.s32 $0x2;
	s26 =	simm.s32 $0x280;
	s25 =	sadd.s32 $0xF80, s8  }
0x14: {  	s8 =	sadd.s32 $0xACE00, s0;
	[dreg:$0x4] =	wrdreg s25;
	s25 =	simm.s32 $0x3  }
.LBB2_1:
0x15: {  	s0 =	rddreg [dreg:$0x3]  }
0x16: {  	[spmem:s11], [sflag:s6] =	dma.local [hbm:s0], $0x2800  }
0x17: {  	_ =	swait.ge [sflag:s12], $0x2800  }
0x18: {  	[sflag:s12] =	ssyncset.done $0x0  }
0x19: {  	[sflag:s12] =	ssyncadd.s32 $0xFFFFD800  }
0x1a: {  	s5 =	sadd.s32 $0x0, s10;
	[bflag:$0x0] =	sbarrier.arrive $0xFFFF  }
0x1b: {  	[tilespmem:s3], [sflag:$0x6] =	stream.linear.gather [hbm4b:s5+s3], $0x100, $0x38;
	[tilespmem:$0x1E400] =	vst v63  }
0x1c: {  	_ =	swait.ge [sflag:s12], $0x100  }
0x1d: {  	[sflag:s12] =	ssyncset.done $0x0  }
0x1e: {  	[sflag:s12] =	ssyncadd.s32 $0xFFFFFF00  }
0x1f: {  	[tilespmem:s14], [sflag:$0x1] =	stream.indirect.gather [hbm4b:s4+s13], $0x80, s3, s13, $0xb8;
	[tilespmem:$0x1E400] =	vst v63  }
0x20: {  	s1 =	sadd.s32 $0x20, s5  }
0x21: {  	[tilespmem:s15], [sflag:$0x6] =	stream.linear.gather [hbm4b:s1+s3], $0x100, $0x38;
	[tilespmem:$0x1E400] =	vst v63  }
0x22: {  	_ =	swait.ge [sflag:s12], $0x100  }
0x23: {  	[sflag:s12] =	ssyncset.done $0x0  }
0x24: {  	[sflag:s12] =	ssyncadd.s32 $0xFFFFFF00  }
0x25: {  	[tilespmem:s16], [sflag:$0x2] =	stream.indirect.gather [hbm4b:s4+s13], $0x80, s15, s13, $0xb8;
	[tilespmem:$0x1E400] =	vst v63  }
0x26: {  	s7 =	sadd.s32 $0x40, s5  }
0x27: {  	[tilespmem:s17], [sflag:$0x6] =	stream.linear.gather [hbm4b:s7+s3], $0x100, $0x38;
	[tilespmem:$0x1E400] =	vst v63  }
0x28: {  	_ =	swait.ge [sflag:s12], $0x100  }
0x29: {  	[sflag:s12] =	ssyncset.done $0x0  }
0x2a: {  	[sflag:s12] =	ssyncadd.s32 $0xFFFFFF00  }
0x2b: {  	[tilespmem:s18], [sflag:$0x3] =	stream.indirect.gather [hbm4b:s4+s13], $0x80, s17, s13, $0xb8;
	[tilespmem:$0x1E400] =	vst v63  }
0x2c: {  	s0 =	sadd.s32 $0x60, s5  }
0x2d: {  	[tilespmem:s19], [sflag:$0x6] =	stream.linear.gather [hbm4b:s0+s3], $0x100, $0x38;
	[tilespmem:$0x1E400] =	vst v63  }
0x2e: {  	_ =	swait.ge [sflag:s12], $0x100  }
0x2f: {  	[sflag:s12] =	ssyncset.done $0x0  }
0x30: {  	[sflag:s12] =	ssyncadd.s32 $0xFFFFFF00  }
0x31: {  	[tilespmem:s20], [sflag:$0x4] =	stream.indirect.gather [hbm4b:s4+s13], $0x80, s19, s13, $0xb8;
	[tilespmem:$0x1E400] =	vst v63  }
0x32: {  	_ =	swait.ge [sflag:s21], $0x2800  }
0x33: {  	[sflag:s21] =	ssyncset.done $0x0  }
0x34: {  	[sflag:s21] =	ssyncadd.s32 $0xFFFFD800  }
0x35: {  	[spmem:s2] =	stream.indirect.scatter.add.f32 [tilespmem:s14], [sflag:$0x5], $0x80, s22, s13, $0xb8;
	[tilespmem:$0x1E400] =	vst v63  }
0x36: {  	_ =	swait.ge [sflag:s23], $0x2800  }
0x37: {  	[sflag:s23] =	ssyncset.done $0x0  }
0x38: {  	[sflag:s23] =	ssyncadd.s32 $0xFFFFD800  }
0x39: {  	[spmem:s2] =	stream.indirect.scatter.add.f32 [tilespmem:s16], [sflag:$0x5], $0x80, s24, s13, $0xb8;
	[tilespmem:$0x1E400] =	vst v63  }
0x3a: {  	_ =	swait.ge [sflag:s25], $0x2800  }
0x3b: {  	[sflag:s25] =	ssyncset.done $0x0  }
0x3c: {  	[sflag:s25] =	ssyncadd.s32 $0xFFFFD800  }
0x3d: {  	[spmem:s2] =	stream.indirect.scatter.add.f32 [tilespmem:s18], [sflag:$0x5], $0x80, s26, s13, $0xb8;
	[tilespmem:$0x1E400] =	vst v63  }
0x3e: {  	_ =	swait.ge [sflag:s28], $0x2800  }
0x3f: {  	[sflag:s28] =	ssyncset.done $0x0  }
0x40: {  	[sflag:s28] =	ssyncadd.s32 $0xFFFFD800  }
0x41: {  	[spmem:s2] =	stream.indirect.scatter.add.f32 [tilespmem:s20], [sflag:$0x5], $0x80, s29, s13, $0xb8;
	[tilespmem:$0x1E400] =	vst v63  }
0x42: {  	_ =	swait.ge [sflag:s30], $0x2800  }
0x43: {  	[sflag:s30] =	ssyncset.done $0x0  }
0x44: {  	[sflag:s30] =	ssyncadd.s32 $0xFFFFD800  }
0x45: {  	_ =	swait.ge [sflag:s30], $0x2800  }
0x46: {  	[sflag:s30] =	ssyncset.done $0x0  }
0x47: {  	[sflag:s30] =	ssyncadd.s32 $0xFFFFD800  }
0x48: {  	_ =	swait.ge [sflag:s30], $0x2800  }
0x49: {  	[sflag:s30] =	ssyncset.done $0x0  }
0x4a: {  	[sflag:s30] =	ssyncadd.s32 $0xFFFFD800  }
0x4b: {  	_ =	swait.ge [sflag:s30], $0x2800  }
0x4c: {  	s1 =	simm.s32 $0x100;
	s0 =	simm.s32 $0x80;
	[sflag:s30] =	ssyncset.done $0x0  }
.LBB2_2:
0x4d: {  	s7 =	sadd.s32 s0, s10  }
0x4e: {  	[sflag:s30] =	ssyncadd.s32 $0xFFFFD800;
	s0 =	smov.u32 s1;
	s5 =	sadd.s32 $0x80, s1  }
0x4f: {  	[tilespmem:s3], [sflag:$0x6] =	stream.linear.gather [hbm4b:s7+s3], $0x100, $0x38;
	[tilespmem:$0x1E400] =	vst v63  }
0x50: {  	p0 =	sne.s32 s1, $0xF00;
	_ =	swait.ge [sflag:s12], $0x100  }
0x51: {  	[sflag:s12] =	ssyncset.done $0x0  }
0x52: {  	[sflag:s12] =	ssyncadd.s32 $0xFFFFFF00  }
0x53: {  	[tilespmem:s14], [sflag:$0x1] =	stream.indirect.gather [hbm4b:s4+s13], $0x80, s3, s13, $0xb8;
	[tilespmem:$0x1E400] =	vst v63  }
0x54: {  	s1 =	sadd.s32 $0x20, s7  }
0x55: {  	[tilespmem:s15], [sflag:$0x6] =	stream.linear.gather [hbm4b:s1+s3], $0x100, $0x38;
	[tilespmem:$0x1E400] =	vst v63  }
0x56: {  	_ =	swait.ge [sflag:s12], $0x100  }
0x57: {  	[sflag:s12] =	ssyncset.done $0x0  }
0x58: {  	[sflag:s12] =	ssyncadd.s32 $0xFFFFFF00  }
0x59: {  	[tilespmem:s16], [sflag:$0x2] =	stream.indirect.gather [hbm4b:s4+s13], $0x80, s15, s13, $0xb8;
	[tilespmem:$0x1E400] =	vst v63  }
0x5a: {  	s1 =	sadd.s32 $0x40, s7  }
0x5b: {  	[tilespmem:s17], [sflag:$0x6] =	stream.linear.gather [hbm4b:s1+s3], $0x100, $0x38;
	[tilespmem:$0x1E400] =	vst v63  }
0x5c: {  	_ =	swait.ge [sflag:s12], $0x100  }
0x5d: {  	[sflag:s12] =	ssyncset.done $0x0  }
0x5e: {  	[sflag:s12] =	ssyncadd.s32 $0xFFFFFF00  }
0x5f: {  	[tilespmem:s18], [sflag:$0x3] =	stream.indirect.gather [hbm4b:s4+s13], $0x80, s17, s13, $0xb8;
	[tilespmem:$0x1E400] =	vst v63  }
0x60: {  	s1 =	sadd.s32 $0x60, s7  }
0x61: {  	[tilespmem:s19], [sflag:$0x6] =	stream.linear.gather [hbm4b:s1+s3], $0x100, $0x38;
	[tilespmem:$0x1E400] =	vst v63  }
0x62: {  	_ =	swait.ge [sflag:s12], $0x100  }
0x63: {  	[sflag:s12] =	ssyncset.done $0x0  }
0x64: {  	[sflag:s12] =	ssyncadd.s32 $0xFFFFFF00  }
0x65: {  	[tilespmem:s20], [sflag:$0x4] =	stream.indirect.gather [hbm4b:s4+s13], $0x80, s19, s13, $0xb8;
	[tilespmem:$0x1E400] =	vst v63  }
0x66: {  	_ =	swait.ge [sflag:s21], $0x2800  }
0x67: {  	[sflag:s21] =	ssyncset.done $0x0  }
0x68: {  	[sflag:s21] =	ssyncadd.s32 $0xFFFFD800  }
0x69: {  	[spmem:s2] =	stream.indirect.scatter.add.f32 [tilespmem:s14], [sflag:$0x5], $0x80, s22, s13, $0xb8;
	[tilespmem:$0x1E400] =	vst v63  }
0x6a: {  	_ =	swait.ge [sflag:s23], $0x2800  }
0x6b: {  	[sflag:s23] =	ssyncset.done $0x0  }
0x6c: {  	[sflag:s23] =	ssyncadd.s32 $0xFFFFD800  }
0x6d: {  	[spmem:s2] =	stream.indirect.scatter.add.f32 [tilespmem:s16], [sflag:$0x5], $0x80, s24, s13, $0xb8;
	[tilespmem:$0x1E400] =	vst v63  }
0x6e: {  	_ =	swait.ge [sflag:s25], $0x2800  }
0x6f: {  	[sflag:s25] =	ssyncset.done $0x0  }
0x70: {  	[sflag:s25] =	ssyncadd.s32 $0xFFFFD800  }
0x71: {  	[spmem:s2] =	stream.indirect.scatter.add.f32 [tilespmem:s18], [sflag:$0x5], $0x80, s26, s13, $0xb8;
	[tilespmem:$0x1E400] =	vst v63  }
0x72: {  	_ =	swait.ge [sflag:s28], $0x2800  }
0x73: {  	[sflag:s28] =	ssyncset.done $0x0  }
0x74: {  	[sflag:s28] =	ssyncadd.s32 $0xFFFFD800  }
0x75: {  	[spmem:s2] =	stream.indirect.scatter.add.f32 [tilespmem:s20], [sflag:$0x5], $0x80, s29, s13, $0xb8;
	[tilespmem:$0x1E400] =	vst v63  }
0x76: {  	_ =	swait.ge [sflag:s30], $0x2800  }
0x77: {  	[sflag:s30] =	ssyncset.done $0x0  }
0x78: {  	[sflag:s30] =	ssyncadd.s32 $0xFFFFD800  }
0x79: {  	_ =	swait.ge [sflag:s30], $0x2800  }
0x7a: {  	[sflag:s30] =	ssyncset.done $0x0  }
0x7b: {  	[sflag:s30] =	ssyncadd.s32 $0xFFFFD800  }
.Ltmp0:
0x7c: {  	_ =	swait.ge [sflag:s30], $0x2800;
	(pc) =	sbr.rel @p0 .LBB2_2-.Ltmp0, $4  }
0x7d: {  	[sflag:s30] =	ssyncset.done $0x0  }
0x7e: {  	[sflag:s30] =	ssyncadd.s32 $0xFFFFD800  }
0x7f: {  	_ =	swait.ge [sflag:s30], $0x2800  }
0x80: {  	s1 =	smov.u32 s5;
	[sflag:s30] =	ssyncset.done $0x0  }
0x81: {  	s0 =	sadd.s32 s0, s10;
	[sflag:s30] =	ssyncadd.s32 $0xFFFFD800  }
0x82: {  	[tilespmem:s3], [sflag:$0x6] =	stream.linear.gather [hbm4b:s0+s3], $0x100, $0x38;
	[tilespmem:$0x1E400] =	vst v63  }
0x83: {  	_ =	swait.ge [sflag:s12], $0x100  }
0x84: {  	[sflag:s12] =	ssyncset.done $0x0  }
0x85: {  	[sflag:s12] =	ssyncadd.s32 $0xFFFFFF00  }
0x86: {  	[tilespmem:s14], [sflag:$0x1] =	stream.indirect.gather [hbm4b:s4+s13], $0x80, s3, s13, $0xb8;
	[tilespmem:$0x1E400] =	vst v63  }
0x87: {  	s1 =	sadd.s32 $0x20, s0  }
0x88: {  	[tilespmem:s15], [sflag:$0x6] =	stream.linear.gather [hbm4b:s1+s3], $0x100, $0x38;
	[tilespmem:$0x1E400] =	vst v63  }
0x89: {  	_ =	swait.ge [sflag:s12], $0x100  }
0x8a: {  	[sflag:s12] =	ssyncset.done $0x0  }
0x8b: {  	[sflag:s12] =	ssyncadd.s32 $0xFFFFFF00  }
0x8c: {  	[tilespmem:s16], [sflag:$0x2] =	stream.indirect.gather [hbm4b:s4+s13], $0x80, s15, s13, $0xb8;
	[tilespmem:$0x1E400] =	vst v63  }
0x8d: {  	s5 =	sadd.s32 $0x40, s0  }
0x8e: {  	[tilespmem:s17], [sflag:$0x6] =	stream.linear.gather [hbm4b:s5+s3], $0x100, $0x38;
	[tilespmem:$0x1E400] =	vst v63  }
0x8f: {  	_ =	swait.ge [sflag:s12], $0x100  }
0x90: {  	[sflag:s12] =	ssyncset.done $0x0  }
0x91: {  	[sflag:s12] =	ssyncadd.s32 $0xFFFFFF00  }
0x92: {  	[tilespmem:s18], [sflag:$0x3] =	stream.indirect.gather [hbm4b:s4+s13], $0x80, s17, s13, $0xb8;
	[tilespmem:$0x1E400] =	vst v63  }
0x93: {  	s0 =	sadd.s32 $0x60, s0  }
0x94: {  	[tilespmem:s19], [sflag:$0x6] =	stream.linear.gather [hbm4b:s0+s3], $0x100, $0x38;
	[tilespmem:$0x1E400] =	vst v63  }
0x95: {  	_ =	swait.ge [sflag:s12], $0x100  }
0x96: {  	[sflag:s12] =	ssyncset.done $0x0  }
0x97: {  	[sflag:s12] =	ssyncadd.s32 $0xFFFFFF00  }
0x98: {  	[tilespmem:s20], [sflag:$0x4] =	stream.indirect.gather [hbm4b:s4+s13], $0x80, s19, s13, $0xb8;
	[tilespmem:$0x1E400] =	vst v63  }
0x99: {  	_ =	swait.ge [sflag:s21], $0x2800  }
0x9a: {  	[sflag:s21] =	ssyncset.done $0x0  }
0x9b: {  	[sflag:s21] =	ssyncadd.s32 $0xFFFFD800  }
0x9c: {  	[spmem:s2] =	stream.indirect.scatter.add.f32 [tilespmem:s14], [sflag:$0x5], $0x80, s22, s13, $0xb8;
	[tilespmem:$0x1E400] =	vst v63  }
0x9d: {  	_ =	swait.ge [sflag:s23], $0x2800  }
0x9e: {  	[sflag:s23] =	ssyncset.done $0x0  }
0x9f: {  	[sflag:s23] =	ssyncadd.s32 $0xFFFFD800  }
0xa0: {  	[spmem:s2] =	stream.indirect.scatter.add.f32 [tilespmem:s16], [sflag:$0x5], $0x80, s24, s13, $0xb8;
	[tilespmem:$0x1E400] =	vst v63  }
0xa1: {  	_ =	swait.ge [sflag:s25], $0x2800  }
0xa2: {  	[sflag:s25] =	ssyncset.done $0x0  }
0xa3: {  	[sflag:s25] =	ssyncadd.s32 $0xFFFFD800  }
0xa4: {  	[spmem:s2] =	stream.indirect.scatter.add.f32 [tilespmem:s18], [sflag:$0x5], $0x80, s26, s13, $0xb8;
	[tilespmem:$0x1E400] =	vst v63  }
0xa5: {  	_ =	swait.ge [sflag:s28], $0x2800  }
0xa6: {  	[sflag:s28] =	ssyncset.done $0x0  }
0xa7: {  	[sflag:s28] =	ssyncadd.s32 $0xFFFFD800  }
0xa8: {  	[spmem:s2] =	stream.indirect.scatter.add.f32 [tilespmem:s20], [sflag:$0x5], $0x80, s29, s13, $0xb8;
	[tilespmem:$0x1E400] =	vst v63  }
0xa9: {  	_ =	swait.ge [sflag:s30], $0x2800  }
0xaa: {  	[sflag:s30] =	ssyncset.done $0x0  }
0xab: {  	[sflag:s30] =	ssyncadd.s32 $0xFFFFD800  }
0xac: {  	_ =	swait.ge [sflag:s30], $0x2800  }
0xad: {  	[sflag:s30] =	ssyncset.done $0x0  }
0xae: {  	[sflag:s30] =	ssyncadd.s32 $0xFFFFD800  }
0xaf: {  	_ =	swait.ge [sflag:s30], $0x2800  }
0xb0: {  	[sflag:s30] =	ssyncset.done $0x0  }
0xb1: {  	[sflag:s30] =	ssyncadd.s32 $0xFFFFD800  }
0xb2: {  	_ =	swait.ge [sflag:s30], $0x2800  }
0xb3: {  	[sflag:s30] =	ssyncset.done $0x0  }
0xb4: {  	s7 =	rddreg [dreg:$0x4];
	[sflag:s30] =	ssyncadd.s32 $0xFFFFD800  }
0xb5: {  	[tilespmem:s3], [sflag:$0x6] =	stream.linear.gather [hbm4b:s7+s3], $0x100, $0x38;
	[tilespmem:$0x1E400] =	vst v63  }
0xb6: {  	_ =	swait.ge [sflag:s12], $0x100  }
0xb7: {  	[sflag:s12] =	ssyncset.done $0x0  }
0xb8: {  	[sflag:s12] =	ssyncadd.s32 $0xFFFFFF00  }
0xb9: {  	[tilespmem:s14], [sflag:$0x1] =	stream.indirect.gather [hbm4b:s4+s13], $0x80, s3, s13, $0xb8;
	[tilespmem:$0x1E400] =	vst v63  }
0xba: {  	_ =	swait.ge [sflag:s21], $0x2800  }
0xbb: {  	[sflag:s21] =	ssyncset.done $0x0  }
0xbc: {  	[sflag:s21] =	ssyncadd.s32 $0xFFFFD800  }
0xbd: {  	[spmem:s2] =	stream.indirect.scatter.add.f32 [tilespmem:s14], [sflag:$0x6], $0x80, s22, s13, $0xb8;
	[tilespmem:$0x1E400] =	vst v63  }
0xbe: {  	_ =	swait.ge [sflag:s12], $0x2800  }
0xbf: {  	s31 =	sadd.s32 $0x1, s31;
	[sflag:s12] =	ssyncset.done $0x0  }
0xc0: {  	p0 =	sne.s32 s31, s9;
	[sflag:s12] =	ssyncadd.s32 $0xFFFFD800  }
.Ltmp1:
0xc1: {  	[bflag:$0x0] =	sbarrier.arrive $0xFFFF;
	(pc) =	sbr.rel @p0 .LBB2_1-.Ltmp1, $4  }
0xc2: {  	[hbm:s8], [sflag:s6] =	dma.local [spmem:s11], $0x2800  }
0xc3: {  	_ =	swait.ge [sflag:s12], $0x2800  }
0xc4: {  	[sflag:s12] =	ssyncset.done $0x0  }
0xc5: {  	[sflag:s12] =	ssyncadd.s32 $0xFFFFD800  }
0xc6: {  	_ =	sfence.sel $0x180000  }
0xc7: {  	[bflag:$0x0] =	sbarrier.arrive $0xFFFF  }
0xc8: {  	_ =	strace $0x9000004D  }
0xc9: {  	s0 =	stileid.u32;
	[bflag:$0x2] =	sbarrier.arrive $0xFFFF  }
0xca: {  	p0 =	sne.s32 s0, $0x0;
	s0 =	rddreg [dreg:$0x2]  }
0xcb: {  	s0 =	sadd.s32 @!p0 $0x100000, s0  }
0xcc: {  	[sflag:s0] =	ssyncadd.tile.s32 @!p0 $0x1;
	_ =	shalt  }
.Lfunc_end2:
_tile_overlayer_lowered:
.L_overlay_start_2:
0xcd: {  	(tag) =	ssettag $0x2  }
0xce: {  	s0 =	rddreg [dreg:$0x0];
	s2 =	stileid.u32  }
0xcf: {  	s1 =	rddreg [dreg:$0x1];
	p0 =	sne.s32 s2, $0x0  }
0xd0: {  	s3 =	rddreg [dreg:$0x2];
	[bflag:$0x3] =	sbarrier.arrive $0xFFFF;
	s2 =	simm.s32 @!p0 $0x1C06  }
0xd1: {  	[timem:s3], [sflag:s2] =	dma.local @!p0 [hbm:s0], s1  }
0xd2: {  	s0 =	simm.s32 @!p0 $0x6  }
0xd3: {  	_ =	swait.ge @!p0 [sflag:s0], s1  }
0xd4: {  	s1 =	ssub.s32 @!p0 $0x0, s1;
	[sflag:s0] =	ssyncset.done @!p0 $0x0  }
0xd5: {  	[sflag:s0] =	ssyncadd.s32 @!p0 s1  }
0xd6: {  	[bflag:$0x3] =	sbarrier.arrive $0xFFFF  }
0xd7: {  	_ =	shalt  }

// kernel: kernel.19.cloned.1.call-start
scs
__scs_entry_jumppad:
0x0: {  	(pc) =	sbr.rel $0x88, $3  }
0x1: {  	(tag) =	ssettag $0x0;
	lr =	simm.s32 $0x1  }
0x2: {  	[smem:$0x3F93] =	sst lr;
	_ =	strace $0xD0000000  }
0x3: {  	_ = 	snop  }
0x4: {  	_ = 	snop  }
0x5: {  	_ = 	snop  }
0x6: {  	_ = 	snop  }
0x7: {  	_ = 	snop  }
__scs_overlays_trampoline_lowered:
0x8: {  	[smem:$0x3FA2] =	sst s0  }
0x9: {  	[smem:$0x3FA3] =	sst s1  }
0xa: {  	[smem:$0x3FA4] =	sst s2  }
0xb: {  	[smem:$0x3FA5] =	sst s3  }
0xc: {  	[smem:$0x3FA6] =	sst s4  }
0xd: {  	[smem:$0x3FA7] =	sst s5  }
0xe: {  	[smem:$0x3FA8] =	sst s6  }
0xf: {  	[smem:$0x3FA9] =	sst s7  }
0x10: {  	[smem:$0x3FAA] =	sst s8  }
0x11: {  	[smem:$0x3FAB] =	sst s9;
	s0 =	simm.s32 @!p0 $0x0  }
0x12: {  	s1 =	sld [smem:$0x3F91];
	s0 =	simm.s32 @p0 $0x1  }
0x13: {  	[smem:$0x3FAC] =	sst s0;
	s0 =	simm.s32 @!p1 $0x0  }
0x14: {  	s2 =	sld [smem:$0x3F90];
	s0 =	simm.s32 @p1 $0x1  }
0x15: {  	[smem:$0x3FAD] =	sst s0;
	s0 =	simm.s32 @!p2 $0x0  }
0x16: {  	s3 =	sld [smem:$0x3FDB];
	s0 =	simm.s32 @p2 $0x1  }
0x17: {  	s4 =	simm.s32 $0x1BF5;
	[smem:$0x3FAF] =	sst s0  }
0x18: {  	s0 =	sld [smem:$0x3F92];
	_ =	swait.ge [sflag:s4], $0x0  }
0x19: {  	s7 =	sld [smem:$0x3F93]  }
0x1a: {  	s8 =	sadd.s32 $0xFFFFE003, lr  }
0x1b: {  	s9 =	sadd.s32 $0xFFFFFEF7, lr;
	s5 =	simm.s32 $0xFFFFFFFF;
	p2 =	slt.u32 s8, $0xFFFFF086  }
0x1c: {  	p1 =	slt.u32 s9, $0xF7A;
	s5 =	simm.s32 @!p2 $0x0  }
0x1d: {  	s5 =	simm.s32 @p1 $0x1;
	p0 =	seq.s32 s7, s2  }
0x1e: {  	s7 =	smul.u32 @!p0 $0xF7A, s2;
	p2 =	seq.s32 @!p0 s5, $0x0  }
0x1f: {  	s9 =	smul.u32 $0xF7A, s1;
	s8 =	simm.s32 @!p0 $0x1BF5;
	p2 =	por !p2, p0  }
0x20: {  	[sflag:s8] =	ssyncset.s32 @!p0 $0xFFFFF086;
	s6 =	sadd.s32 @!p0 s3, s7;
	s7 =	simm.s32 @!p0 $0x108  }
0x21: {  	s3 =	sadd.s32 s3, s9;
	s6 =	sadd.s32 @!p0 $0x88, s6;
	s7 =	simm.s32 @p2 $0x1082  }
0x22: {  	[simem:s7], [sflag:s8] =	dma.local @!p0 [hbm:s6], $0xF7A  }
0x23: {  	s9 =	sor.u32 $0xD0000000, s2;
	s6 =	simm.s32 $0x108;
	_ =	swait.ge @!p0 [sflag:s8], $0x0  }
0x24: {  	s3 =	sadd.s32 $0x88, s3;
	s6 =	simm.s32 @!p1 $0x1082;
	[sflag:s4] =	ssyncset.s32 $0xFFFFF086  }
0x25: {  	[simem:s6], [sflag:s4] =	dma.local [hbm:s3], $0xF7A  }
0x26: {  	[smem:$0x3F93] =	sst s1;
	(tag) =	ssettag s2;
	_ =	strace s9  }
0x27: {  	s1 =	sld [smem:$0x3FA3]  }
0x28: {  	s2 =	sld [smem:$0x3FA4]  }
0x29: {  	s4 =	sld [smem:$0x3FA6]  }
0x2a: {  	p0 =	seq.s32 s5, $0x0;
	s5 =	sld [smem:$0x3FA7]  }
0x2b: {  	s6 =	sld [smem:$0x3FA8]  }
0x2c: {  	s7 =	sld [smem:$0x3FA9]  }
0x2d: {  	s3 =	simm.s32 $0x108;
	s8 =	sld [smem:$0x3FAA]  }
0x2e: {  	s3 =	simm.s32 @!p0 $0x1082;
	s9 =	sld [smem:$0x3FAB]  }
0x2f: {  	lr =	sadd.s32 s0, s3;
	s0 =	sld [smem:$0x3FA2]  }
0x30: {  	s3 =	sld [smem:$0x3FA5]  }
0x31: {  	[smem:$0x3FAE] =	sst s10  }
0x32: {  	s10 =	sld [smem:$0x3FAC];
	_ =	sdelay $0x3  }
0x33: {  	p0 =	seq.s32 s10, $0x1;
	s10 =	sld [smem:$0x3FAE];
	_ =	sdelay $0x3  }
0x34: {  	[smem:$0x3FAE] =	sst s10  }
0x35: {  	s10 =	sld [smem:$0x3FAD];
	_ =	sdelay $0x3  }
0x36: {  	p1 =	seq.s32 s10, $0x1;
	s10 =	sld [smem:$0x3FAE];
	_ =	sdelay $0x3  }
0x37: {  	[smem:$0x3FAE] =	sst s10  }
0x38: {  	s10 =	sld [smem:$0x3FAF]  }
0x39: {  	_ = 	snop;
	(pc) =	sbr.ind lr, $3  }
0x3a: {  	_ = 	snop  }
0x3b: {  	_ = 	snop  }
0x3c: {  	p2 =	seq.s32 s10, $0x1;
	s10 =	sld [smem:$0x3FAE]  }
0x3d: {  	_ =	shalt  }
0x3e: {  	_ =	shalt  }
0x3f: {  	_ =	shalt  }
0x40: {  	_ =	shalt  }
0x41: {  	_ =	shalt  }
0x42: {  	_ =	shalt  }
0x43: {  	_ =	shalt  }
0x44: {  	_ =	shalt  }
0x45: {  	_ =	shalt  }
0x46: {  	_ =	shalt  }
0x47: {  	_ =	shalt  }
0x48: {  	_ =	shalt  }
0x49: {  	_ =	shalt  }
0x4a: {  	_ =	shalt  }
0x4b: {  	_ =	shalt  }
0x4c: {  	_ =	shalt  }
0x4d: {  	_ =	shalt  }
0x4e: {  	_ =	shalt  }
0x4f: {  	_ =	shalt  }
0x50: {  	_ =	shalt  }
0x51: {  	_ =	shalt  }
0x52: {  	_ =	shalt  }
0x53: {  	_ =	shalt  }
0x54: {  	_ =	shalt  }
0x55: {  	_ =	shalt  }
0x56: {  	_ =	shalt  }
0x57: {  	_ =	shalt  }
0x58: {  	_ =	shalt  }
0x59: {  	_ =	shalt  }
0x5a: {  	_ =	shalt  }
0x5b: {  	_ =	shalt  }
0x5c: {  	_ =	shalt  }
0x5d: {  	_ =	shalt  }
0x5e: {  	_ =	shalt  }
0x5f: {  	_ =	shalt  }
0x60: {  	_ =	shalt  }
0x61: {  	_ =	shalt  }
0x62: {  	_ =	shalt  }
0x63: {  	_ =	shalt  }
0x64: {  	_ =	shalt  }
0x65: {  	_ =	shalt  }
0x66: {  	_ =	shalt  }
0x67: {  	_ =	shalt  }
0x68: {  	_ =	shalt  }
0x69: {  	_ =	shalt  }
0x6a: {  	_ =	shalt  }
0x6b: {  	_ =	shalt  }
0x6c: {  	_ =	shalt  }
0x6d: {  	_ =	shalt  }
0x6e: {  	_ =	shalt  }
0x6f: {  	_ =	shalt  }
0x70: {  	_ =	shalt  }
0x71: {  	_ =	shalt  }
0x72: {  	_ =	shalt  }
0x73: {  	_ =	shalt  }
0x74: {  	_ =	shalt  }
0x75: {  	_ =	shalt  }
0x76: {  	_ =	shalt  }
0x77: {  	_ =	shalt  }
0x78: {  	_ =	shalt  }
0x79: {  	_ =	shalt  }
0x7a: {  	_ =	shalt  }
0x7b: {  	_ =	shalt  }
0x7c: {  	_ =	shalt  }
0x7d: {  	_ =	shalt  }
0x7e: {  	_ =	shalt  }
0x7f: {  	_ =	shalt  }
0x80: {  	_ =	shalt  }
0x81: {  	_ =	shalt  }
0x82: {  	_ =	shalt  }
0x83: {  	_ =	shalt  }
0x84: {  	_ =	shalt  }
0x85: {  	_ =	shalt  }
0x86: {  	_ =	shalt  }
0x87: {  	_ =	shalt  }
.Lfunc_end0:
.L_simem_size_0:
called_computation.3_lowered:
.L_overlay_start_0:
0x88: {  	s2 =	sld [smem:$0x3FD9]  }
0x89: {  	s3 =	sld [smem:$0x3FFE];
	_ =	sdelay $0x1  }
0x8a: {  	s1 =	srdreg.scid  }
0x8b: {  	s0 =	sand.u32 $0x1, s1  }
0x8c: {  	s16 =	sshll.u32 s0, $0xA;
	s2 =	sadd.s32 s3, s2  }
0x8d: {  	s2 =	sadd.s32 s2, s16  }
0x8e: {  	[smem:$0x3FBA] =	sst s2  }
0x8f: {  	_ = 	snop  }
0x90: {  	(tm) =	ssettm $0x1  }
0x91: {  	s17 =	sld [smem:$0x3FFB];
	_ =	sdelay $0x3  }
0x92: {  	_ =	strace s17  }
0x93: {  	s2 =	sld [smem:$0x3FFC];
	_ =	sdelay $0x3  }
0x94: {  	_ =	strace s2  }
0x95: {  	s2 =	sld [smem:$0x3FFD];
	_ =	sdelay $0x3  }
0x96: {  	_ =	strace s2  }
0x97: {  	_ =	strace $0x8FFFFFFF  }
0x98: {  	s18 =	sld [smem:$0x3FDB];
	_ =	sdelay $0x1  }
0x99: {  	s19 =	simm.s32 $_scs_section_size  }
0x9a: {  	s4 =	simm.s32 $_size__tile_overlayer_lowered;
	s5 =	simm.s32 $_tile_overlayer_lowered  }
0x9b: {  	s22 =	simm.s32 $0x1BFF;
	s21 =	sshll.u32 s5, $0x1;
	s2 =	sadd.s32 s19, s18  }
0x9c: {  	s6 =	simm.s32 $0x0;
	s20 =	sshll.u32 s4, $0x1;
	s4 =	sadd.s32 s21, s2  }
0x9d: {  	[timem:s6], [sflag:s22] =	dma.local [hbm:s4], s20  }
0x9e: {  	_ =	swait.ge [sflag:s22], s20  }
0x9f: {  	s3 =	ssub.s32 $0x0, s20;
	[sflag:s22] =	ssyncset.done $0x0  }
0xa0: {  	[sflag:s22] =	ssyncadd.s32 s3;
	_ =	sdelay $0x1  }
0xa1: {  	s23 =	simm.s32 $0x1B8B  }
0xa2: {  	_ =	swait.ge [sflag:s23], $0x1  }
0xa3: {  	[sflag:s23] =	ssyncset.done $0x0  }
0xa4: {  	s25 =	simm.s32 $0x1B8E;
	s24 =	sld [smem:$0x3FFE];
	[sflag:s23] =	ssyncadd.s32 $0xFFFFFFFF  }
0xa5: {  	s26 =	simm.s32 $execute0_lowered;
	[smem:$0x3FD2] =	sst s25  }
0xa6: {  	s4 =	sshll.u32 s26, $0x1;
	_ =	strace $0x8000004F;
	[dreg:$0x1] =	wrdreg $0xFFFFFFFF  }
0xa7: {  	s28 =	simm.s32 $_size_execute0_lowered;
	s2 =	sadd.s32 s2, s4;
	[dreg:$0x0] =	wrdreg $0x0  }
0xa8: {  	s4 =	sshll.u32 s28, $0x1;
	[dreg:$0x2] =	wrdreg s2  }
0xa9: {  	[dreg:$0x3] =	wrdreg s4  }
0xaa: {  	[dreg:$0x4] =	wrdreg $0xC0  }
0xab: {  	_ =	task [dreg:s6], $0x5FFFF  }
0xac: {  	[dreg:$0x1] =	wrdreg $0xFFFFFFFF  }
0xad: {  	[dreg:$0x0] =	wrdreg $0x60  }
0xae: {  	[dreg:$0x2] =	wrdreg s24  }
0xaf: {  	[dreg:$0x3] =	wrdreg $0xA4000  }
0xb0: {  	[dreg:$0x4] =	wrdreg $0x9  }
0xb1: {  	_ =	task.clear_ibuf [dreg:s6], $0x5FFFF;
	_ =	strace $0x9000004F  }
0xb2: {  	s29 =	simm.s32 $0x9;
	_ =	strace $0x80000051  }
0xb3: {  	_ =	swait.ge [sflag:s29], $0x1  }
0xb4: {  	[sflag:s29] =	ssyncadd.s32 $0xFFFFFFFF  }
0xb5: {  	_ =	strace $0x90000051  }
0xb6: {  	_ =	sfence  }
0xb7: {  	s30 =	sld [smem:$0x0];
	_ =	sdelay $0x2  }
0xb8: {  	s31 =	sshll.u32 s1, $0xD;
	s1 =	sshrl.u32 s1, $0x2  }
0xb9: {  	s3 =	sand.u32 $0x4000, s31;
	s1 =	sadd.s32 s1, s30  }
0xba: {  	s0 =	sor.u32 s3, s0;
	s1 =	sshll.u32 s1, $0x11  }
0xbb: {  	s0 =	sor.u32 s1, s0  }
0xbc: {  	s0 =	sadd.s32 $0x8F2B, s0  }
0xbd: {  	[sflag:s0] =	ssyncadd.remote.s32 $0x1  }
0xbe: {  	_ =	sfence.sel $0xFFFF  }
0xbf: {  	[dreg:$0x0] =	wrdreg $0xFFFFFFFF;
	(pc) =	sbr.abs _section_cstart, $3  }
0xc0: {  	[dreg:$0x1] =	wrdreg $0xFFFFFFFF  }
0xc1: {  	_ =	task.clear_ibuf [dreg:s6], $0x2FFFF;
	_ =	strace $0x9FFFFFFF  }
0xc2: {  	(tm) =	ssettm $0x7FFFFFFF  }
0xc3: {  	_ =	shalt  }
tec
execute0_lowered:
.L_overlay_start_1:
0x0: {  	(tag) =	ssettag $0x1  }
0x1: {  	s0 =	rddreg [dreg:$0x0]  }
0x2: {  	s2 =	rddreg [dreg:$0x1];
	s3 =	simm.s32 $0x0;
	s12 =	stileid.u32  }
0x3: {  	s5 =	srdreg.scid;
	s13 =	simm.s32 $0x50;
	s14 =	simm.s32 $0x400  }
0x4: {  	s15 =	simm.s32 $0x100;
	s16 =	simm.s32 $0x2C00;
	s17 =	simm.s32 $0x200  }
0x5: {  	s18 =	simm.s32 $0x5400;
	s19 =	simm.s32 $0x300;
	s28 =	simm.s32 $0x4  }
0x6: {  	s29 =	simm.s32 $0x380;
	s30 =	simm.s32 $0x5;
	s31 =	simm.s32 $0x0  }
0x7: {  	[smem:$0x7FF] =	sst s3;
	s1 =	smul.u32 $0x2800, s12;
	s4 =	sadd.s32 $0x3DA00, s0  }
0x8: {  	s10 =	sadd.s32 $0x8DA00, s0;
	s5 =	sand.u32 $0x1, s5;
	s11 =	smul.u32 $0x50000, s12  }
0x9: {  	s24 =	sshll.u32 s12, $0x6;
	_ =	strace $0x80000050;
	s7 =	smul.u32 $0x28000, s5  }
0xa: {  	s8 =	sshll.u32 s5, $0x4;
	s9 =	ssub.s32 $0x2, s5;
	s5 =	smul.u32 $0xFA00, s5  }
0xb: {  	s6 =	sadd.s32 s1, s0;
	s8 =	sor.u32 s12, s8;
	s20 =	sshrl.u32 s9, $0x1  }
0xc: {  	s22 =	sshrl.u32 s11, $0x2;
	s12 =	smul.u32 $0xFA0, s12;
	s1 =	sadd.s32 s1, s7  }
0xd: {  	s8 =	smul.u32 $0x7D00, s8;
	s21 =	ssub.s32 s9, s20;
	s11 =	sadd.s32 s22, s2  }
0xe: {  	s6 =	sadd.s32 $0x15A00, s6;
	s26 =	sadd.s32 s5, s10;
	s20 =	simm.s32 $0x7C00  }
0xf: {  	s22 =	simm.s32 $0x80;
	s0 =	sadd.s32 s1, s0;
	[dreg:$0x3] =	wrdreg s6  }
0x10: {  	s6 =	sor.u32 $0x1C06, s24;
	s9 =	smax.u32 s21, $0x1;
	s11 =	sshrl.u32 s11, $0x3  }
0x11: {  	s21 =	simm.s32 $0x1;
	s24 =	simm.s32 $0x180;
	s23 =	sshrl.u32 s8, $0x3  }
0x12: {  	s8 =	sadd.s32 s10, s23;
	s10 =	sadd.s32 s12, s26;
	s12 =	simm.s32 $0x6  }
0x13: {  	s23 =	simm.s32 $0x2;
	s26 =	simm.s32 $0x280;
	s25 =	sadd.s32 $0xF80, s8  }
0x14: {  	s8 =	sadd.s32 $0xACE00, s0;
	[dreg:$0x4] =	wrdreg s25;
	s25 =	simm.s32 $0x3  }
.LBB2_1:
0x15: {  	s0 =	rddreg [dreg:$0x3]  }
0x16: {  	[spmem:s11], [sflag:s6] =	dma.local [hbm:s0], $0x2800  }
0x17: {  	_ =	swait.ge [sflag:s12], $0x2800  }
0x18: {  	[sflag:s12] =	ssyncset.done $0x0  }
0x19: {  	[sflag:s12] =	ssyncadd.s32 $0xFFFFD800  }
0x1a: {  	s5 =	sadd.s32 $0x0, s10;
	[bflag:$0x0] =	sbarrier.arrive $0xFFFF  }
0x1b: {  	[tilespmem:s3], [sflag:$0x6] =	stream.linear.gather [hbm4b:s5+s3], $0x100, $0x38;
	[tilespmem:$0x1E400] =	vst v63  }
0x1c: {  	_ =	swait.ge [sflag:s12], $0x100  }
0x1d: {  	[sflag:s12] =	ssyncset.done $0x0  }
0x1e: {  	[sflag:s12] =	ssyncadd.s32 $0xFFFFFF00  }
0x1f: {  	[tilespmem:s14], [sflag:$0x1] =	stream.indirect.gather [hbm4b:s4+s13], $0x80, s3, s13, $0xb8;
	[tilespmem:$0x1E400] =	vst v63  }
0x20: {  	s1 =	sadd.s32 $0x20, s5  }
0x21: {  	[tilespmem:s15], [sflag:$0x6] =	stream.linear.gather [hbm4b:s1+s3], $0x100, $0x38;
	[tilespmem:$0x1E400] =	vst v63  }
0x22: {  	_ =	swait.ge [sflag:s12], $0x100  }
0x23: {  	[sflag:s12] =	ssyncset.done $0x0  }
0x24: {  	[sflag:s12] =	ssyncadd.s32 $0xFFFFFF00  }
0x25: {  	[tilespmem:s16], [sflag:$0x2] =	stream.indirect.gather [hbm4b:s4+s13], $0x80, s15, s13, $0xb8;
	[tilespmem:$0x1E400] =	vst v63  }
0x26: {  	s7 =	sadd.s32 $0x40, s5  }
0x27: {  	[tilespmem:s17], [sflag:$0x6] =	stream.linear.gather [hbm4b:s7+s3], $0x100, $0x38;
	[tilespmem:$0x1E400] =	vst v63  }
0x28: {  	_ =	swait.ge [sflag:s12], $0x100  }
0x29: {  	[sflag:s12] =	ssyncset.done $0x0  }
0x2a: {  	[sflag:s12] =	ssyncadd.s32 $0xFFFFFF00  }
0x2b: {  	[tilespmem:s18], [sflag:$0x3] =	stream.indirect.gather [hbm4b:s4+s13], $0x80, s17, s13, $0xb8;
	[tilespmem:$0x1E400] =	vst v63  }
0x2c: {  	s0 =	sadd.s32 $0x60, s5  }
0x2d: {  	[tilespmem:s19], [sflag:$0x6] =	stream.linear.gather [hbm4b:s0+s3], $0x100, $0x38;
	[tilespmem:$0x1E400] =	vst v63  }
0x2e: {  	_ =	swait.ge [sflag:s12], $0x100  }
0x2f: {  	[sflag:s12] =	ssyncset.done $0x0  }
0x30: {  	[sflag:s12] =	ssyncadd.s32 $0xFFFFFF00  }
0x31: {  	[tilespmem:s20], [sflag:$0x4] =	stream.indirect.gather [hbm4b:s4+s13], $0x80, s19, s13, $0xb8;
	[tilespmem:$0x1E400] =	vst v63  }
0x32: {  	_ =	swait.ge [sflag:s21], $0x2800  }
0x33: {  	[sflag:s21] =	ssyncset.done $0x0  }
0x34: {  	[sflag:s21] =	ssyncadd.s32 $0xFFFFD800  }
0x35: {  	[spmem:s2] =	stream.indirect.scatter.add.f32 [tilespmem:s14], [sflag:$0x5], $0x80, s22, s13, $0xb8;
	[tilespmem:$0x1E400] =	vst v63  }
0x36: {  	_ =	swait.ge [sflag:s23], $0x2800  }
0x37: {  	[sflag:s23] =	ssyncset.done $0x0  }
0x38: {  	[sflag:s23] =	ssyncadd.s32 $0xFFFFD800  }
0x39: {  	[spmem:s2] =	stream.indirect.scatter.add.f32 [tilespmem:s16], [sflag:$0x5], $0x80, s24, s13, $0xb8;
	[tilespmem:$0x1E400] =	vst v63  }
0x3a: {  	_ =	swait.ge [sflag:s25], $0x2800  }
0x3b: {  	[sflag:s25] =	ssyncset.done $0x0  }
0x3c: {  	[sflag:s25] =	ssyncadd.s32 $0xFFFFD800  }
0x3d: {  	[spmem:s2] =	stream.indirect.scatter.add.f32 [tilespmem:s18], [sflag:$0x5], $0x80, s26, s13, $0xb8;
	[tilespmem:$0x1E400] =	vst v63  }
0x3e: {  	_ =	swait.ge [sflag:s28], $0x2800  }
0x3f: {  	[sflag:s28] =	ssyncset.done $0x0  }
0x40: {  	[sflag:s28] =	ssyncadd.s32 $0xFFFFD800  }
0x41: {  	[spmem:s2] =	stream.indirect.scatter.add.f32 [tilespmem:s20], [sflag:$0x5], $0x80, s29, s13, $0xb8;
	[tilespmem:$0x1E400] =	vst v63  }
0x42: {  	_ =	swait.ge [sflag:s30], $0x2800  }
0x43: {  	[sflag:s30] =	ssyncset.done $0x0  }
0x44: {  	[sflag:s30] =	ssyncadd.s32 $0xFFFFD800  }
0x45: {  	_ =	swait.ge [sflag:s30], $0x2800  }
0x46: {  	[sflag:s30] =	ssyncset.done $0x0  }
0x47: {  	[sflag:s30] =	ssyncadd.s32 $0xFFFFD800  }
0x48: {  	_ =	swait.ge [sflag:s30], $0x2800  }
0x49: {  	[sflag:s30] =	ssyncset.done $0x0  }
0x4a: {  	[sflag:s30] =	ssyncadd.s32 $0xFFFFD800  }
0x4b: {  	_ =	swait.ge [sflag:s30], $0x2800  }
0x4c: {  	s1 =	simm.s32 $0x100;
	s0 =	simm.s32 $0x80;
	[sflag:s30] =	ssyncset.done $0x0  }
.LBB2_2:
0x4d: {  	s7 =	sadd.s32 s0, s10  }
0x4e: {  	[sflag:s30] =	ssyncadd.s32 $0xFFFFD800;
	s0 =	smov.u32 s1;
	s5 =	sadd.s32 $0x80, s1  }
0x4f: {  	[tilespmem:s3], [sflag:$0x6] =	stream.linear.gather [hbm4b:s7+s3], $0x100, $0x38;
	[tilespmem:$0x1E400] =	vst v63  }
0x50: {  	p0 =	sne.s32 s1, $0xF00;
	_ =	swait.ge [sflag:s12], $0x100  }
0x51: {  	[sflag:s12] =	ssyncset.done $0x0  }
0x52: {  	[sflag:s12] =	ssyncadd.s32 $0xFFFFFF00  }
0x53: {  	[tilespmem:s14], [sflag:$0x1] =	stream.indirect.gather [hbm4b:s4+s13], $0x80, s3, s13, $0xb8;
	[tilespmem:$0x1E400] =	vst v63  }
0x54: {  	s1 =	sadd.s32 $0x20, s7  }
0x55: {  	[tilespmem:s15], [sflag:$0x6] =	stream.linear.gather [hbm4b:s1+s3], $0x100, $0x38;
	[tilespmem:$0x1E400] =	vst v63  }
0x56: {  	_ =	swait.ge [sflag:s12], $0x100  }
0x57: {  	[sflag:s12] =	ssyncset.done $0x0  }
0x58: {  	[sflag:s12] =	ssyncadd.s32 $0xFFFFFF00  }
0x59: {  	[tilespmem:s16], [sflag:$0x2] =	stream.indirect.gather [hbm4b:s4+s13], $0x80, s15, s13, $0xb8;
	[tilespmem:$0x1E400] =	vst v63  }
0x5a: {  	s1 =	sadd.s32 $0x40, s7  }
0x5b: {  	[tilespmem:s17], [sflag:$0x6] =	stream.linear.gather [hbm4b:s1+s3], $0x100, $0x38;
	[tilespmem:$0x1E400] =	vst v63  }
0x5c: {  	_ =	swait.ge [sflag:s12], $0x100  }
0x5d: {  	[sflag:s12] =	ssyncset.done $0x0  }
0x5e: {  	[sflag:s12] =	ssyncadd.s32 $0xFFFFFF00  }
0x5f: {  	[tilespmem:s18], [sflag:$0x3] =	stream.indirect.gather [hbm4b:s4+s13], $0x80, s17, s13, $0xb8;
	[tilespmem:$0x1E400] =	vst v63  }
0x60: {  	s1 =	sadd.s32 $0x60, s7  }
0x61: {  	[tilespmem:s19], [sflag:$0x6] =	stream.linear.gather [hbm4b:s1+s3], $0x100, $0x38;
	[tilespmem:$0x1E400] =	vst v63  }
0x62: {  	_ =	swait.ge [sflag:s12], $0x100  }
0x63: {  	[sflag:s12] =	ssyncset.done $0x0  }
0x64: {  	[sflag:s12] =	ssyncadd.s32 $0xFFFFFF00  }
0x65: {  	[tilespmem:s20], [sflag:$0x4] =	stream.indirect.gather [hbm4b:s4+s13], $0x80, s19, s13, $0xb8;
	[tilespmem:$0x1E400] =	vst v63  }
0x66: {  	_ =	swait.ge [sflag:s21], $0x2800  }
0x67: {  	[sflag:s21] =	ssyncset.done $0x0  }
0x68: {  	[sflag:s21] =	ssyncadd.s32 $0xFFFFD800  }
0x69: {  	[spmem:s2] =	stream.indirect.scatter.add.f32 [tilespmem:s14], [sflag:$0x5], $0x80, s22, s13, $0xb8;
	[tilespmem:$0x1E400] =	vst v63  }
0x6a: {  	_ =	swait.ge [sflag:s23], $0x2800  }
0x6b: {  	[sflag:s23] =	ssyncset.done $0x0  }
0x6c: {  	[sflag:s23] =	ssyncadd.s32 $0xFFFFD800  }
0x6d: {  	[spmem:s2] =	stream.indirect.scatter.add.f32 [tilespmem:s16], [sflag:$0x5], $0x80, s24, s13, $0xb8;
	[tilespmem:$0x1E400] =	vst v63  }
0x6e: {  	_ =	swait.ge [sflag:s25], $0x2800  }
0x6f: {  	[sflag:s25] =	ssyncset.done $0x0  }
0x70: {  	[sflag:s25] =	ssyncadd.s32 $0xFFFFD800  }
0x71: {  	[spmem:s2] =	stream.indirect.scatter.add.f32 [tilespmem:s18], [sflag:$0x5], $0x80, s26, s13, $0xb8;
	[tilespmem:$0x1E400] =	vst v63  }
0x72: {  	_ =	swait.ge [sflag:s28], $0x2800  }
0x73: {  	[sflag:s28] =	ssyncset.done $0x0  }
0x74: {  	[sflag:s28] =	ssyncadd.s32 $0xFFFFD800  }
0x75: {  	[spmem:s2] =	stream.indirect.scatter.add.f32 [tilespmem:s20], [sflag:$0x5], $0x80, s29, s13, $0xb8;
	[tilespmem:$0x1E400] =	vst v63  }
0x76: {  	_ =	swait.ge [sflag:s30], $0x2800  }
0x77: {  	[sflag:s30] =	ssyncset.done $0x0  }
0x78: {  	[sflag:s30] =	ssyncadd.s32 $0xFFFFD800  }
0x79: {  	_ =	swait.ge [sflag:s30], $0x2800  }
0x7a: {  	[sflag:s30] =	ssyncset.done $0x0  }
0x7b: {  	[sflag:s30] =	ssyncadd.s32 $0xFFFFD800  }
.Ltmp0:
0x7c: {  	_ =	swait.ge [sflag:s30], $0x2800;
	(pc) =	sbr.rel @p0 .LBB2_2-.Ltmp0, $4  }
0x7d: {  	[sflag:s30] =	ssyncset.done $0x0  }
0x7e: {  	[sflag:s30] =	ssyncadd.s32 $0xFFFFD800  }
0x7f: {  	_ =	swait.ge [sflag:s30], $0x2800  }
0x80: {  	s1 =	smov.u32 s5;
	[sflag:s30] =	ssyncset.done $0x0  }
0x81: {  	s0 =	sadd.s32 s0, s10;
	[sflag:s30] =	ssyncadd.s32 $0xFFFFD800  }
0x82: {  	[tilespmem:s3], [sflag:$0x6] =	stream.linear.gather [hbm4b:s0+s3], $0x100, $0x38;
	[tilespmem:$0x1E400] =	vst v63  }
0x83: {  	_ =	swait.ge [sflag:s12], $0x100  }
0x84: {  	[sflag:s12] =	ssyncset.done $0x0  }
0x85: {  	[sflag:s12] =	ssyncadd.s32 $0xFFFFFF00  }
0x86: {  	[tilespmem:s14], [sflag:$0x1] =	stream.indirect.gather [hbm4b:s4+s13], $0x80, s3, s13, $0xb8;
	[tilespmem:$0x1E400] =	vst v63  }
0x87: {  	s1 =	sadd.s32 $0x20, s0  }
0x88: {  	[tilespmem:s15], [sflag:$0x6] =	stream.linear.gather [hbm4b:s1+s3], $0x100, $0x38;
	[tilespmem:$0x1E400] =	vst v63  }
0x89: {  	_ =	swait.ge [sflag:s12], $0x100  }
0x8a: {  	[sflag:s12] =	ssyncset.done $0x0  }
0x8b: {  	[sflag:s12] =	ssyncadd.s32 $0xFFFFFF00  }
0x8c: {  	[tilespmem:s16], [sflag:$0x2] =	stream.indirect.gather [hbm4b:s4+s13], $0x80, s15, s13, $0xb8;
	[tilespmem:$0x1E400] =	vst v63  }
0x8d: {  	s5 =	sadd.s32 $0x40, s0  }
0x8e: {  	[tilespmem:s17], [sflag:$0x6] =	stream.linear.gather [hbm4b:s5+s3], $0x100, $0x38;
	[tilespmem:$0x1E400] =	vst v63  }
0x8f: {  	_ =	swait.ge [sflag:s12], $0x100  }
0x90: {  	[sflag:s12] =	ssyncset.done $0x0  }
0x91: {  	[sflag:s12] =	ssyncadd.s32 $0xFFFFFF00  }
0x92: {  	[tilespmem:s18], [sflag:$0x3] =	stream.indirect.gather [hbm4b:s4+s13], $0x80, s17, s13, $0xb8;
	[tilespmem:$0x1E400] =	vst v63  }
0x93: {  	s0 =	sadd.s32 $0x60, s0  }
0x94: {  	[tilespmem:s19], [sflag:$0x6] =	stream.linear.gather [hbm4b:s0+s3], $0x100, $0x38;
	[tilespmem:$0x1E400] =	vst v63  }
0x95: {  	_ =	swait.ge [sflag:s12], $0x100  }
0x96: {  	[sflag:s12] =	ssyncset.done $0x0  }
0x97: {  	[sflag:s12] =	ssyncadd.s32 $0xFFFFFF00  }
0x98: {  	[tilespmem:s20], [sflag:$0x4] =	stream.indirect.gather [hbm4b:s4+s13], $0x80, s19, s13, $0xb8;
	[tilespmem:$0x1E400] =	vst v63  }
0x99: {  	_ =	swait.ge [sflag:s21], $0x2800  }
0x9a: {  	[sflag:s21] =	ssyncset.done $0x0  }
0x9b: {  	[sflag:s21] =	ssyncadd.s32 $0xFFFFD800  }
0x9c: {  	[spmem:s2] =	stream.indirect.scatter.add.f32 [tilespmem:s14], [sflag:$0x5], $0x80, s22, s13, $0xb8;
	[tilespmem:$0x1E400] =	vst v63  }
0x9d: {  	_ =	swait.ge [sflag:s23], $0x2800  }
0x9e: {  	[sflag:s23] =	ssyncset.done $0x0  }
0x9f: {  	[sflag:s23] =	ssyncadd.s32 $0xFFFFD800  }
0xa0: {  	[spmem:s2] =	stream.indirect.scatter.add.f32 [tilespmem:s16], [sflag:$0x5], $0x80, s24, s13, $0xb8;
	[tilespmem:$0x1E400] =	vst v63  }
0xa1: {  	_ =	swait.ge [sflag:s25], $0x2800  }
0xa2: {  	[sflag:s25] =	ssyncset.done $0x0  }
0xa3: {  	[sflag:s25] =	ssyncadd.s32 $0xFFFFD800  }
0xa4: {  	[spmem:s2] =	stream.indirect.scatter.add.f32 [tilespmem:s18], [sflag:$0x5], $0x80, s26, s13, $0xb8;
	[tilespmem:$0x1E400] =	vst v63  }
0xa5: {  	_ =	swait.ge [sflag:s28], $0x2800  }
0xa6: {  	[sflag:s28] =	ssyncset.done $0x0  }
0xa7: {  	[sflag:s28] =	ssyncadd.s32 $0xFFFFD800  }
0xa8: {  	[spmem:s2] =	stream.indirect.scatter.add.f32 [tilespmem:s20], [sflag:$0x5], $0x80, s29, s13, $0xb8;
	[tilespmem:$0x1E400] =	vst v63  }
0xa9: {  	_ =	swait.ge [sflag:s30], $0x2800  }
0xaa: {  	[sflag:s30] =	ssyncset.done $0x0  }
0xab: {  	[sflag:s30] =	ssyncadd.s32 $0xFFFFD800  }
0xac: {  	_ =	swait.ge [sflag:s30], $0x2800  }
0xad: {  	[sflag:s30] =	ssyncset.done $0x0  }
0xae: {  	[sflag:s30] =	ssyncadd.s32 $0xFFFFD800  }
0xaf: {  	_ =	swait.ge [sflag:s30], $0x2800  }
0xb0: {  	[sflag:s30] =	ssyncset.done $0x0  }
0xb1: {  	[sflag:s30] =	ssyncadd.s32 $0xFFFFD800  }
0xb2: {  	_ =	swait.ge [sflag:s30], $0x2800  }
0xb3: {  	[sflag:s30] =	ssyncset.done $0x0  }
0xb4: {  	s7 =	rddreg [dreg:$0x4];
	[sflag:s30] =	ssyncadd.s32 $0xFFFFD800  }
0xb5: {  	[tilespmem:s3], [sflag:$0x6] =	stream.linear.gather [hbm4b:s7+s3], $0x100, $0x38;
	[tilespmem:$0x1E400] =	vst v63  }
0xb6: {  	_ =	swait.ge [sflag:s12], $0x100  }
0xb7: {  	[sflag:s12] =	ssyncset.done $0x0  }
0xb8: {  	[sflag:s12] =	ssyncadd.s32 $0xFFFFFF00  }
0xb9: {  	[tilespmem:s14], [sflag:$0x1] =	stream.indirect.gather [hbm4b:s4+s13], $0x80, s3, s13, $0xb8;
	[tilespmem:$0x1E400] =	vst v63  }
0xba: {  	_ =	swait.ge [sflag:s21], $0x2800  }
0xbb: {  	[sflag:s21] =	ssyncset.done $0x0  }
0xbc: {  	[sflag:s21] =	ssyncadd.s32 $0xFFFFD800  }
0xbd: {  	[spmem:s2] =	stream.indirect.scatter.add.f32 [tilespmem:s14], [sflag:$0x6], $0x80, s22, s13, $0xb8;
	[tilespmem:$0x1E400] =	vst v63  }
0xbe: {  	_ =	swait.ge [sflag:s12], $0x2800  }
0xbf: {  	s31 =	sadd.s32 $0x1, s31;
	[sflag:s12] =	ssyncset.done $0x0  }
0xc0: {  	p0 =	sne.s32 s31, s9;
	[sflag:s12] =	ssyncadd.s32 $0xFFFFD800  }
.Ltmp1:
0xc1: {  	[bflag:$0x0] =	sbarrier.arrive $0xFFFF;
	(pc) =	sbr.rel @p0 .LBB2_1-.Ltmp1, $4  }
0xc2: {  	[hbm:s8], [sflag:s6] =	dma.local [spmem:s11], $0x2800  }
0xc3: {  	_ =	swait.ge [sflag:s12], $0x2800  }
0xc4: {  	[sflag:s12] =	ssyncset.done $0x0  }
0xc5: {  	[sflag:s12] =	ssyncadd.s32 $0xFFFFD800  }
0xc6: {  	_ =	sfence.sel $0x180000  }
0xc7: {  	[bflag:$0x0] =	sbarrier.arrive $0xFFFF  }
0xc8: {  	_ =	strace $0x90000050  }
0xc9: {  	s0 =	stileid.u32;
	[bflag:$0x2] =	sbarrier.arrive $0xFFFF  }
0xca: {  	p0 =	sne.s32 s0, $0x0;
	s0 =	rddreg [dreg:$0x2]  }
0xcb: {  	s0 =	sadd.s32 @!p0 $0x100000, s0  }
0xcc: {  	[sflag:s0] =	ssyncadd.tile.s32 @!p0 $0x1;
	_ =	shalt  }
.Lfunc_end2:
_tile_overlayer_lowered:
.L_overlay_start_2:
0xcd: {  	(tag) =	ssettag $0x2  }
0xce: {  	s0 =	rddreg [dreg:$0x0];
	s2 =	stileid.u32  }
0xcf: {  	s1 =	rddreg [dreg:$0x1];
	p0 =	sne.s32 s2, $0x0  }
0xd0: {  	s3 =	rddreg [dreg:$0x2];
	[bflag:$0x3] =	sbarrier.arrive $0xFFFF;
	s2 =	simm.s32 @!p0 $0x1C06  }
0xd1: {  	[timem:s3], [sflag:s2] =	dma.local @!p0 [hbm:s0], s1  }
0xd2: {  	s0 =	simm.s32 @!p0 $0x6  }
0xd3: {  	_ =	swait.ge @!p0 [sflag:s0], s1  }
0xd4: {  	s1 =	ssub.s32 @!p0 $0x0, s1;
	[sflag:s0] =	ssyncset.done @!p0 $0x0  }
0xd5: {  	[sflag:s0] =	ssyncadd.s32 @!p0 s1  }
0xd6: {  	[bflag:$0x3] =	sbarrier.arrive $0xFFFF  }
0xd7: {  	_ =	shalt  }

</sc_bundles>
